<compile_context>
chip_gen: v7x
topology: tpu7x:2x2x1
jax: 0.10.2.dev20260603
libtpu: 0.0.44.dev20260713+nightly
codegen_flags: <defaults>
</compile_context>

<pallas_src>
import functools

import jax
import jax.numpy as jnp
from jax import lax
from jax.experimental import pallas as pl
from jax.experimental.pallas import tpu as pltpu
from jax.experimental.pallas import tpu_sc as plsc

BATCH = 16384
DIM = 32
NROWS = 1000000
HALF = 524288
NC = 2
NS = 16
NW = NC * NS
BPW = BATCH // NW
CHUNK = 128
NCHUNK = BPW // CHUNK

BLK = 32768
NBLK = HALF // BLK
HB = HALF // BLK
LAST = (NROWS + BLK - 1) // BLK - 1


def _matvec_body(tma_ref, tmb_ref, tua_ref, tub_ref, wm_ref, wu_ref,
                 sma_ref, smb_ref, sua_ref, sub_ref):
  sma_ref[...] = jnp.dot(wm_ref[...], tma_ref[...],
                         preferred_element_type=jnp.float32)[0]
  smb_ref[...] = jnp.dot(wm_ref[...], tmb_ref[...],
                         preferred_element_type=jnp.float32)[0]
  sua_ref[...] = jnp.dot(wu_ref[...], tua_ref[...],
                         preferred_element_type=jnp.float32)[0]
  sub_ref[...] = jnp.dot(wu_ref[...], tub_ref[...],
                         preferred_element_type=jnp.float32)[0]


def _hi_map(i):
  return (0, jnp.minimum(i + HB, LAST))


def _matvec(tm, tu, wm, wu):
  return pl.pallas_call(
      _matvec_body,
      grid=(NBLK,),
      in_specs=[
          pl.BlockSpec((DIM, BLK), lambda i: (0, i)),
          pl.BlockSpec((DIM, BLK), _hi_map),
          pl.BlockSpec((DIM, BLK), lambda i: (0, i)),
          pl.BlockSpec((DIM, BLK), _hi_map),
          pl.BlockSpec((8, DIM), lambda i: (0, 0)),
          pl.BlockSpec((8, DIM), lambda i: (0, 0)),
      ],
      out_specs=[
          pl.BlockSpec((BLK,), lambda i: (i,)),
          pl.BlockSpec((BLK,), lambda i: (i,)),
          pl.BlockSpec((BLK,), lambda i: (i,)),
          pl.BlockSpec((BLK,), lambda i: (i,)),
      ],
      out_shape=[
          jax.ShapeDtypeStruct((HALF,), jnp.float32),
          jax.ShapeDtypeStruct((HALF,), jnp.float32),
          jax.ShapeDtypeStruct((HALF,), jnp.float32),
          jax.ShapeDtypeStruct((HALF,), jnp.float32),
      ],
  )(tm, tm, tu, tu, wm, wu)


def _sc_body(midx_hbm, uidx_hbm, sma_hbm, smb_hbm, sua_hbm, sub_hbm, bb_hbm,
             out_hbm, midx_v, uidx_v, midxl_v, uidxl_v,
             gma_v, gmb_v, gua_v, gub_v, bb_v, out_v, sem):
  wid = lax.axis_index("s") * NC + lax.axis_index("c")
  base = pl.multiple_of(wid * BPW, BPW)

  pltpu.sync_copy(midx_hbm.at[pl.ds(base, BPW)], midx_v)
  pltpu.sync_copy(uidx_hbm.at[pl.ds(base, BPW)], uidx_v)
  pltpu.sync_copy(bb_hbm, bb_v)

  for k in range(BPW // 16):
    sl = pl.ds(k * 16, 16)
    midxl_v[sl] = jnp.bitwise_and(midx_v[sl], HALF - 1)
    uidxl_v[sl] = jnp.bitwise_and(uidx_v[sl], HALF - 1)

  handles = []
  for j in range(NCHUNK):
    sl = pl.ds(j * CHUNK, CHUNK)
    handles.append(pltpu.async_copy(sma_hbm.at[midxl_v.at[sl]], gma_v.at[sl], sem))
    handles.append(pltpu.async_copy(smb_hbm.at[midxl_v.at[sl]], gmb_v.at[sl], sem))
    handles.append(pltpu.async_copy(sua_hbm.at[uidxl_v.at[sl]], gua_v.at[sl], sem))
    handles.append(pltpu.async_copy(sub_hbm.at[uidxl_v.at[sl]], gub_v.at[sl], sem))
  for h in handles:
    h.wait()

  bvec = bb_v[...]
  for k in range(BPW // 16):
    sl = pl.ds(k * 16, 16)
    vm = jnp.where(midx_v[sl] < HALF, gma_v[sl], gmb_v[sl])
    vu = jnp.where(uidx_v[sl] < HALF, gua_v[sl], gub_v[sl])
    out_v[sl] = vm + vu + bvec

  pltpu.sync_copy(out_v, out_hbm.at[pl.ds(base, BPW)])


def _sc_gather_add(midx, uidx, sma, smb, sua, sub, bb):
  mesh = plsc.VectorSubcoreMesh(core_axis_name="c", subcore_axis_name="s")
  return pl.kernel(
      _sc_body,
      out_type=jax.ShapeDtypeStruct((BATCH,), jnp.float32),
      mesh=mesh,
      scratch_types=[
          pltpu.VMEM((BPW,), jnp.int32),
          pltpu.VMEM((BPW,), jnp.int32),
          pltpu.VMEM((BPW,), jnp.int32),
          pltpu.VMEM((BPW,), jnp.int32),
          pltpu.VMEM((BPW,), jnp.float32),
          pltpu.VMEM((BPW,), jnp.float32),
          pltpu.VMEM((BPW,), jnp.float32),
          pltpu.VMEM((BPW,), jnp.float32),
          pltpu.VMEM((16,), jnp.float32),
          pltpu.VMEM((BPW,), jnp.float32),
          pltpu.SemaphoreType.DMA,
      ],
  )(midx, uidx, sma, smb, sua, sub, bb)


def kernel(user_index, movie_index, movie_table, user_table, W, b):
  tm = movie_table.T
  tu = user_table.T
  wm = jnp.zeros((8, DIM), jnp.float32).at[0].set(W[:DIM, 0])
  wu = jnp.zeros((8, DIM), jnp.float32).at[0].set(W[DIM:, 0])
  bb = jnp.broadcast_to(b.reshape(1), (16,)).astype(jnp.float32)
  sma, smb, sua, sub = _matvec(tm, tu, wm, wu)
  return _sc_gather_add(movie_index.astype(jnp.int32),
                        user_index.astype(jnp.int32), sma, smb, sua, sub, bb)

# --- scband reference (transcript-rebuilt; emitter-appended) ---
"""Pipeline reference for scband-recommendation-model-47639777247840 (READ-ONLY COPY).

The authoritative reference and input builder live on the scoring server;
editing this copy changes nothing except your own understanding.
"""

import jax, jax.numpy as jnp
import numpy as np

NUM_USERS = 1000000
NUM_MOVIES = 1000000
MOVIE_DIM = 32
USER_DIM = 32
BATCH = 16384


def setup_inputs(seed: int = 0) -> dict:
    key = jax.random.key(seed)
    k1, k2, k3, k4, k5, k6 = jax.random.split(key, 6)
    user_index = jax.random.randint(k1, (BATCH,), 0, NUM_USERS, dtype=jnp.int64 if jax.config.jax_enable_x64 else jnp.int32)
    movie_index = jax.random.randint(k2, (BATCH,), 0, NUM_MOVIES, dtype=jnp.int64 if jax.config.jax_enable_x64 else jnp.int32)
    movie_table = jax.random.normal(k3, (NUM_MOVIES, MOVIE_DIM), dtype=jnp.float32)
    user_table = jax.random.normal(k4, (NUM_USERS, USER_DIM), dtype=jnp.float32)
    W = jax.random.normal(k5, (MOVIE_DIM + USER_DIM, 1), dtype=jnp.float32) * (1.0 / np.sqrt(MOVIE_DIM + USER_DIM))
    b = jax.random.normal(k6, (1,), dtype=jnp.float32) * 0.01
    return {"user_index": user_index, "movie_index": movie_index, "movie_table": movie_table, "user_table": user_table, "W": W, "b": b}


def reference(user_index, movie_index, movie_table, user_table, W, b):
    movie_embedding = jnp.take(movie_table, movie_index, axis=0)
    user_embedding = jnp.take(user_table, user_index, axis=0)
    concatenated = jnp.concatenate([movie_embedding, user_embedding], axis=1)
    out = concatenated @ W + b
    return jnp.squeeze(out, axis=1)

if __name__ == "__main__":
    import jax
    _d = setup_inputs()
    print(jax.jit(kernel)(*tuple(_d.values())))

</pallas_src>

<mosaic_0001>
#map = affine_map<(d0, d1) -> (0)>
module attributes {stable_mosaic.version = 14 : i64} {
  func.func @_sc_body(%arg0: i32, %arg1: i32, %arg2: memref<16384xi32, #tpu.memory_space<hbm>>, %arg3: memref<16384xi32, #tpu.memory_space<hbm>>, %arg4: memref<524288xf32, #tpu.memory_space<hbm>>, %arg5: memref<524288xf32, #tpu.memory_space<hbm>>, %arg6: memref<524288xf32, #tpu.memory_space<hbm>>, %arg7: memref<524288xf32, #tpu.memory_space<hbm>>, %arg8: memref<16xf32, #tpu.memory_space<hbm>>, %arg9: memref<16384xf32, #tpu.memory_space<hbm>>, %arg10: memref<512xi32, #tpu.memory_space<vmem>>, %arg11: memref<512xi32, #tpu.memory_space<vmem>>, %arg12: memref<512xi32, #tpu.memory_space<vmem>>, %arg13: memref<512xi32, #tpu.memory_space<vmem>>, %arg14: memref<512xf32, #tpu.memory_space<vmem>>, %arg15: memref<512xf32, #tpu.memory_space<vmem>>, %arg16: memref<512xf32, #tpu.memory_space<vmem>>, %arg17: memref<512xf32, #tpu.memory_space<vmem>>, %arg18: memref<16xf32, #tpu.memory_space<vmem>>, %arg19: memref<512xf32, #tpu.memory_space<vmem>>, %arg20: memref<!tpu.dma_semaphore, #tpu.memory_space<semaphore_mem>>) attributes {dimension_semantics = [#tpu.dimension_semantics<core_parallel>, #tpu.dimension_semantics<subcore_parallel>], iteration_bounds = array<i64: 2, 16>, scalar_prefetch = 0 : i64, scratch_operands = 11 : i64, tpu.core_type = #tpu.core_type<sc_vector_subcore>, window_params = [{transform_indices = #map}, {transform_indices = #map}, {transform_indices = #map}, {transform_indices = #map}, {transform_indices = #map}, {transform_indices = #map}, {transform_indices = #map}, {transform_indices = #map}]} {
    %mul3A = arith.constant 2 : i32
    %mul3A_0 = arith.muli %arg1, %mul3A : i32
    %add3A = arith.addi %mul3A_0, %arg0 : i32
    %mul3A_1 = arith.constant 512 : i32
    %mul3A_2 = arith.muli %add3A, %mul3A_1 : i32
    %multiple_of3A = tpu.assume_multiple %mul3A_2, 512 : i32
    "tpu.region"() ({
      %run_scoped3A = tpu.sem_alloc : memref<!tpu.dma_semaphore, #tpu.memory_space<semaphore_mem>>
      %dma_start3A_1855 = tpu.memref_slice %arg2[%multiple_of3A] : memref<16384xi32, #tpu.memory_space<hbm>> -> memref<512xi32, #tpu.memory_space<hbm>>
      %dma_start3A_1856 = tpu.memref_slice %arg2[%multiple_of3A] : memref<16384xi32, #tpu.memory_space<hbm>> -> memref<512xi32, #tpu.memory_space<hbm>>
      tpu.enqueue_dma source(%dma_start3A_1856 : memref<512xi32, #tpu.memory_space<hbm>>) target(%arg10 : memref<512xi32, #tpu.memory_space<vmem>>) target_semaphore(%run_scoped3A : memref<!tpu.dma_semaphore, #tpu.memory_space<semaphore_mem>>)
      %dma_wait3A_1857 = tpu.memref_slice %arg2[%multiple_of3A] : memref<16384xi32, #tpu.memory_space<hbm>> -> memref<512xi32, #tpu.memory_space<hbm>>
      %dma_wait3A_1858 = tpu.memref_slice %arg2[%multiple_of3A] : memref<16384xi32, #tpu.memory_space<hbm>> -> memref<512xi32, #tpu.memory_space<hbm>>
      tpu.wait_dma2 semaphore(%run_scoped3A : memref<!tpu.dma_semaphore, #tpu.memory_space<semaphore_mem>>) src(%dma_wait3A_1858 : memref<512xi32, #tpu.memory_space<hbm>>) dst(%arg10 : memref<512xi32, #tpu.memory_space<vmem>>)
      tpu.yield
    }) : () -> ()
    "tpu.region"() ({
      %run_scoped3A = tpu.sem_alloc : memref<!tpu.dma_semaphore, #tpu.memory_space<semaphore_mem>>
      %dma_start3A_1855 = tpu.memref_slice %arg3[%multiple_of3A] : memref<16384xi32, #tpu.memory_space<hbm>> -> memref<512xi32, #tpu.memory_space<hbm>>
      %dma_start3A_1856 = tpu.memref_slice %arg3[%multiple_of3A] : memref<16384xi32, #tpu.memory_space<hbm>> -> memref<512xi32, #tpu.memory_space<hbm>>
      tpu.enqueue_dma source(%dma_start3A_1856 : memref<512xi32, #tpu.memory_space<hbm>>) target(%arg11 : memref<512xi32, #tpu.memory_space<vmem>>) target_semaphore(%run_scoped3A : memref<!tpu.dma_semaphore, #tpu.memory_space<semaphore_mem>>)
      %dma_wait3A_1857 = tpu.memref_slice %arg3[%multiple_of3A] : memref<16384xi32, #tpu.memory_space<hbm>> -> memref<512xi32, #tpu.memory_space<hbm>>
      %dma_wait3A_1858 = tpu.memref_slice %arg3[%multiple_of3A] : memref<16384xi32, #tpu.memory_space<hbm>> -> memref<512xi32, #tpu.memory_space<hbm>>
      tpu.wait_dma2 semaphore(%run_scoped3A : memref<!tpu.dma_semaphore, #tpu.memory_space<semaphore_mem>>) src(%dma_wait3A_1858 : memref<512xi32, #tpu.memory_space<hbm>>) dst(%arg11 : memref<512xi32, #tpu.memory_space<vmem>>)
      tpu.yield
    }) : () -> ()
    "tpu.region"() ({
      %run_scoped3A = tpu.sem_alloc : memref<!tpu.dma_semaphore, #tpu.memory_space<semaphore_mem>>
      tpu.enqueue_dma source(%arg8 : memref<16xf32, #tpu.memory_space<hbm>>) target(%arg18 : memref<16xf32, #tpu.memory_space<vmem>>) target_semaphore(%run_scoped3A : memref<!tpu.dma_semaphore, #tpu.memory_space<semaphore_mem>>)
      tpu.wait_dma2 semaphore(%run_scoped3A : memref<!tpu.dma_semaphore, #tpu.memory_space<semaphore_mem>>) src(%arg8 : memref<16xf32, #tpu.memory_space<hbm>>) dst(%arg18 : memref<16xf32, #tpu.memory_space<vmem>>)
      tpu.yield
    }) : () -> ()
    %get3A = arith.constant 0 : index
    %get3A_3 = tpu.vector_load %arg10[%get3A] {strides = array<i32>} : memref<512xi32, #tpu.memory_space<vmem>>, vector<16xi32>,
    %get3A_4 = vector.shape_cast %get3A_3 : vector<16xi32> to vector<16xi32>
    %and3A = arith.constant 524287 : i32
    %and3A_5 = vector.broadcast %and3A : i32 to vector<16xi32>
    %and3A_6 = arith.andi %get3A_4, %and3A_5 : vector<16xi32>
    %swap3A = arith.constant 0 : index
    %swap3A_7 = tpu.vector_load %arg12[%swap3A] {strides = array<i32>} : memref<512xi32, #tpu.memory_space<vmem>>, vector<16xi32>,
    %swap3A_8 = vector.shape_cast %swap3A_7 : vector<16xi32> to vector<16xi32>
    %swap3A_9 = vector.shape_cast %and3A_6 : vector<16xi32> to vector<16xi32>
    tpu.vector_store %arg12[%swap3A], %swap3A_9 {strides = array<i32>} : memref<512xi32, #tpu.memory_space<vmem>>, vector<16xi32>,
    %get3A_10 = arith.constant 0 : index
    %get3A_11 = tpu.vector_load %arg11[%get3A_10] {strides = array<i32>} : memref<512xi32, #tpu.memory_space<vmem>>, vector<16xi32>,
    %get3A_12 = vector.shape_cast %get3A_11 : vector<16xi32> to vector<16xi32>
    %and3A_13 = arith.constant 524287 : i32
    %and3A_14 = vector.broadcast %and3A_13 : i32 to vector<16xi32>
    %and3A_15 = arith.andi %get3A_12, %and3A_14 : vector<16xi32>
    %swap3A_16 = arith.constant 0 : index
    %swap3A_17 = tpu.vector_load %arg13[%swap3A_16] {strides = array<i32>} : memref<512xi32, #tpu.memory_space<vmem>>, vector<16xi32>,
    %swap3A_18 = vector.shape_cast %swap3A_17 : vector<16xi32> to vector<16xi32>
    %swap3A_19 = vector.shape_cast %and3A_15 : vector<16xi32> to vector<16xi32>
    tpu.vector_store %arg13[%swap3A_16], %swap3A_19 {strides = array<i32>} : memref<512xi32, #tpu.memory_space<vmem>>, vector<16xi32>,
    %get3A_20 = arith.constant 16 : index
    %get3A_21 = tpu.vector_load %arg10[%get3A_20] {strides = array<i32>} : memref<512xi32, #tpu.memory_space<vmem>>, vector<16xi32>,
    %get3A_22 = vector.shape_cast %get3A_21 : vector<16xi32> to vector<16xi32>
    %and3A_23 = arith.constant 524287 : i32
    %and3A_24 = vector.broadcast %and3A_23 : i32 to vector<16xi32>
    %and3A_25 = arith.andi %get3A_22, %and3A_24 : vector<16xi32>
    %swap3A_26 = arith.constant 16 : index
    %swap3A_27 = tpu.vector_load %arg12[%swap3A_26] {strides = array<i32>} : memref<512xi32, #tpu.memory_space<vmem>>, vector<16xi32>,
    %swap3A_28 = vector.shape_cast %swap3A_27 : vector<16xi32> to vector<16xi32>
    %swap3A_29 = vector.shape_cast %and3A_25 : vector<16xi32> to vector<16xi32>
    tpu.vector_store %arg12[%swap3A_26], %swap3A_29 {strides = array<i32>} : memref<512xi32, #tpu.memory_space<vmem>>, vector<16xi32>,
    %get3A_30 = arith.constant 16 : index
    %get3A_31 = tpu.vector_load %arg11[%get3A_30] {strides = array<i32>} : memref<512xi32, #tpu.memory_space<vmem>>, vector<16xi32>,
    %get3A_32 = vector.shape_cast %get3A_31 : vector<16xi32> to vector<16xi32>
    %and3A_33 = arith.constant 524287 : i32
    %and3A_34 = vector.broadcast %and3A_33 : i32 to vector<16xi32>
    %and3A_35 = arith.andi %get3A_32, %and3A_34 : vector<16xi32>
    %swap3A_36 = arith.constant 16 : index
    %swap3A_37 = tpu.vector_load %arg13[%swap3A_36] {strides = array<i32>} : memref<512xi32, #tpu.memory_space<vmem>>, vector<16xi32>,
    %swap3A_38 = vector.shape_cast %swap3A_37 : vector<16xi32> to vector<16xi32>
    %swap3A_39 = vector.shape_cast %and3A_35 : vector<16xi32> to vector<16xi32>
    tpu.vector_store %arg13[%swap3A_36], %swap3A_39 {strides = array<i32>} : memref<512xi32, #tpu.memory_space<vmem>>, vector<16xi32>,
    %get3A_40 = arith.constant 32 : index
    %get3A_41 = tpu.vector_load %arg10[%get3A_40] {strides = array<i32>} : memref<512xi32, #tpu.memory_space<vmem>>, vector<16xi32>,
    %get3A_42 = vector.shape_cast %get3A_41 : vector<16xi32> to vector<16xi32>
    %and3A_43 = arith.constant 524287 : i32
    %and3A_44 = vector.broadcast %and3A_43 : i32 to vector<16xi32>
    %and3A_45 = arith.andi %get3A_42, %and3A_44 : vector<16xi32>
    %swap3A_46 = arith.constant 32 : index
    %swap3A_47 = tpu.vector_load %arg12[%swap3A_46] {strides = array<i32>} : memref<512xi32, #tpu.memory_space<vmem>>, vector<16xi32>,
    %swap3A_48 = vector.shape_cast %swap3A_47 : vector<16xi32> to vector<16xi32>
    %swap3A_49 = vector.shape_cast %and3A_45 : vector<16xi32> to vector<16xi32>
    tpu.vector_store %arg12[%swap3A_46], %swap3A_49 {strides = array<i32>} : memref<512xi32, #tpu.memory_space<vmem>>, vector<16xi32>,
    %get3A_50 = arith.constant 32 : index
    %get3A_51 = tpu.vector_load %arg11[%get3A_50] {strides = array<i32>} : memref<512xi32, #tpu.memory_space<vmem>>, vector<16xi32>,
    %get3A_52 = vector.shape_cast %get3A_51 : vector<16xi32> to vector<16xi32>
    %and3A_53 = arith.constant 524287 : i32
    %and3A_54 = vector.broadcast %and3A_53 : i32 to vector<16xi32>
    %and3A_55 = arith.andi %get3A_52, %and3A_54 : vector<16xi32>
    %swap3A_56 = arith.constant 32 : index
    %swap3A_57 = tpu.vector_load %arg13[%swap3A_56] {strides = array<i32>} : memref<512xi32, #tpu.memory_space<vmem>>, vector<16xi32>,
    %swap3A_58 = vector.shape_cast %swap3A_57 : vector<16xi32> to vector<16xi32>
    %swap3A_59 = vector.shape_cast %and3A_55 : vector<16xi32> to vector<16xi32>
    tpu.vector_store %arg13[%swap3A_56], %swap3A_59 {strides = array<i32>} : memref<512xi32, #tpu.memory_space<vmem>>, vector<16xi32>,
    %get3A_60 = arith.constant 48 : index
    %get3A_61 = tpu.vector_load %arg10[%get3A_60] {strides = array<i32>} : memref<512xi32, #tpu.memory_space<vmem>>, vector<16xi32>,
    %get3A_62 = vector.shape_cast %get3A_61 : vector<16xi32> to vector<16xi32>
    %and3A_63 = arith.constant 524287 : i32
    %and3A_64 = vector.broadcast %and3A_63 : i32 to vector<16xi32>
    %and3A_65 = arith.andi %get3A_62, %and3A_64 : vector<16xi32>
    %swap3A_66 = arith.constant 48 : index
    %swap3A_67 = tpu.vector_load %arg12[%swap3A_66] {strides = array<i32>} : memref<512xi32, #tpu.memory_space<vmem>>, vector<16xi32>,
    %swap3A_68 = vector.shape_cast %swap3A_67 : vector<16xi32> to vector<16xi32>
    %swap3A_69 = vector.shape_cast %and3A_65 : vector<16xi32> to vector<16xi32>
    tpu.vector_store %arg12[%swap3A_66], %swap3A_69 {strides = array<i32>} : memref<512xi32, #tpu.memory_space<vmem>>, vector<16xi32>,
    %get3A_70 = arith.constant 48 : index
    %get3A_71 = tpu.vector_load %arg11[%get3A_70] {strides = array<i32>} : memref<512xi32, #tpu.memory_space<vmem>>, vector<16xi32>,
    %get3A_72 = vector.shape_cast %get3A_71 : vector<16xi32> to vector<16xi32>
    %and3A_73 = arith.constant 524287 : i32
    %and3A_74 = vector.broadcast %and3A_73 : i32 to vector<16xi32>
    %and3A_75 = arith.andi %get3A_72, %and3A_74 : vector<16xi32>
    %swap3A_76 = arith.constant 48 : index
    %swap3A_77 = tpu.vector_load %arg13[%swap3A_76] {strides = array<i32>} : memref<512xi32, #tpu.memory_space<vmem>>, vector<16xi32>,
    %swap3A_78 = vector.shape_cast %swap3A_77 : vector<16xi32> to vector<16xi32>
    %swap3A_79 = vector.shape_cast %and3A_75 : vector<16xi32> to vector<16xi32>
    tpu.vector_store %arg13[%swap3A_76], %swap3A_79 {strides = array<i32>} : memref<512xi32, #tpu.memory_space<vmem>>, vector<16xi32>,
    %get3A_80 = arith.constant 64 : index
    %get3A_81 = tpu.vector_load %arg10[%get3A_80] {strides = array<i32>} : memref<512xi32, #tpu.memory_space<vmem>>, vector<16xi32>,
    %get3A_82 = vector.shape_cast %get3A_81 : vector<16xi32> to vector<16xi32>
    %and3A_83 = arith.constant 524287 : i32
    %and3A_84 = vector.broadcast %and3A_83 : i32 to vector<16xi32>
    %and3A_85 = arith.andi %get3A_82, %and3A_84 : vector<16xi32>
    %swap3A_86 = arith.constant 64 : index
    %swap3A_87 = tpu.vector_load %arg12[%swap3A_86] {strides = array<i32>} : memref<512xi32, #tpu.memory_space<vmem>>, vector<16xi32>,
    %swap3A_88 = vector.shape_cast %swap3A_87 : vector<16xi32> to vector<16xi32>
    %swap3A_89 = vector.shape_cast %and3A_85 : vector<16xi32> to vector<16xi32>
    tpu.vector_store %arg12[%swap3A_86], %swap3A_89 {strides = array<i32>} : memref<512xi32, #tpu.memory_space<vmem>>, vector<16xi32>,
    %get3A_90 = arith.constant 64 : index
    %get3A_91 = tpu.vector_load %arg11[%get3A_90] {strides = array<i32>} : memref<512xi32, #tpu.memory_space<vmem>>, vector<16xi32>,
    %get3A_92 = vector.shape_cast %get3A_91 : vector<16xi32> to vector<16xi32>
    %and3A_93 = arith.constant 524287 : i32
    %and3A_94 = vector.broadcast %and3A_93 : i32 to vector<16xi32>
    %and3A_95 = arith.andi %get3A_92, %and3A_94 : vector<16xi32>
    %swap3A_96 = arith.constant 64 : index
    %swap3A_97 = tpu.vector_load %arg13[%swap3A_96] {strides = array<i32>} : memref<512xi32, #tpu.memory_space<vmem>>, vector<16xi32>,
    %swap3A_98 = vector.shape_cast %swap3A_97 : vector<16xi32> to vector<16xi32>
    %swap3A_99 = vector.shape_cast %and3A_95 : vector<16xi32> to vector<16xi32>
    tpu.vector_store %arg13[%swap3A_96], %swap3A_99 {strides = array<i32>} : memref<512xi32, #tpu.memory_space<vmem>>, vector<16xi32>,
    %get3A_100 = arith.constant 80 : index
    %get3A_101 = tpu.vector_load %arg10[%get3A_100] {strides = array<i32>} : memref<512xi32, #tpu.memory_space<vmem>>, vector<16xi32>,
    %get3A_102 = vector.shape_cast %get3A_101 : vector<16xi32> to vector<16xi32>
    %and3A_103 = arith.constant 524287 : i32
    %and3A_104 = vector.broadcast %and3A_103 : i32 to vector<16xi32>
    %and3A_105 = arith.andi %get3A_102, %and3A_104 : vector<16xi32>
    %swap3A_106 = arith.constant 80 : index
    %swap3A_107 = tpu.vector_load %arg12[%swap3A_106] {strides = array<i32>} : memref<512xi32, #tpu.memory_space<vmem>>, vector<16xi32>,
    %swap3A_108 = vector.shape_cast %swap3A_107 : vector<16xi32> to vector<16xi32>
    %swap3A_109 = vector.shape_cast %and3A_105 : vector<16xi32> to vector<16xi32>
    tpu.vector_store %arg12[%swap3A_106], %swap3A_109 {strides = array<i32>} : memref<512xi32, #tpu.memory_space<vmem>>, vector<16xi32>,
    %get3A_110 = arith.constant 80 : index
    %get3A_111 = tpu.vector_load %arg11[%get3A_110] {strides = array<i32>} : memref<512xi32, #tpu.memory_space<vmem>>, vector<16xi32>,
    %get3A_112 = vector.shape_cast %get3A_111 : vector<16xi32> to vector<16xi32>
    %and3A_113 = arith.constant 524287 : i32
    %and3A_114 = vector.broadcast %and3A_113 : i32 to vector<16xi32>
    %and3A_115 = arith.andi %get3A_112, %and3A_114 : vector<16xi32>
    %swap3A_116 = arith.constant 80 : index
    %swap3A_117 = tpu.vector_load %arg13[%swap3A_116] {strides = array<i32>} : memref<512xi32, #tpu.memory_space<vmem>>, vector<16xi32>,
    %swap3A_118 = vector.shape_cast %swap3A_117 : vector<16xi32> to vector<16xi32>
    %swap3A_119 = vector.shape_cast %and3A_115 : vector<16xi32> to vector<16xi32>
    tpu.vector_store %arg13[%swap3A_116], %swap3A_119 {strides = array<i32>} : memref<512xi32, #tpu.memory_space<vmem>>, vector<16xi32>,
    %get3A_120 = arith.constant 96 : index
    %get3A_121 = tpu.vector_load %arg10[%get3A_120] {strides = array<i32>} : memref<512xi32, #tpu.memory_space<vmem>>, vector<16xi32>,
    %get3A_122 = vector.shape_cast %get3A_121 : vector<16xi32> to vector<16xi32>
    %and3A_123 = arith.constant 524287 : i32
    %and3A_124 = vector.broadcast %and3A_123 : i32 to vector<16xi32>
    %and3A_125 = arith.andi %get3A_122, %and3A_124 : vector<16xi32>
    %swap3A_126 = arith.constant 96 : index
    %swap3A_127 = tpu.vector_load %arg12[%swap3A_126] {strides = array<i32>} : memref<512xi32, #tpu.memory_space<vmem>>, vector<16xi32>,
    %swap3A_128 = vector.shape_cast %swap3A_127 : vector<16xi32> to vector<16xi32>
    %swap3A_129 = vector.shape_cast %and3A_125 : vector<16xi32> to vector<16xi32>
    tpu.vector_store %arg12[%swap3A_126], %swap3A_129 {strides = array<i32>} : memref<512xi32, #tpu.memory_space<vmem>>, vector<16xi32>,
    %get3A_130 = arith.constant 96 : index
    %get3A_131 = tpu.vector_load %arg11[%get3A_130] {strides = array<i32>} : memref<512xi32, #tpu.memory_space<vmem>>, vector<16xi32>,
    %get3A_132 = vector.shape_cast %get3A_131 : vector<16xi32> to vector<16xi32>
    %and3A_133 = arith.constant 524287 : i32
    %and3A_134 = vector.broadcast %and3A_133 : i32 to vector<16xi32>
    %and3A_135 = arith.andi %get3A_132, %and3A_134 : vector<16xi32>
    %swap3A_136 = arith.constant 96 : index
    %swap3A_137 = tpu.vector_load %arg13[%swap3A_136] {strides = array<i32>} : memref<512xi32, #tpu.memory_space<vmem>>, vector<16xi32>,
    %swap3A_138 = vector.shape_cast %swap3A_137 : vector<16xi32> to vector<16xi32>
    %swap3A_139 = vector.shape_cast %and3A_135 : vector<16xi32> to vector<16xi32>
    tpu.vector_store %arg13[%swap3A_136], %swap3A_139 {strides = array<i32>} : memref<512xi32, #tpu.memory_space<vmem>>, vector<16xi32>,
    %get3A_140 = arith.constant 112 : index
    %get3A_141 = tpu.vector_load %arg10[%get3A_140] {strides = array<i32>} : memref<512xi32, #tpu.memory_space<vmem>>, vector<16xi32>,
    %get3A_142 = vector.shape_cast %get3A_141 : vector<16xi32> to vector<16xi32>
    %and3A_143 = arith.constant 524287 : i32
    %and3A_144 = vector.broadcast %and3A_143 : i32 to vector<16xi32>
    %and3A_145 = arith.andi %get3A_142, %and3A_144 : vector<16xi32>
    %swap3A_146 = arith.constant 112 : index
    %swap3A_147 = tpu.vector_load %arg12[%swap3A_146] {strides = array<i32>} : memref<512xi32, #tpu.memory_space<vmem>>, vector<16xi32>,
    %swap3A_148 = vector.shape_cast %swap3A_147 : vector<16xi32> to vector<16xi32>
    %swap3A_149 = vector.shape_cast %and3A_145 : vector<16xi32> to vector<16xi32>
    tpu.vector_store %arg12[%swap3A_146], %swap3A_149 {strides = array<i32>} : memref<512xi32, #tpu.memory_space<vmem>>, vector<16xi32>,
    %get3A_150 = arith.constant 112 : index
    %get3A_151 = tpu.vector_load %arg11[%get3A_150] {strides = array<i32>} : memref<512xi32, #tpu.memory_space<vmem>>, vector<16xi32>,
    %get3A_152 = vector.shape_cast %get3A_151 : vector<16xi32> to vector<16xi32>
    %and3A_153 = arith.constant 524287 : i32
    %and3A_154 = vector.broadcast %and3A_153 : i32 to vector<16xi32>
    %and3A_155 = arith.andi %get3A_152, %and3A_154 : vector<16xi32>
    %swap3A_156 = arith.constant 112 : index
    %swap3A_157 = tpu.vector_load %arg13[%swap3A_156] {strides = array<i32>} : memref<512xi32, #tpu.memory_space<vmem>>, vector<16xi32>,
    %swap3A_158 = vector.shape_cast %swap3A_157 : vector<16xi32> to vector<16xi32>
    %swap3A_159 = vector.shape_cast %and3A_155 : vector<16xi32> to vector<16xi32>
    tpu.vector_store %arg13[%swap3A_156], %swap3A_159 {strides = array<i32>} : memref<512xi32, #tpu.memory_space<vmem>>, vector<16xi32>,
    %get3A_160 = arith.constant 128 : index
    %get3A_161 = tpu.vector_load %arg10[%get3A_160] {strides = array<i32>} : memref<512xi32, #tpu.memory_space<vmem>>, vector<16xi32>,
    %get3A_162 = vector.shape_cast %get3A_161 : vector<16xi32> to vector<16xi32>
    %and3A_163 = arith.constant 524287 : i32
    %and3A_164 = vector.broadcast %and3A_163 : i32 to vector<16xi32>
    %and3A_165 = arith.andi %get3A_162, %and3A_164 : vector<16xi32>
    %swap3A_166 = arith.constant 128 : index
    %swap3A_167 = tpu.vector_load %arg12[%swap3A_166] {strides = array<i32>} : memref<512xi32, #tpu.memory_space<vmem>>, vector<16xi32>,
    %swap3A_168 = vector.shape_cast %swap3A_167 : vector<16xi32> to vector<16xi32>
    %swap3A_169 = vector.shape_cast %and3A_165 : vector<16xi32> to vector<16xi32>
    tpu.vector_store %arg12[%swap3A_166], %swap3A_169 {strides = array<i32>} : memref<512xi32, #tpu.memory_space<vmem>>, vector<16xi32>,
    %get3A_170 = arith.constant 128 : index
    %get3A_171 = tpu.vector_load %arg11[%get3A_170] {strides = array<i32>} : memref<512xi32, #tpu.memory_space<vmem>>, vector<16xi32>,
    %get3A_172 = vector.shape_cast %get3A_171 : vector<16xi32> to vector<16xi32>
    %and3A_173 = arith.constant 524287 : i32
    %and3A_174 = vector.broadcast %and3A_173 : i32 to vector<16xi32>
    %and3A_175 = arith.andi %get3A_172, %and3A_174 : vector<16xi32>
    %swap3A_176 = arith.constant 128 : index
    %swap3A_177 = tpu.vector_load %arg13[%swap3A_176] {strides = array<i32>} : memref<512xi32, #tpu.memory_space<vmem>>, vector<16xi32>,
    %swap3A_178 = vector.shape_cast %swap3A_177 : vector<16xi32> to vector<16xi32>
    %swap3A_179 = vector.shape_cast %and3A_175 : vector<16xi32> to vector<16xi32>
    tpu.vector_store %arg13[%swap3A_176], %swap3A_179 {strides = array<i32>} : memref<512xi32, #tpu.memory_space<vmem>>, vector<16xi32>,
    %get3A_180 = arith.constant 144 : index
    %get3A_181 = tpu.vector_load %arg10[%get3A_180] {strides = array<i32>} : memref<512xi32, #tpu.memory_space<vmem>>, vector<16xi32>,
    %get3A_182 = vector.shape_cast %get3A_181 : vector<16xi32> to vector<16xi32>
    %and3A_183 = arith.constant 524287 : i32
    %and3A_184 = vector.broadcast %and3A_183 : i32 to vector<16xi32>
    %and3A_185 = arith.andi %get3A_182, %and3A_184 : vector<16xi32>
    %swap3A_186 = arith.constant 144 : index
    %swap3A_187 = tpu.vector_load %arg12[%swap3A_186] {strides = array<i32>} : memref<512xi32, #tpu.memory_space<vmem>>, vector<16xi32>,
    %swap3A_188 = vector.shape_cast %swap3A_187 : vector<16xi32> to vector<16xi32>
    %swap3A_189 = vector.shape_cast %and3A_185 : vector<16xi32> to vector<16xi32>
    tpu.vector_store %arg12[%swap3A_186], %swap3A_189 {strides = array<i32>} : memref<512xi32, #tpu.memory_space<vmem>>, vector<16xi32>,
    %get3A_190 = arith.constant 144 : index
    %get3A_191 = tpu.vector_load %arg11[%get3A_190] {strides = array<i32>} : memref<512xi32, #tpu.memory_space<vmem>>, vector<16xi32>,
    %get3A_192 = vector.shape_cast %get3A_191 : vector<16xi32> to vector<16xi32>
    %and3A_193 = arith.constant 524287 : i32
    %and3A_194 = vector.broadcast %and3A_193 : i32 to vector<16xi32>
    %and3A_195 = arith.andi %get3A_192, %and3A_194 : vector<16xi32>
    %swap3A_196 = arith.constant 144 : index
    %swap3A_197 = tpu.vector_load %arg13[%swap3A_196] {strides = array<i32>} : memref<512xi32, #tpu.memory_space<vmem>>, vector<16xi32>,
    %swap3A_198 = vector.shape_cast %swap3A_197 : vector<16xi32> to vector<16xi32>
    %swap3A_199 = vector.shape_cast %and3A_195 : vector<16xi32> to vector<16xi32>
    tpu.vector_store %arg13[%swap3A_196], %swap3A_199 {strides = array<i32>} : memref<512xi32, #tpu.memory_space<vmem>>, vector<16xi32>,
    %get3A_200 = arith.constant 160 : index
    %get3A_201 = tpu.vector_load %arg10[%get3A_200] {strides = array<i32>} : memref<512xi32, #tpu.memory_space<vmem>>, vector<16xi32>,
    %get3A_202 = vector.shape_cast %get3A_201 : vector<16xi32> to vector<16xi32>
    %and3A_203 = arith.constant 524287 : i32
    %and3A_204 = vector.broadcast %and3A_203 : i32 to vector<16xi32>
    %and3A_205 = arith.andi %get3A_202, %and3A_204 : vector<16xi32>
    %swap3A_206 = arith.constant 160 : index
    %swap3A_207 = tpu.vector_load %arg12[%swap3A_206] {strides = array<i32>} : memref<512xi32, #tpu.memory_space<vmem>>, vector<16xi32>,
    %swap3A_208 = vector.shape_cast %swap3A_207 : vector<16xi32> to vector<16xi32>
    %swap3A_209 = vector.shape_cast %and3A_205 : vector<16xi32> to vector<16xi32>
    tpu.vector_store %arg12[%swap3A_206], %swap3A_209 {strides = array<i32>} : memref<512xi32, #tpu.memory_space<vmem>>, vector<16xi32>,
    %get3A_210 = arith.constant 160 : index
    %get3A_211 = tpu.vector_load %arg11[%get3A_210] {strides = array<i32>} : memref<512xi32, #tpu.memory_space<vmem>>, vector<16xi32>,
    %get3A_212 = vector.shape_cast %get3A_211 : vector<16xi32> to vector<16xi32>
    %and3A_213 = arith.constant 524287 : i32
    %and3A_214 = vector.broadcast %and3A_213 : i32 to vector<16xi32>
    %and3A_215 = arith.andi %get3A_212, %and3A_214 : vector<16xi32>
    %swap3A_216 = arith.constant 160 : index
    %swap3A_217 = tpu.vector_load %arg13[%swap3A_216] {strides = array<i32>} : memref<512xi32, #tpu.memory_space<vmem>>, vector<16xi32>,
    %swap3A_218 = vector.shape_cast %swap3A_217 : vector<16xi32> to vector<16xi32>
    %swap3A_219 = vector.shape_cast %and3A_215 : vector<16xi32> to vector<16xi32>
    tpu.vector_store %arg13[%swap3A_216], %swap3A_219 {strides = array<i32>} : memref<512xi32, #tpu.memory_space<vmem>>, vector<16xi32>,
    %get3A_220 = arith.constant 176 : index
    %get3A_221 = tpu.vector_load %arg10[%get3A_220] {strides = array<i32>} : memref<512xi32, #tpu.memory_space<vmem>>, vector<16xi32>,
    %get3A_222 = vector.shape_cast %get3A_221 : vector<16xi32> to vector<16xi32>
    %and3A_223 = arith.constant 524287 : i32
    %and3A_224 = vector.broadcast %and3A_223 : i32 to vector<16xi32>
    %and3A_225 = arith.andi %get3A_222, %and3A_224 : vector<16xi32>
    %swap3A_226 = arith.constant 176 : index
    %swap3A_227 = tpu.vector_load %arg12[%swap3A_226] {strides = array<i32>} : memref<512xi32, #tpu.memory_space<vmem>>, vector<16xi32>,
    %swap3A_228 = vector.shape_cast %swap3A_227 : vector<16xi32> to vector<16xi32>
    %swap3A_229 = vector.shape_cast %and3A_225 : vector<16xi32> to vector<16xi32>
    tpu.vector_store %arg12[%swap3A_226], %swap3A_229 {strides = array<i32>} : memref<512xi32, #tpu.memory_space<vmem>>, vector<16xi32>,
    %get3A_230 = arith.constant 176 : index
    %get3A_231 = tpu.vector_load %arg11[%get3A_230] {strides = array<i32>} : memref<512xi32, #tpu.memory_space<vmem>>, vector<16xi32>,
    %get3A_232 = vector.shape_cast %get3A_231 : vector<16xi32> to vector<16xi32>
    %and3A_233 = arith.constant 524287 : i32
    %and3A_234 = vector.broadcast %and3A_233 : i32 to vector<16xi32>
    %and3A_235 = arith.andi %get3A_232, %and3A_234 : vector<16xi32>
    %swap3A_236 = arith.constant 176 : index
    %swap3A_237 = tpu.vector_load %arg13[%swap3A_236] {strides = array<i32>} : memref<512xi32, #tpu.memory_space<vmem>>, vector<16xi32>,
    %swap3A_238 = vector.shape_cast %swap3A_237 : vector<16xi32> to vector<16xi32>
    %swap3A_239 = vector.shape_cast %and3A_235 : vector<16xi32> to vector<16xi32>
    tpu.vector_store %arg13[%swap3A_236], %swap3A_239 {strides = array<i32>} : memref<512xi32, #tpu.memory_space<vmem>>, vector<16xi32>,
    %get3A_240 = arith.constant 192 : index
    %get3A_241 = tpu.vector_load %arg10[%get3A_240] {strides = array<i32>} : memref<512xi32, #tpu.memory_space<vmem>>, vector<16xi32>,
    %get3A_242 = vector.shape_cast %get3A_241 : vector<16xi32> to vector<16xi32>
    %and3A_243 = arith.constant 524287 : i32
    %and3A_244 = vector.broadcast %and3A_243 : i32 to vector<16xi32>
    %and3A_245 = arith.andi %get3A_242, %and3A_244 : vector<16xi32>
    %swap3A_246 = arith.constant 192 : index
    %swap3A_247 = tpu.vector_load %arg12[%swap3A_246] {strides = array<i32>} : memref<512xi32, #tpu.memory_space<vmem>>, vector<16xi32>,
    %swap3A_248 = vector.shape_cast %swap3A_247 : vector<16xi32> to vector<16xi32>
    %swap3A_249 = vector.shape_cast %and3A_245 : vector<16xi32> to vector<16xi32>
    tpu.vector_store %arg12[%swap3A_246], %swap3A_249 {strides = array<i32>} : memref<512xi32, #tpu.memory_space<vmem>>, vector<16xi32>,
    %get3A_250 = arith.constant 192 : index
    %get3A_251 = tpu.vector_load %arg11[%get3A_250] {strides = array<i32>} : memref<512xi32, #tpu.memory_space<vmem>>, vector<16xi32>,
    %get3A_252 = vector.shape_cast %get3A_251 : vector<16xi32> to vector<16xi32>
    %and3A_253 = arith.constant 524287 : i32
    %and3A_254 = vector.broadcast %and3A_253 : i32 to vector<16xi32>
    %and3A_255 = arith.andi %get3A_252, %and3A_254 : vector<16xi32>
    %swap3A_256 = arith.constant 192 : index
    %swap3A_257 = tpu.vector_load %arg13[%swap3A_256] {strides = array<i32>} : memref<512xi32, #tpu.memory_space<vmem>>, vector<16xi32>,
    %swap3A_258 = vector.shape_cast %swap3A_257 : vector<16xi32> to vector<16xi32>
    %swap3A_259 = vector.shape_cast %and3A_255 : vector<16xi32> to vector<16xi32>
    tpu.vector_store %arg13[%swap3A_256], %swap3A_259 {strides = array<i32>} : memref<512xi32, #tpu.memory_space<vmem>>, vector<16xi32>,
    %get3A_260 = arith.constant 208 : index
    %get3A_261 = tpu.vector_load %arg10[%get3A_260] {strides = array<i32>} : memref<512xi32, #tpu.memory_space<vmem>>, vector<16xi32>,
    %get3A_262 = vector.shape_cast %get3A_261 : vector<16xi32> to vector<16xi32>
    %and3A_263 = arith.constant 524287 : i32
    %and3A_264 = vector.broadcast %and3A_263 : i32 to vector<16xi32>
    %and3A_265 = arith.andi %get3A_262, %and3A_264 : vector<16xi32>
    %swap3A_266 = arith.constant 208 : index
    %swap3A_267 = tpu.vector_load %arg12[%swap3A_266] {strides = array<i32>} : memref<512xi32, #tpu.memory_space<vmem>>, vector<16xi32>,
    %swap3A_268 = vector.shape_cast %swap3A_267 : vector<16xi32> to vector<16xi32>
    %swap3A_269 = vector.shape_cast %and3A_265 : vector<16xi32> to vector<16xi32>
    tpu.vector_store %arg12[%swap3A_266], %swap3A_269 {strides = array<i32>} : memref<512xi32, #tpu.memory_space<vmem>>, vector<16xi32>,
    %get3A_270 = arith.constant 208 : index
    %get3A_271 = tpu.vector_load %arg11[%get3A_270] {strides = array<i32>} : memref<512xi32, #tpu.memory_space<vmem>>, vector<16xi32>,
    %get3A_272 = vector.shape_cast %get3A_271 : vector<16xi32> to vector<16xi32>
    %and3A_273 = arith.constant 524287 : i32
    %and3A_274 = vector.broadcast %and3A_273 : i32 to vector<16xi32>
    %and3A_275 = arith.andi %get3A_272, %and3A_274 : vector<16xi32>
    %swap3A_276 = arith.constant 208 : index
    %swap3A_277 = tpu.vector_load %arg13[%swap3A_276] {strides = array<i32>} : memref<512xi32, #tpu.memory_space<vmem>>, vector<16xi32>,
    %swap3A_278 = vector.shape_cast %swap3A_277 : vector<16xi32> to vector<16xi32>
    %swap3A_279 = vector.shape_cast %and3A_275 : vector<16xi32> to vector<16xi32>
    tpu.vector_store %arg13[%swap3A_276], %swap3A_279 {strides = array<i32>} : memref<512xi32, #tpu.memory_space<vmem>>, vector<16xi32>,
    %get3A_280 = arith.constant 224 : index
    %get3A_281 = tpu.vector_load %arg10[%get3A_280] {strides = array<i32>} : memref<512xi32, #tpu.memory_space<vmem>>, vector<16xi32>,
    %get3A_282 = vector.shape_cast %get3A_281 : vector<16xi32> to vector<16xi32>
    %and3A_283 = arith.constant 524287 : i32
    %and3A_284 = vector.broadcast %and3A_283 : i32 to vector<16xi32>
    %and3A_285 = arith.andi %get3A_282, %and3A_284 : vector<16xi32>
    %swap3A_286 = arith.constant 224 : index
    %swap3A_287 = tpu.vector_load %arg12[%swap3A_286] {strides = array<i32>} : memref<512xi32, #tpu.memory_space<vmem>>, vector<16xi32>,
    %swap3A_288 = vector.shape_cast %swap3A_287 : vector<16xi32> to vector<16xi32>
    %swap3A_289 = vector.shape_cast %and3A_285 : vector<16xi32> to vector<16xi32>
    tpu.vector_store %arg12[%swap3A_286], %swap3A_289 {strides = array<i32>} : memref<512xi32, #tpu.memory_space<vmem>>, vector<16xi32>,
    %get3A_290 = arith.constant 224 : index
    %get3A_291 = tpu.vector_load %arg11[%get3A_290] {strides = array<i32>} : memref<512xi32, #tpu.memory_space<vmem>>, vector<16xi32>,
    %get3A_292 = vector.shape_cast %get3A_291 : vector<16xi32> to vector<16xi32>
    %and3A_293 = arith.constant 524287 : i32
    %and3A_294 = vector.broadcast %and3A_293 : i32 to vector<16xi32>
    %and3A_295 = arith.andi %get3A_292, %and3A_294 : vector<16xi32>
    %swap3A_296 = arith.constant 224 : index
    %swap3A_297 = tpu.vector_load %arg13[%swap3A_296] {strides = array<i32>} : memref<512xi32, #tpu.memory_space<vmem>>, vector<16xi32>,
    %swap3A_298 = vector.shape_cast %swap3A_297 : vector<16xi32> to vector<16xi32>
    %swap3A_299 = vector.shape_cast %and3A_295 : vector<16xi32> to vector<16xi32>
    tpu.vector_store %arg13[%swap3A_296], %swap3A_299 {strides = array<i32>} : memref<512xi32, #tpu.memory_space<vmem>>, vector<16xi32>,
    %get3A_300 = arith.constant 240 : index
    %get3A_301 = tpu.vector_load %arg10[%get3A_300] {strides = array<i32>} : memref<512xi32, #tpu.memory_space<vmem>>, vector<16xi32>,
    %get3A_302 = vector.shape_cast %get3A_301 : vector<16xi32> to vector<16xi32>
    %and3A_303 = arith.constant 524287 : i32
    %and3A_304 = vector.broadcast %and3A_303 : i32 to vector<16xi32>
    %and3A_305 = arith.andi %get3A_302, %and3A_304 : vector<16xi32>
    %swap3A_306 = arith.constant 240 : index
    %swap3A_307 = tpu.vector_load %arg12[%swap3A_306] {strides = array<i32>} : memref<512xi32, #tpu.memory_space<vmem>>, vector<16xi32>,
    %swap3A_308 = vector.shape_cast %swap3A_307 : vector<16xi32> to vector<16xi32>
    %swap3A_309 = vector.shape_cast %and3A_305 : vector<16xi32> to vector<16xi32>
    tpu.vector_store %arg12[%swap3A_306], %swap3A_309 {strides = array<i32>} : memref<512xi32, #tpu.memory_space<vmem>>, vector<16xi32>,
    %get3A_310 = arith.constant 240 : index
    %get3A_311 = tpu.vector_load %arg11[%get3A_310] {strides = array<i32>} : memref<512xi32, #tpu.memory_space<vmem>>, vector<16xi32>,
    %get3A_312 = vector.shape_cast %get3A_311 : vector<16xi32> to vector<16xi32>
    %and3A_313 = arith.constant 524287 : i32
    %and3A_314 = vector.broadcast %and3A_313 : i32 to vector<16xi32>
    %and3A_315 = arith.andi %get3A_312, %and3A_314 : vector<16xi32>
    %swap3A_316 = arith.constant 240 : index
    %swap3A_317 = tpu.vector_load %arg13[%swap3A_316] {strides = array<i32>} : memref<512xi32, #tpu.memory_space<vmem>>, vector<16xi32>,
    %swap3A_318 = vector.shape_cast %swap3A_317 : vector<16xi32> to vector<16xi32>
    %swap3A_319 = vector.shape_cast %and3A_315 : vector<16xi32> to vector<16xi32>
    tpu.vector_store %arg13[%swap3A_316], %swap3A_319 {strides = array<i32>} : memref<512xi32, #tpu.memory_space<vmem>>, vector<16xi32>,
    %get3A_320 = arith.constant 256 : index
    %get3A_321 = tpu.vector_load %arg10[%get3A_320] {strides = array<i32>} : memref<512xi32, #tpu.memory_space<vmem>>, vector<16xi32>,
    %get3A_322 = vector.shape_cast %get3A_321 : vector<16xi32> to vector<16xi32>
    %and3A_323 = arith.constant 524287 : i32
    %and3A_324 = vector.broadcast %and3A_323 : i32 to vector<16xi32>
    %and3A_325 = arith.andi %get3A_322, %and3A_324 : vector<16xi32>
    %swap3A_326 = arith.constant 256 : index
    %swap3A_327 = tpu.vector_load %arg12[%swap3A_326] {strides = array<i32>} : memref<512xi32, #tpu.memory_space<vmem>>, vector<16xi32>,
    %swap3A_328 = vector.shape_cast %swap3A_327 : vector<16xi32> to vector<16xi32>
    %swap3A_329 = vector.shape_cast %and3A_325 : vector<16xi32> to vector<16xi32>
    tpu.vector_store %arg12[%swap3A_326], %swap3A_329 {strides = array<i32>} : memref<512xi32, #tpu.memory_space<vmem>>, vector<16xi32>,
    %get3A_330 = arith.constant 256 : index
    %get3A_331 = tpu.vector_load %arg11[%get3A_330] {strides = array<i32>} : memref<512xi32, #tpu.memory_space<vmem>>, vector<16xi32>,
    %get3A_332 = vector.shape_cast %get3A_331 : vector<16xi32> to vector<16xi32>
    %and3A_333 = arith.constant 524287 : i32
    %and3A_334 = vector.broadcast %and3A_333 : i32 to vector<16xi32>
    %and3A_335 = arith.andi %get3A_332, %and3A_334 : vector<16xi32>
    %swap3A_336 = arith.constant 256 : index
    %swap3A_337 = tpu.vector_load %arg13[%swap3A_336] {strides = array<i32>} : memref<512xi32, #tpu.memory_space<vmem>>, vector<16xi32>,
    %swap3A_338 = vector.shape_cast %swap3A_337 : vector<16xi32> to vector<16xi32>
    %swap3A_339 = vector.shape_cast %and3A_335 : vector<16xi32> to vector<16xi32>
    tpu.vector_store %arg13[%swap3A_336], %swap3A_339 {strides = array<i32>} : memref<512xi32, #tpu.memory_space<vmem>>, vector<16xi32>,
    %get3A_340 = arith.constant 272 : index
    %get3A_341 = tpu.vector_load %arg10[%get3A_340] {strides = array<i32>} : memref<512xi32, #tpu.memory_space<vmem>>, vector<16xi32>,
    %get3A_342 = vector.shape_cast %get3A_341 : vector<16xi32> to vector<16xi32>
    %and3A_343 = arith.constant 524287 : i32
    %and3A_344 = vector.broadcast %and3A_343 : i32 to vector<16xi32>
    %and3A_345 = arith.andi %get3A_342, %and3A_344 : vector<16xi32>
    %swap3A_346 = arith.constant 272 : index
    %swap3A_347 = tpu.vector_load %arg12[%swap3A_346] {strides = array<i32>} : memref<512xi32, #tpu.memory_space<vmem>>, vector<16xi32>,
    %swap3A_348 = vector.shape_cast %swap3A_347 : vector<16xi32> to vector<16xi32>
    %swap3A_349 = vector.shape_cast %and3A_345 : vector<16xi32> to vector<16xi32>
    tpu.vector_store %arg12[%swap3A_346], %swap3A_349 {strides = array<i32>} : memref<512xi32, #tpu.memory_space<vmem>>, vector<16xi32>,
    %get3A_350 = arith.constant 272 : index
    %get3A_351 = tpu.vector_load %arg11[%get3A_350] {strides = array<i32>} : memref<512xi32, #tpu.memory_space<vmem>>, vector<16xi32>,
    %get3A_352 = vector.shape_cast %get3A_351 : vector<16xi32> to vector<16xi32>
    %and3A_353 = arith.constant 524287 : i32
    %and3A_354 = vector.broadcast %and3A_353 : i32 to vector<16xi32>
    %and3A_355 = arith.andi %get3A_352, %and3A_354 : vector<16xi32>
    %swap3A_356 = arith.constant 272 : index
    %swap3A_357 = tpu.vector_load %arg13[%swap3A_356] {strides = array<i32>} : memref<512xi32, #tpu.memory_space<vmem>>, vector<16xi32>,
    %swap3A_358 = vector.shape_cast %swap3A_357 : vector<16xi32> to vector<16xi32>
    %swap3A_359 = vector.shape_cast %and3A_355 : vector<16xi32> to vector<16xi32>
    tpu.vector_store %arg13[%swap3A_356], %swap3A_359 {strides = array<i32>} : memref<512xi32, #tpu.memory_space<vmem>>, vector<16xi32>,
    %get3A_360 = arith.constant 288 : index
    %get3A_361 = tpu.vector_load %arg10[%get3A_360] {strides = array<i32>} : memref<512xi32, #tpu.memory_space<vmem>>, vector<16xi32>,
    %get3A_362 = vector.shape_cast %get3A_361 : vector<16xi32> to vector<16xi32>
    %and3A_363 = arith.constant 524287 : i32
    %and3A_364 = vector.broadcast %and3A_363 : i32 to vector<16xi32>
    %and3A_365 = arith.andi %get3A_362, %and3A_364 : vector<16xi32>
    %swap3A_366 = arith.constant 288 : index
    %swap3A_367 = tpu.vector_load %arg12[%swap3A_366] {strides = array<i32>} : memref<512xi32, #tpu.memory_space<vmem>>, vector<16xi32>,
    %swap3A_368 = vector.shape_cast %swap3A_367 : vector<16xi32> to vector<16xi32>
    %swap3A_369 = vector.shape_cast %and3A_365 : vector<16xi32> to vector<16xi32>
    tpu.vector_store %arg12[%swap3A_366], %swap3A_369 {strides = array<i32>} : memref<512xi32, #tpu.memory_space<vmem>>, vector<16xi32>,
    %get3A_370 = arith.constant 288 : index
    %get3A_371 = tpu.vector_load %arg11[%get3A_370] {strides = array<i32>} : memref<512xi32, #tpu.memory_space<vmem>>, vector<16xi32>,
    %get3A_372 = vector.shape_cast %get3A_371 : vector<16xi32> to vector<16xi32>
    %and3A_373 = arith.constant 524287 : i32
    %and3A_374 = vector.broadcast %and3A_373 : i32 to vector<16xi32>
    %and3A_375 = arith.andi %get3A_372, %and3A_374 : vector<16xi32>
    %swap3A_376 = arith.constant 288 : index
    %swap3A_377 = tpu.vector_load %arg13[%swap3A_376] {strides = array<i32>} : memref<512xi32, #tpu.memory_space<vmem>>, vector<16xi32>,
    %swap3A_378 = vector.shape_cast %swap3A_377 : vector<16xi32> to vector<16xi32>
    %swap3A_379 = vector.shape_cast %and3A_375 : vector<16xi32> to vector<16xi32>
    tpu.vector_store %arg13[%swap3A_376], %swap3A_379 {strides = array<i32>} : memref<512xi32, #tpu.memory_space<vmem>>, vector<16xi32>,
    %get3A_380 = arith.constant 304 : index
    %get3A_381 = tpu.vector_load %arg10[%get3A_380] {strides = array<i32>} : memref<512xi32, #tpu.memory_space<vmem>>, vector<16xi32>,
    %get3A_382 = vector.shape_cast %get3A_381 : vector<16xi32> to vector<16xi32>
    %and3A_383 = arith.constant 524287 : i32
    %and3A_384 = vector.broadcast %and3A_383 : i32 to vector<16xi32>
    %and3A_385 = arith.andi %get3A_382, %and3A_384 : vector<16xi32>
    %swap3A_386 = arith.constant 304 : index
    %swap3A_387 = tpu.vector_load %arg12[%swap3A_386] {strides = array<i32>} : memref<512xi32, #tpu.memory_space<vmem>>, vector<16xi32>,
    %swap3A_388 = vector.shape_cast %swap3A_387 : vector<16xi32> to vector<16xi32>
    %swap3A_389 = vector.shape_cast %and3A_385 : vector<16xi32> to vector<16xi32>
    tpu.vector_store %arg12[%swap3A_386], %swap3A_389 {strides = array<i32>} : memref<512xi32, #tpu.memory_space<vmem>>, vector<16xi32>,
    %get3A_390 = arith.constant 304 : index
    %get3A_391 = tpu.vector_load %arg11[%get3A_390] {strides = array<i32>} : memref<512xi32, #tpu.memory_space<vmem>>, vector<16xi32>,
    %get3A_392 = vector.shape_cast %get3A_391 : vector<16xi32> to vector<16xi32>
    %and3A_393 = arith.constant 524287 : i32
    %and3A_394 = vector.broadcast %and3A_393 : i32 to vector<16xi32>
    %and3A_395 = arith.andi %get3A_392, %and3A_394 : vector<16xi32>
    %swap3A_396 = arith.constant 304 : index
    %swap3A_397 = tpu.vector_load %arg13[%swap3A_396] {strides = array<i32>} : memref<512xi32, #tpu.memory_space<vmem>>, vector<16xi32>,
    %swap3A_398 = vector.shape_cast %swap3A_397 : vector<16xi32> to vector<16xi32>
    %swap3A_399 = vector.shape_cast %and3A_395 : vector<16xi32> to vector<16xi32>
    tpu.vector_store %arg13[%swap3A_396], %swap3A_399 {strides = array<i32>} : memref<512xi32, #tpu.memory_space<vmem>>, vector<16xi32>,
    %get3A_400 = arith.constant 320 : index
    %get3A_401 = tpu.vector_load %arg10[%get3A_400] {strides = array<i32>} : memref<512xi32, #tpu.memory_space<vmem>>, vector<16xi32>,
    %get3A_402 = vector.shape_cast %get3A_401 : vector<16xi32> to vector<16xi32>
    %and3A_403 = arith.constant 524287 : i32
    %and3A_404 = vector.broadcast %and3A_403 : i32 to vector<16xi32>
    %and3A_405 = arith.andi %get3A_402, %and3A_404 : vector<16xi32>
    %swap3A_406 = arith.constant 320 : index
    %swap3A_407 = tpu.vector_load %arg12[%swap3A_406] {strides = array<i32>} : memref<512xi32, #tpu.memory_space<vmem>>, vector<16xi32>,
    %swap3A_408 = vector.shape_cast %swap3A_407 : vector<16xi32> to vector<16xi32>
    %swap3A_409 = vector.shape_cast %and3A_405 : vector<16xi32> to vector<16xi32>
    tpu.vector_store %arg12[%swap3A_406], %swap3A_409 {strides = array<i32>} : memref<512xi32, #tpu.memory_space<vmem>>, vector<16xi32>,
    %get3A_410 = arith.constant 320 : index
    %get3A_411 = tpu.vector_load %arg11[%get3A_410] {strides = array<i32>} : memref<512xi32, #tpu.memory_space<vmem>>, vector<16xi32>,
    %get3A_412 = vector.shape_cast %get3A_411 : vector<16xi32> to vector<16xi32>
    %and3A_413 = arith.constant 524287 : i32
    %and3A_414 = vector.broadcast %and3A_413 : i32 to vector<16xi32>
    %and3A_415 = arith.andi %get3A_412, %and3A_414 : vector<16xi32>
    %swap3A_416 = arith.constant 320 : index
    %swap3A_417 = tpu.vector_load %arg13[%swap3A_416] {strides = array<i32>} : memref<512xi32, #tpu.memory_space<vmem>>, vector<16xi32>,
    %swap3A_418 = vector.shape_cast %swap3A_417 : vector<16xi32> to vector<16xi32>
    %swap3A_419 = vector.shape_cast %and3A_415 : vector<16xi32> to vector<16xi32>
    tpu.vector_store %arg13[%swap3A_416], %swap3A_419 {strides = array<i32>} : memref<512xi32, #tpu.memory_space<vmem>>, vector<16xi32>,
    %get3A_420 = arith.constant 336 : index
    %get3A_421 = tpu.vector_load %arg10[%get3A_420] {strides = array<i32>} : memref<512xi32, #tpu.memory_space<vmem>>, vector<16xi32>,
    %get3A_422 = vector.shape_cast %get3A_421 : vector<16xi32> to vector<16xi32>
    %and3A_423 = arith.constant 524287 : i32
    %and3A_424 = vector.broadcast %and3A_423 : i32 to vector<16xi32>
    %and3A_425 = arith.andi %get3A_422, %and3A_424 : vector<16xi32>
    %swap3A_426 = arith.constant 336 : index
    %swap3A_427 = tpu.vector_load %arg12[%swap3A_426] {strides = array<i32>} : memref<512xi32, #tpu.memory_space<vmem>>, vector<16xi32>,
    %swap3A_428 = vector.shape_cast %swap3A_427 : vector<16xi32> to vector<16xi32>
    %swap3A_429 = vector.shape_cast %and3A_425 : vector<16xi32> to vector<16xi32>
    tpu.vector_store %arg12[%swap3A_426], %swap3A_429 {strides = array<i32>} : memref<512xi32, #tpu.memory_space<vmem>>, vector<16xi32>,
    %get3A_430 = arith.constant 336 : index
    %get3A_431 = tpu.vector_load %arg11[%get3A_430] {strides = array<i32>} : memref<512xi32, #tpu.memory_space<vmem>>, vector<16xi32>,
    %get3A_432 = vector.shape_cast %get3A_431 : vector<16xi32> to vector<16xi32>
    %and3A_433 = arith.constant 524287 : i32
    %and3A_434 = vector.broadcast %and3A_433 : i32 to vector<16xi32>
    %and3A_435 = arith.andi %get3A_432, %and3A_434 : vector<16xi32>
    %swap3A_436 = arith.constant 336 : index
    %swap3A_437 = tpu.vector_load %arg13[%swap3A_436] {strides = array<i32>} : memref<512xi32, #tpu.memory_space<vmem>>, vector<16xi32>,
    %swap3A_438 = vector.shape_cast %swap3A_437 : vector<16xi32> to vector<16xi32>
    %swap3A_439 = vector.shape_cast %and3A_435 : vector<16xi32> to vector<16xi32>
    tpu.vector_store %arg13[%swap3A_436], %swap3A_439 {strides = array<i32>} : memref<512xi32, #tpu.memory_space<vmem>>, vector<16xi32>,
    %get3A_440 = arith.constant 352 : index
    %get3A_441 = tpu.vector_load %arg10[%get3A_440] {strides = array<i32>} : memref<512xi32, #tpu.memory_space<vmem>>, vector<16xi32>,
    %get3A_442 = vector.shape_cast %get3A_441 : vector<16xi32> to vector<16xi32>
    %and3A_443 = arith.constant 524287 : i32
    %and3A_444 = vector.broadcast %and3A_443 : i32 to vector<16xi32>
    %and3A_445 = arith.andi %get3A_442, %and3A_444 : vector<16xi32>
    %swap3A_446 = arith.constant 352 : index
    %swap3A_447 = tpu.vector_load %arg12[%swap3A_446] {strides = array<i32>} : memref<512xi32, #tpu.memory_space<vmem>>, vector<16xi32>,
    %swap3A_448 = vector.shape_cast %swap3A_447 : vector<16xi32> to vector<16xi32>
    %swap3A_449 = vector.shape_cast %and3A_445 : vector<16xi32> to vector<16xi32>
    tpu.vector_store %arg12[%swap3A_446], %swap3A_449 {strides = array<i32>} : memref<512xi32, #tpu.memory_space<vmem>>, vector<16xi32>,
    %get3A_450 = arith.constant 352 : index
    %get3A_451 = tpu.vector_load %arg11[%get3A_450] {strides = array<i32>} : memref<512xi32, #tpu.memory_space<vmem>>, vector<16xi32>,
    %get3A_452 = vector.shape_cast %get3A_451 : vector<16xi32> to vector<16xi32>
    %and3A_453 = arith.constant 524287 : i32
    %and3A_454 = vector.broadcast %and3A_453 : i32 to vector<16xi32>
    %and3A_455 = arith.andi %get3A_452, %and3A_454 : vector<16xi32>
    %swap3A_456 = arith.constant 352 : index
    %swap3A_457 = tpu.vector_load %arg13[%swap3A_456] {strides = array<i32>} : memref<512xi32, #tpu.memory_space<vmem>>, vector<16xi32>,
    %swap3A_458 = vector.shape_cast %swap3A_457 : vector<16xi32> to vector<16xi32>
    %swap3A_459 = vector.shape_cast %and3A_455 : vector<16xi32> to vector<16xi32>
    tpu.vector_store %arg13[%swap3A_456], %swap3A_459 {strides = array<i32>} : memref<512xi32, #tpu.memory_space<vmem>>, vector<16xi32>,
    %get3A_460 = arith.constant 368 : index
    %get3A_461 = tpu.vector_load %arg10[%get3A_460] {strides = array<i32>} : memref<512xi32, #tpu.memory_space<vmem>>, vector<16xi32>,
    %get3A_462 = vector.shape_cast %get3A_461 : vector<16xi32> to vector<16xi32>
    %and3A_463 = arith.constant 524287 : i32
    %and3A_464 = vector.broadcast %and3A_463 : i32 to vector<16xi32>
    %and3A_465 = arith.andi %get3A_462, %and3A_464 : vector<16xi32>
    %swap3A_466 = arith.constant 368 : index
    %swap3A_467 = tpu.vector_load %arg12[%swap3A_466] {strides = array<i32>} : memref<512xi32, #tpu.memory_space<vmem>>, vector<16xi32>,
    %swap3A_468 = vector.shape_cast %swap3A_467 : vector<16xi32> to vector<16xi32>
    %swap3A_469 = vector.shape_cast %and3A_465 : vector<16xi32> to vector<16xi32>
    tpu.vector_store %arg12[%swap3A_466], %swap3A_469 {strides = array<i32>} : memref<512xi32, #tpu.memory_space<vmem>>, vector<16xi32>,
    %get3A_470 = arith.constant 368 : index
    %get3A_471 = tpu.vector_load %arg11[%get3A_470] {strides = array<i32>} : memref<512xi32, #tpu.memory_space<vmem>>, vector<16xi32>,
    %get3A_472 = vector.shape_cast %get3A_471 : vector<16xi32> to vector<16xi32>
    %and3A_473 = arith.constant 524287 : i32
    %and3A_474 = vector.broadcast %and3A_473 : i32 to vector<16xi32>
    %and3A_475 = arith.andi %get3A_472, %and3A_474 : vector<16xi32>
    %swap3A_476 = arith.constant 368 : index
    %swap3A_477 = tpu.vector_load %arg13[%swap3A_476] {strides = array<i32>} : memref<512xi32, #tpu.memory_space<vmem>>, vector<16xi32>,
    %swap3A_478 = vector.shape_cast %swap3A_477 : vector<16xi32> to vector<16xi32>
    %swap3A_479 = vector.shape_cast %and3A_475 : vector<16xi32> to vector<16xi32>
    tpu.vector_store %arg13[%swap3A_476], %swap3A_479 {strides = array<i32>} : memref<512xi32, #tpu.memory_space<vmem>>, vector<16xi32>,
    %get3A_480 = arith.constant 384 : index
    %get3A_481 = tpu.vector_load %arg10[%get3A_480] {strides = array<i32>} : memref<512xi32, #tpu.memory_space<vmem>>, vector<16xi32>,
    %get3A_482 = vector.shape_cast %get3A_481 : vector<16xi32> to vector<16xi32>
    %and3A_483 = arith.constant 524287 : i32
    %and3A_484 = vector.broadcast %and3A_483 : i32 to vector<16xi32>
    %and3A_485 = arith.andi %get3A_482, %and3A_484 : vector<16xi32>
    %swap3A_486 = arith.constant 384 : index
    %swap3A_487 = tpu.vector_load %arg12[%swap3A_486] {strides = array<i32>} : memref<512xi32, #tpu.memory_space<vmem>>, vector<16xi32>,
    %swap3A_488 = vector.shape_cast %swap3A_487 : vector<16xi32> to vector<16xi32>
    %swap3A_489 = vector.shape_cast %and3A_485 : vector<16xi32> to vector<16xi32>
    tpu.vector_store %arg12[%swap3A_486], %swap3A_489 {strides = array<i32>} : memref<512xi32, #tpu.memory_space<vmem>>, vector<16xi32>,
    %get3A_490 = arith.constant 384 : index
    %get3A_491 = tpu.vector_load %arg11[%get3A_490] {strides = array<i32>} : memref<512xi32, #tpu.memory_space<vmem>>, vector<16xi32>,
    %get3A_492 = vector.shape_cast %get3A_491 : vector<16xi32> to vector<16xi32>
    %and3A_493 = arith.constant 524287 : i32
    %and3A_494 = vector.broadcast %and3A_493 : i32 to vector<16xi32>
    %and3A_495 = arith.andi %get3A_492, %and3A_494 : vector<16xi32>
    %swap3A_496 = arith.constant 384 : index
    %swap3A_497 = tpu.vector_load %arg13[%swap3A_496] {strides = array<i32>} : memref<512xi32, #tpu.memory_space<vmem>>, vector<16xi32>,
    %swap3A_498 = vector.shape_cast %swap3A_497 : vector<16xi32> to vector<16xi32>
    %swap3A_499 = vector.shape_cast %and3A_495 : vector<16xi32> to vector<16xi32>
    tpu.vector_store %arg13[%swap3A_496], %swap3A_499 {strides = array<i32>} : memref<512xi32, #tpu.memory_space<vmem>>, vector<16xi32>,
    %get3A_500 = arith.constant 400 : index
    %get3A_501 = tpu.vector_load %arg10[%get3A_500] {strides = array<i32>} : memref<512xi32, #tpu.memory_space<vmem>>, vector<16xi32>,
    %get3A_502 = vector.shape_cast %get3A_501 : vector<16xi32> to vector<16xi32>
    %and3A_503 = arith.constant 524287 : i32
    %and3A_504 = vector.broadcast %and3A_503 : i32 to vector<16xi32>
    %and3A_505 = arith.andi %get3A_502, %and3A_504 : vector<16xi32>
    %swap3A_506 = arith.constant 400 : index
    %swap3A_507 = tpu.vector_load %arg12[%swap3A_506] {strides = array<i32>} : memref<512xi32, #tpu.memory_space<vmem>>, vector<16xi32>,
    %swap3A_508 = vector.shape_cast %swap3A_507 : vector<16xi32> to vector<16xi32>
    %swap3A_509 = vector.shape_cast %and3A_505 : vector<16xi32> to vector<16xi32>
    tpu.vector_store %arg12[%swap3A_506], %swap3A_509 {strides = array<i32>} : memref<512xi32, #tpu.memory_space<vmem>>, vector<16xi32>,
    %get3A_510 = arith.constant 400 : index
    %get3A_511 = tpu.vector_load %arg11[%get3A_510] {strides = array<i32>} : memref<512xi32, #tpu.memory_space<vmem>>, vector<16xi32>,
    %get3A_512 = vector.shape_cast %get3A_511 : vector<16xi32> to vector<16xi32>
    %and3A_513 = arith.constant 524287 : i32
    %and3A_514 = vector.broadcast %and3A_513 : i32 to vector<16xi32>
    %and3A_515 = arith.andi %get3A_512, %and3A_514 : vector<16xi32>
    %swap3A_516 = arith.constant 400 : index
    %swap3A_517 = tpu.vector_load %arg13[%swap3A_516] {strides = array<i32>} : memref<512xi32, #tpu.memory_space<vmem>>, vector<16xi32>,
    %swap3A_518 = vector.shape_cast %swap3A_517 : vector<16xi32> to vector<16xi32>
    %swap3A_519 = vector.shape_cast %and3A_515 : vector<16xi32> to vector<16xi32>
    tpu.vector_store %arg13[%swap3A_516], %swap3A_519 {strides = array<i32>} : memref<512xi32, #tpu.memory_space<vmem>>, vector<16xi32>,
    %get3A_520 = arith.constant 416 : index
    %get3A_521 = tpu.vector_load %arg10[%get3A_520] {strides = array<i32>} : memref<512xi32, #tpu.memory_space<vmem>>, vector<16xi32>,
    %get3A_522 = vector.shape_cast %get3A_521 : vector<16xi32> to vector<16xi32>
    %and3A_523 = arith.constant 524287 : i32
    %and3A_524 = vector.broadcast %and3A_523 : i32 to vector<16xi32>
    %and3A_525 = arith.andi %get3A_522, %and3A_524 : vector<16xi32>
    %swap3A_526 = arith.constant 416 : index
    %swap3A_527 = tpu.vector_load %arg12[%swap3A_526] {strides = array<i32>} : memref<512xi32, #tpu.memory_space<vmem>>, vector<16xi32>,
    %swap3A_528 = vector.shape_cast %swap3A_527 : vector<16xi32> to vector<16xi32>
    %swap3A_529 = vector.shape_cast %and3A_525 : vector<16xi32> to vector<16xi32>
    tpu.vector_store %arg12[%swap3A_526], %swap3A_529 {strides = array<i32>} : memref<512xi32, #tpu.memory_space<vmem>>, vector<16xi32>,
    %get3A_530 = arith.constant 416 : index
    %get3A_531 = tpu.vector_load %arg11[%get3A_530] {strides = array<i32>} : memref<512xi32, #tpu.memory_space<vmem>>, vector<16xi32>,
    %get3A_532 = vector.shape_cast %get3A_531 : vector<16xi32> to vector<16xi32>
    %and3A_533 = arith.constant 524287 : i32
    %and3A_534 = vector.broadcast %and3A_533 : i32 to vector<16xi32>
    %and3A_535 = arith.andi %get3A_532, %and3A_534 : vector<16xi32>
    %swap3A_536 = arith.constant 416 : index
    %swap3A_537 = tpu.vector_load %arg13[%swap3A_536] {strides = array<i32>} : memref<512xi32, #tpu.memory_space<vmem>>, vector<16xi32>,
    %swap3A_538 = vector.shape_cast %swap3A_537 : vector<16xi32> to vector<16xi32>
    %swap3A_539 = vector.shape_cast %and3A_535 : vector<16xi32> to vector<16xi32>
    tpu.vector_store %arg13[%swap3A_536], %swap3A_539 {strides = array<i32>} : memref<512xi32, #tpu.memory_space<vmem>>, vector<16xi32>,
    %get3A_540 = arith.constant 432 : index
    %get3A_541 = tpu.vector_load %arg10[%get3A_540] {strides = array<i32>} : memref<512xi32, #tpu.memory_space<vmem>>, vector<16xi32>,
    %get3A_542 = vector.shape_cast %get3A_541 : vector<16xi32> to vector<16xi32>
    %and3A_543 = arith.constant 524287 : i32
    %and3A_544 = vector.broadcast %and3A_543 : i32 to vector<16xi32>
    %and3A_545 = arith.andi %get3A_542, %and3A_544 : vector<16xi32>
    %swap3A_546 = arith.constant 432 : index
    %swap3A_547 = tpu.vector_load %arg12[%swap3A_546] {strides = array<i32>} : memref<512xi32, #tpu.memory_space<vmem>>, vector<16xi32>,
    %swap3A_548 = vector.shape_cast %swap3A_547 : vector<16xi32> to vector<16xi32>
    %swap3A_549 = vector.shape_cast %and3A_545 : vector<16xi32> to vector<16xi32>
    tpu.vector_store %arg12[%swap3A_546], %swap3A_549 {strides = array<i32>} : memref<512xi32, #tpu.memory_space<vmem>>, vector<16xi32>,
    %get3A_550 = arith.constant 432 : index
    %get3A_551 = tpu.vector_load %arg11[%get3A_550] {strides = array<i32>} : memref<512xi32, #tpu.memory_space<vmem>>, vector<16xi32>,
    %get3A_552 = vector.shape_cast %get3A_551 : vector<16xi32> to vector<16xi32>
    %and3A_553 = arith.constant 524287 : i32
    %and3A_554 = vector.broadcast %and3A_553 : i32 to vector<16xi32>
    %and3A_555 = arith.andi %get3A_552, %and3A_554 : vector<16xi32>
    %swap3A_556 = arith.constant 432 : index
    %swap3A_557 = tpu.vector_load %arg13[%swap3A_556] {strides = array<i32>} : memref<512xi32, #tpu.memory_space<vmem>>, vector<16xi32>,
    %swap3A_558 = vector.shape_cast %swap3A_557 : vector<16xi32> to vector<16xi32>
    %swap3A_559 = vector.shape_cast %and3A_555 : vector<16xi32> to vector<16xi32>
    tpu.vector_store %arg13[%swap3A_556], %swap3A_559 {strides = array<i32>} : memref<512xi32, #tpu.memory_space<vmem>>, vector<16xi32>,
    %get3A_560 = arith.constant 448 : index
    %get3A_561 = tpu.vector_load %arg10[%get3A_560] {strides = array<i32>} : memref<512xi32, #tpu.memory_space<vmem>>, vector<16xi32>,
    %get3A_562 = vector.shape_cast %get3A_561 : vector<16xi32> to vector<16xi32>
    %and3A_563 = arith.constant 524287 : i32
    %and3A_564 = vector.broadcast %and3A_563 : i32 to vector<16xi32>
    %and3A_565 = arith.andi %get3A_562, %and3A_564 : vector<16xi32>
    %swap3A_566 = arith.constant 448 : index
    %swap3A_567 = tpu.vector_load %arg12[%swap3A_566] {strides = array<i32>} : memref<512xi32, #tpu.memory_space<vmem>>, vector<16xi32>,
    %swap3A_568 = vector.shape_cast %swap3A_567 : vector<16xi32> to vector<16xi32>
    %swap3A_569 = vector.shape_cast %and3A_565 : vector<16xi32> to vector<16xi32>
    tpu.vector_store %arg12[%swap3A_566], %swap3A_569 {strides = array<i32>} : memref<512xi32, #tpu.memory_space<vmem>>, vector<16xi32>,
    %get3A_570 = arith.constant 448 : index
    %get3A_571 = tpu.vector_load %arg11[%get3A_570] {strides = array<i32>} : memref<512xi32, #tpu.memory_space<vmem>>, vector<16xi32>,
    %get3A_572 = vector.shape_cast %get3A_571 : vector<16xi32> to vector<16xi32>
    %and3A_573 = arith.constant 524287 : i32
    %and3A_574 = vector.broadcast %and3A_573 : i32 to vector<16xi32>
    %and3A_575 = arith.andi %get3A_572, %and3A_574 : vector<16xi32>
    %swap3A_576 = arith.constant 448 : index
    %swap3A_577 = tpu.vector_load %arg13[%swap3A_576] {strides = array<i32>} : memref<512xi32, #tpu.memory_space<vmem>>, vector<16xi32>,
    %swap3A_578 = vector.shape_cast %swap3A_577 : vector<16xi32> to vector<16xi32>
    %swap3A_579 = vector.shape_cast %and3A_575 : vector<16xi32> to vector<16xi32>
    tpu.vector_store %arg13[%swap3A_576], %swap3A_579 {strides = array<i32>} : memref<512xi32, #tpu.memory_space<vmem>>, vector<16xi32>,
    %get3A_580 = arith.constant 464 : index
    %get3A_581 = tpu.vector_load %arg10[%get3A_580] {strides = array<i32>} : memref<512xi32, #tpu.memory_space<vmem>>, vector<16xi32>,
    %get3A_582 = vector.shape_cast %get3A_581 : vector<16xi32> to vector<16xi32>
    %and3A_583 = arith.constant 524287 : i32
    %and3A_584 = vector.broadcast %and3A_583 : i32 to vector<16xi32>
    %and3A_585 = arith.andi %get3A_582, %and3A_584 : vector<16xi32>
    %swap3A_586 = arith.constant 464 : index
    %swap3A_587 = tpu.vector_load %arg12[%swap3A_586] {strides = array<i32>} : memref<512xi32, #tpu.memory_space<vmem>>, vector<16xi32>,
    %swap3A_588 = vector.shape_cast %swap3A_587 : vector<16xi32> to vector<16xi32>
    %swap3A_589 = vector.shape_cast %and3A_585 : vector<16xi32> to vector<16xi32>
    tpu.vector_store %arg12[%swap3A_586], %swap3A_589 {strides = array<i32>} : memref<512xi32, #tpu.memory_space<vmem>>, vector<16xi32>,
    %get3A_590 = arith.constant 464 : index
    %get3A_591 = tpu.vector_load %arg11[%get3A_590] {strides = array<i32>} : memref<512xi32, #tpu.memory_space<vmem>>, vector<16xi32>,
    %get3A_592 = vector.shape_cast %get3A_591 : vector<16xi32> to vector<16xi32>
    %and3A_593 = arith.constant 524287 : i32
    %and3A_594 = vector.broadcast %and3A_593 : i32 to vector<16xi32>
    %and3A_595 = arith.andi %get3A_592, %and3A_594 : vector<16xi32>
    %swap3A_596 = arith.constant 464 : index
    %swap3A_597 = tpu.vector_load %arg13[%swap3A_596] {strides = array<i32>} : memref<512xi32, #tpu.memory_space<vmem>>, vector<16xi32>,
    %swap3A_598 = vector.shape_cast %swap3A_597 : vector<16xi32> to vector<16xi32>
    %swap3A_599 = vector.shape_cast %and3A_595 : vector<16xi32> to vector<16xi32>
    tpu.vector_store %arg13[%swap3A_596], %swap3A_599 {strides = array<i32>} : memref<512xi32, #tpu.memory_space<vmem>>, vector<16xi32>,
    %get3A_600 = arith.constant 480 : index
    %get3A_601 = tpu.vector_load %arg10[%get3A_600] {strides = array<i32>} : memref<512xi32, #tpu.memory_space<vmem>>, vector<16xi32>,
    %get3A_602 = vector.shape_cast %get3A_601 : vector<16xi32> to vector<16xi32>
    %and3A_603 = arith.constant 524287 : i32
    %and3A_604 = vector.broadcast %and3A_603 : i32 to vector<16xi32>
    %and3A_605 = arith.andi %get3A_602, %and3A_604 : vector<16xi32>
    %swap3A_606 = arith.constant 480 : index
    %swap3A_607 = tpu.vector_load %arg12[%swap3A_606] {strides = array<i32>} : memref<512xi32, #tpu.memory_space<vmem>>, vector<16xi32>,
    %swap3A_608 = vector.shape_cast %swap3A_607 : vector<16xi32> to vector<16xi32>
    %swap3A_609 = vector.shape_cast %and3A_605 : vector<16xi32> to vector<16xi32>
    tpu.vector_store %arg12[%swap3A_606], %swap3A_609 {strides = array<i32>} : memref<512xi32, #tpu.memory_space<vmem>>, vector<16xi32>,
    %get3A_610 = arith.constant 480 : index
    %get3A_611 = tpu.vector_load %arg11[%get3A_610] {strides = array<i32>} : memref<512xi32, #tpu.memory_space<vmem>>, vector<16xi32>,
    %get3A_612 = vector.shape_cast %get3A_611 : vector<16xi32> to vector<16xi32>
    %and3A_613 = arith.constant 524287 : i32
    %and3A_614 = vector.broadcast %and3A_613 : i32 to vector<16xi32>
    %and3A_615 = arith.andi %get3A_612, %and3A_614 : vector<16xi32>
    %swap3A_616 = arith.constant 480 : index
    %swap3A_617 = tpu.vector_load %arg13[%swap3A_616] {strides = array<i32>} : memref<512xi32, #tpu.memory_space<vmem>>, vector<16xi32>,
    %swap3A_618 = vector.shape_cast %swap3A_617 : vector<16xi32> to vector<16xi32>
    %swap3A_619 = vector.shape_cast %and3A_615 : vector<16xi32> to vector<16xi32>
    tpu.vector_store %arg13[%swap3A_616], %swap3A_619 {strides = array<i32>} : memref<512xi32, #tpu.memory_space<vmem>>, vector<16xi32>,
    %get3A_620 = arith.constant 496 : index
    %get3A_621 = tpu.vector_load %arg10[%get3A_620] {strides = array<i32>} : memref<512xi32, #tpu.memory_space<vmem>>, vector<16xi32>,
    %get3A_622 = vector.shape_cast %get3A_621 : vector<16xi32> to vector<16xi32>
    %and3A_623 = arith.constant 524287 : i32
    %and3A_624 = vector.broadcast %and3A_623 : i32 to vector<16xi32>
    %and3A_625 = arith.andi %get3A_622, %and3A_624 : vector<16xi32>
    %swap3A_626 = arith.constant 496 : index
    %swap3A_627 = tpu.vector_load %arg12[%swap3A_626] {strides = array<i32>} : memref<512xi32, #tpu.memory_space<vmem>>, vector<16xi32>,
    %swap3A_628 = vector.shape_cast %swap3A_627 : vector<16xi32> to vector<16xi32>
    %swap3A_629 = vector.shape_cast %and3A_625 : vector<16xi32> to vector<16xi32>
    tpu.vector_store %arg12[%swap3A_626], %swap3A_629 {strides = array<i32>} : memref<512xi32, #tpu.memory_space<vmem>>, vector<16xi32>,
    %get3A_630 = arith.constant 496 : index
    %get3A_631 = tpu.vector_load %arg11[%get3A_630] {strides = array<i32>} : memref<512xi32, #tpu.memory_space<vmem>>, vector<16xi32>,
    %get3A_632 = vector.shape_cast %get3A_631 : vector<16xi32> to vector<16xi32>
    %and3A_633 = arith.constant 524287 : i32
    %and3A_634 = vector.broadcast %and3A_633 : i32 to vector<16xi32>
    %and3A_635 = arith.andi %get3A_632, %and3A_634 : vector<16xi32>
    %swap3A_636 = arith.constant 496 : index
    %swap3A_637 = tpu.vector_load %arg13[%swap3A_636] {strides = array<i32>} : memref<512xi32, #tpu.memory_space<vmem>>, vector<16xi32>,
    %swap3A_638 = vector.shape_cast %swap3A_637 : vector<16xi32> to vector<16xi32>
    %swap3A_639 = vector.shape_cast %and3A_635 : vector<16xi32> to vector<16xi32>
    tpu.vector_store %arg13[%swap3A_636], %swap3A_639 {strides = array<i32>} : memref<512xi32, #tpu.memory_space<vmem>>, vector<16xi32>,
    %dma_start3A = arith.constant 0 : i32
    %dma_start3A_640 = tpu.memref_slice %arg14[%dma_start3A] : memref<512xf32, #tpu.memory_space<vmem>> -> memref<128xf32, #tpu.memory_space<vmem>>
    %dma_start3A_641 = arith.constant 0 : i32
    %dma_start3A_642 = tpu.memref_slice %arg12[%dma_start3A_641] : memref<512xi32, #tpu.memory_space<vmem>> -> memref<128xi32, #tpu.memory_space<vmem>>
    %dma_start3A_643 = arith.constant 0 : i32
    %dma_start3A_644 = tpu.memref_slice %arg4[%dma_start3A_643] : memref<524288xf32, #tpu.memory_space<hbm>> -> memref<524288xf32, #tpu.memory_space<hbm>>
    tpu.enqueue_indirect_dma source(%dma_start3A_644 : memref<524288xf32, #tpu.memory_space<hbm>>) target(%dma_start3A_640 : memref<128xf32, #tpu.memory_space<vmem>>) offsets(%dma_start3A_642 : memref<128xi32, #tpu.memory_space<vmem>>) semaphore(%arg20 : memref<!tpu.dma_semaphore, #tpu.memory_space<semaphore_mem>>)
    %dma_start3A_645 = arith.constant 0 : i32
    %dma_start3A_646 = tpu.memref_slice %arg15[%dma_start3A_645] : memref<512xf32, #tpu.memory_space<vmem>> -> memref<128xf32, #tpu.memory_space<vmem>>
    %dma_start3A_647 = arith.constant 0 : i32
    %dma_start3A_648 = tpu.memref_slice %arg12[%dma_start3A_647] : memref<512xi32, #tpu.memory_space<vmem>> -> memref<128xi32, #tpu.memory_space<vmem>>
    %dma_start3A_649 = arith.constant 0 : i32
    %dma_start3A_650 = tpu.memref_slice %arg5[%dma_start3A_649] : memref<524288xf32, #tpu.memory_space<hbm>> -> memref<524288xf32, #tpu.memory_space<hbm>>
    tpu.enqueue_indirect_dma source(%dma_start3A_650 : memref<524288xf32, #tpu.memory_space<hbm>>) target(%dma_start3A_646 : memref<128xf32, #tpu.memory_space<vmem>>) offsets(%dma_start3A_648 : memref<128xi32, #tpu.memory_space<vmem>>) semaphore(%arg20 : memref<!tpu.dma_semaphore, #tpu.memory_space<semaphore_mem>>)
    %dma_start3A_651 = arith.constant 0 : i32
    %dma_start3A_652 = tpu.memref_slice %arg16[%dma_start3A_651] : memref<512xf32, #tpu.memory_space<vmem>> -> memref<128xf32, #tpu.memory_space<vmem>>
    %dma_start3A_653 = arith.constant 0 : i32
    %dma_start3A_654 = tpu.memref_slice %arg13[%dma_start3A_653] : memref<512xi32, #tpu.memory_space<vmem>> -> memref<128xi32, #tpu.memory_space<vmem>>
    %dma_start3A_655 = arith.constant 0 : i32
    %dma_start3A_656 = tpu.memref_slice %arg6[%dma_start3A_655] : memref<524288xf32, #tpu.memory_space<hbm>> -> memref<524288xf32, #tpu.memory_space<hbm>>
    tpu.enqueue_indirect_dma source(%dma_start3A_656 : memref<524288xf32, #tpu.memory_space<hbm>>) target(%dma_start3A_652 : memref<128xf32, #tpu.memory_space<vmem>>) offsets(%dma_start3A_654 : memref<128xi32, #tpu.memory_space<vmem>>) semaphore(%arg20 : memref<!tpu.dma_semaphore, #tpu.memory_space<semaphore_mem>>)
    %dma_start3A_657 = arith.constant 0 : i32
    %dma_start3A_658 = tpu.memref_slice %arg17[%dma_start3A_657] : memref<512xf32, #tpu.memory_space<vmem>> -> memref<128xf32, #tpu.memory_space<vmem>>
    %dma_start3A_659 = arith.constant 0 : i32
    %dma_start3A_660 = tpu.memref_slice %arg13[%dma_start3A_659] : memref<512xi32, #tpu.memory_space<vmem>> -> memref<128xi32, #tpu.memory_space<vmem>>
    %dma_start3A_661 = arith.constant 0 : i32
    %dma_start3A_662 = tpu.memref_slice %arg7[%dma_start3A_661] : memref<524288xf32, #tpu.memory_space<hbm>> -> memref<524288xf32, #tpu.memory_space<hbm>>
    tpu.enqueue_indirect_dma source(%dma_start3A_662 : memref<524288xf32, #tpu.memory_space<hbm>>) target(%dma_start3A_658 : memref<128xf32, #tpu.memory_space<vmem>>) offsets(%dma_start3A_660 : memref<128xi32, #tpu.memory_space<vmem>>) semaphore(%arg20 : memref<!tpu.dma_semaphore, #tpu.memory_space<semaphore_mem>>)
    %dma_start3A_663 = arith.constant 128 : i32
    %dma_start3A_664 = tpu.memref_slice %arg14[%dma_start3A_663] : memref<512xf32, #tpu.memory_space<vmem>> -> memref<128xf32, #tpu.memory_space<vmem>>
    %dma_start3A_665 = arith.constant 128 : i32
    %dma_start3A_666 = tpu.memref_slice %arg12[%dma_start3A_665] : memref<512xi32, #tpu.memory_space<vmem>> -> memref<128xi32, #tpu.memory_space<vmem>>
    %dma_start3A_667 = arith.constant 0 : i32
    %dma_start3A_668 = tpu.memref_slice %arg4[%dma_start3A_667] : memref<524288xf32, #tpu.memory_space<hbm>> -> memref<524288xf32, #tpu.memory_space<hbm>>
    tpu.enqueue_indirect_dma source(%dma_start3A_668 : memref<524288xf32, #tpu.memory_space<hbm>>) target(%dma_start3A_664 : memref<128xf32, #tpu.memory_space<vmem>>) offsets(%dma_start3A_666 : memref<128xi32, #tpu.memory_space<vmem>>) semaphore(%arg20 : memref<!tpu.dma_semaphore, #tpu.memory_space<semaphore_mem>>)
    %dma_start3A_669 = arith.constant 128 : i32
    %dma_start3A_670 = tpu.memref_slice %arg15[%dma_start3A_669] : memref<512xf32, #tpu.memory_space<vmem>> -> memref<128xf32, #tpu.memory_space<vmem>>
    %dma_start3A_671 = arith.constant 128 : i32
    %dma_start3A_672 = tpu.memref_slice %arg12[%dma_start3A_671] : memref<512xi32, #tpu.memory_space<vmem>> -> memref<128xi32, #tpu.memory_space<vmem>>
    %dma_start3A_673 = arith.constant 0 : i32
    %dma_start3A_674 = tpu.memref_slice %arg5[%dma_start3A_673] : memref<524288xf32, #tpu.memory_space<hbm>> -> memref<524288xf32, #tpu.memory_space<hbm>>
    tpu.enqueue_indirect_dma source(%dma_start3A_674 : memref<524288xf32, #tpu.memory_space<hbm>>) target(%dma_start3A_670 : memref<128xf32, #tpu.memory_space<vmem>>) offsets(%dma_start3A_672 : memref<128xi32, #tpu.memory_space<vmem>>) semaphore(%arg20 : memref<!tpu.dma_semaphore, #tpu.memory_space<semaphore_mem>>)
    %dma_start3A_675 = arith.constant 128 : i32
    %dma_start3A_676 = tpu.memref_slice %arg16[%dma_start3A_675] : memref<512xf32, #tpu.memory_space<vmem>> -> memref<128xf32, #tpu.memory_space<vmem>>
    %dma_start3A_677 = arith.constant 128 : i32
    %dma_start3A_678 = tpu.memref_slice %arg13[%dma_start3A_677] : memref<512xi32, #tpu.memory_space<vmem>> -> memref<128xi32, #tpu.memory_space<vmem>>
    %dma_start3A_679 = arith.constant 0 : i32
    %dma_start3A_680 = tpu.memref_slice %arg6[%dma_start3A_679] : memref<524288xf32, #tpu.memory_space<hbm>> -> memref<524288xf32, #tpu.memory_space<hbm>>
    tpu.enqueue_indirect_dma source(%dma_start3A_680 : memref<524288xf32, #tpu.memory_space<hbm>>) target(%dma_start3A_676 : memref<128xf32, #tpu.memory_space<vmem>>) offsets(%dma_start3A_678 : memref<128xi32, #tpu.memory_space<vmem>>) semaphore(%arg20 : memref<!tpu.dma_semaphore, #tpu.memory_space<semaphore_mem>>)
    %dma_start3A_681 = arith.constant 128 : i32
    %dma_start3A_682 = tpu.memref_slice %arg17[%dma_start3A_681] : memref<512xf32, #tpu.memory_space<vmem>> -> memref<128xf32, #tpu.memory_space<vmem>>
    %dma_start3A_683 = arith.constant 128 : i32
    %dma_start3A_684 = tpu.memref_slice %arg13[%dma_start3A_683] : memref<512xi32, #tpu.memory_space<vmem>> -> memref<128xi32, #tpu.memory_space<vmem>>
    %dma_start3A_685 = arith.constant 0 : i32
    %dma_start3A_686 = tpu.memref_slice %arg7[%dma_start3A_685] : memref<524288xf32, #tpu.memory_space<hbm>> -> memref<524288xf32, #tpu.memory_space<hbm>>
    tpu.enqueue_indirect_dma source(%dma_start3A_686 : memref<524288xf32, #tpu.memory_space<hbm>>) target(%dma_start3A_682 : memref<128xf32, #tpu.memory_space<vmem>>) offsets(%dma_start3A_684 : memref<128xi32, #tpu.memory_space<vmem>>) semaphore(%arg20 : memref<!tpu.dma_semaphore, #tpu.memory_space<semaphore_mem>>)
    %dma_start3A_687 = arith.constant 256 : i32
    %dma_start3A_688 = tpu.memref_slice %arg14[%dma_start3A_687] : memref<512xf32, #tpu.memory_space<vmem>> -> memref<128xf32, #tpu.memory_space<vmem>>
    %dma_start3A_689 = arith.constant 256 : i32
    %dma_start3A_690 = tpu.memref_slice %arg12[%dma_start3A_689] : memref<512xi32, #tpu.memory_space<vmem>> -> memref<128xi32, #tpu.memory_space<vmem>>
    %dma_start3A_691 = arith.constant 0 : i32
    %dma_start3A_692 = tpu.memref_slice %arg4[%dma_start3A_691] : memref<524288xf32, #tpu.memory_space<hbm>> -> memref<524288xf32, #tpu.memory_space<hbm>>
    tpu.enqueue_indirect_dma source(%dma_start3A_692 : memref<524288xf32, #tpu.memory_space<hbm>>) target(%dma_start3A_688 : memref<128xf32, #tpu.memory_space<vmem>>) offsets(%dma_start3A_690 : memref<128xi32, #tpu.memory_space<vmem>>) semaphore(%arg20 : memref<!tpu.dma_semaphore, #tpu.memory_space<semaphore_mem>>)
    %dma_start3A_693 = arith.constant 256 : i32
    %dma_start3A_694 = tpu.memref_slice %arg15[%dma_start3A_693] : memref<512xf32, #tpu.memory_space<vmem>> -> memref<128xf32, #tpu.memory_space<vmem>>
    %dma_start3A_695 = arith.constant 256 : i32
    %dma_start3A_696 = tpu.memref_slice %arg12[%dma_start3A_695] : memref<512xi32, #tpu.memory_space<vmem>> -> memref<128xi32, #tpu.memory_space<vmem>>
    %dma_start3A_697 = arith.constant 0 : i32
    %dma_start3A_698 = tpu.memref_slice %arg5[%dma_start3A_697] : memref<524288xf32, #tpu.memory_space<hbm>> -> memref<524288xf32, #tpu.memory_space<hbm>>
    tpu.enqueue_indirect_dma source(%dma_start3A_698 : memref<524288xf32, #tpu.memory_space<hbm>>) target(%dma_start3A_694 : memref<128xf32, #tpu.memory_space<vmem>>) offsets(%dma_start3A_696 : memref<128xi32, #tpu.memory_space<vmem>>) semaphore(%arg20 : memref<!tpu.dma_semaphore, #tpu.memory_space<semaphore_mem>>)
    %dma_start3A_699 = arith.constant 256 : i32
    %dma_start3A_700 = tpu.memref_slice %arg16[%dma_start3A_699] : memref<512xf32, #tpu.memory_space<vmem>> -> memref<128xf32, #tpu.memory_space<vmem>>
    %dma_start3A_701 = arith.constant 256 : i32
    %dma_start3A_702 = tpu.memref_slice %arg13[%dma_start3A_701] : memref<512xi32, #tpu.memory_space<vmem>> -> memref<128xi32, #tpu.memory_space<vmem>>
    %dma_start3A_703 = arith.constant 0 : i32
    %dma_start3A_704 = tpu.memref_slice %arg6[%dma_start3A_703] : memref<524288xf32, #tpu.memory_space<hbm>> -> memref<524288xf32, #tpu.memory_space<hbm>>
    tpu.enqueue_indirect_dma source(%dma_start3A_704 : memref<524288xf32, #tpu.memory_space<hbm>>) target(%dma_start3A_700 : memref<128xf32, #tpu.memory_space<vmem>>) offsets(%dma_start3A_702 : memref<128xi32, #tpu.memory_space<vmem>>) semaphore(%arg20 : memref<!tpu.dma_semaphore, #tpu.memory_space<semaphore_mem>>)
    %dma_start3A_705 = arith.constant 256 : i32
    %dma_start3A_706 = tpu.memref_slice %arg17[%dma_start3A_705] : memref<512xf32, #tpu.memory_space<vmem>> -> memref<128xf32, #tpu.memory_space<vmem>>
    %dma_start3A_707 = arith.constant 256 : i32
    %dma_start3A_708 = tpu.memref_slice %arg13[%dma_start3A_707] : memref<512xi32, #tpu.memory_space<vmem>> -> memref<128xi32, #tpu.memory_space<vmem>>
    %dma_start3A_709 = arith.constant 0 : i32
    %dma_start3A_710 = tpu.memref_slice %arg7[%dma_start3A_709] : memref<524288xf32, #tpu.memory_space<hbm>> -> memref<524288xf32, #tpu.memory_space<hbm>>
    tpu.enqueue_indirect_dma source(%dma_start3A_710 : memref<524288xf32, #tpu.memory_space<hbm>>) target(%dma_start3A_706 : memref<128xf32, #tpu.memory_space<vmem>>) offsets(%dma_start3A_708 : memref<128xi32, #tpu.memory_space<vmem>>) semaphore(%arg20 : memref<!tpu.dma_semaphore, #tpu.memory_space<semaphore_mem>>)
    %dma_start3A_711 = arith.constant 384 : i32
    %dma_start3A_712 = tpu.memref_slice %arg14[%dma_start3A_711] : memref<512xf32, #tpu.memory_space<vmem>> -> memref<128xf32, #tpu.memory_space<vmem>>
    %dma_start3A_713 = arith.constant 384 : i32
    %dma_start3A_714 = tpu.memref_slice %arg12[%dma_start3A_713] : memref<512xi32, #tpu.memory_space<vmem>> -> memref<128xi32, #tpu.memory_space<vmem>>
    %dma_start3A_715 = arith.constant 0 : i32
    %dma_start3A_716 = tpu.memref_slice %arg4[%dma_start3A_715] : memref<524288xf32, #tpu.memory_space<hbm>> -> memref<524288xf32, #tpu.memory_space<hbm>>
    tpu.enqueue_indirect_dma source(%dma_start3A_716 : memref<524288xf32, #tpu.memory_space<hbm>>) target(%dma_start3A_712 : memref<128xf32, #tpu.memory_space<vmem>>) offsets(%dma_start3A_714 : memref<128xi32, #tpu.memory_space<vmem>>) semaphore(%arg20 : memref<!tpu.dma_semaphore, #tpu.memory_space<semaphore_mem>>)
    %dma_start3A_717 = arith.constant 384 : i32
    %dma_start3A_718 = tpu.memref_slice %arg15[%dma_start3A_717] : memref<512xf32, #tpu.memory_space<vmem>> -> memref<128xf32, #tpu.memory_space<vmem>>
    %dma_start3A_719 = arith.constant 384 : i32
    %dma_start3A_720 = tpu.memref_slice %arg12[%dma_start3A_719] : memref<512xi32, #tpu.memory_space<vmem>> -> memref<128xi32, #tpu.memory_space<vmem>>
    %dma_start3A_721 = arith.constant 0 : i32
    %dma_start3A_722 = tpu.memref_slice %arg5[%dma_start3A_721] : memref<524288xf32, #tpu.memory_space<hbm>> -> memref<524288xf32, #tpu.memory_space<hbm>>
    tpu.enqueue_indirect_dma source(%dma_start3A_722 : memref<524288xf32, #tpu.memory_space<hbm>>) target(%dma_start3A_718 : memref<128xf32, #tpu.memory_space<vmem>>) offsets(%dma_start3A_720 : memref<128xi32, #tpu.memory_space<vmem>>) semaphore(%arg20 : memref<!tpu.dma_semaphore, #tpu.memory_space<semaphore_mem>>)
    %dma_start3A_723 = arith.constant 384 : i32
    %dma_start3A_724 = tpu.memref_slice %arg16[%dma_start3A_723] : memref<512xf32, #tpu.memory_space<vmem>> -> memref<128xf32, #tpu.memory_space<vmem>>
    %dma_start3A_725 = arith.constant 384 : i32
    %dma_start3A_726 = tpu.memref_slice %arg13[%dma_start3A_725] : memref<512xi32, #tpu.memory_space<vmem>> -> memref<128xi32, #tpu.memory_space<vmem>>
    %dma_start3A_727 = arith.constant 0 : i32
    %dma_start3A_728 = tpu.memref_slice %arg6[%dma_start3A_727] : memref<524288xf32, #tpu.memory_space<hbm>> -> memref<524288xf32, #tpu.memory_space<hbm>>
    tpu.enqueue_indirect_dma source(%dma_start3A_728 : memref<524288xf32, #tpu.memory_space<hbm>>) target(%dma_start3A_724 : memref<128xf32, #tpu.memory_space<vmem>>) offsets(%dma_start3A_726 : memref<128xi32, #tpu.memory_space<vmem>>) semaphore(%arg20 : memref<!tpu.dma_semaphore, #tpu.memory_space<semaphore_mem>>)
    %dma_start3A_729 = arith.constant 384 : i32
    %dma_start3A_730 = tpu.memref_slice %arg17[%dma_start3A_729] : memref<512xf32, #tpu.memory_space<vmem>> -> memref<128xf32, #tpu.memory_space<vmem>>
    %dma_start3A_731 = arith.constant 384 : i32
    %dma_start3A_732 = tpu.memref_slice %arg13[%dma_start3A_731] : memref<512xi32, #tpu.memory_space<vmem>> -> memref<128xi32, #tpu.memory_space<vmem>>
    %dma_start3A_733 = arith.constant 0 : i32
    %dma_start3A_734 = tpu.memref_slice %arg7[%dma_start3A_733] : memref<524288xf32, #tpu.memory_space<hbm>> -> memref<524288xf32, #tpu.memory_space<hbm>>
    tpu.enqueue_indirect_dma source(%dma_start3A_734 : memref<524288xf32, #tpu.memory_space<hbm>>) target(%dma_start3A_730 : memref<128xf32, #tpu.memory_space<vmem>>) offsets(%dma_start3A_732 : memref<128xi32, #tpu.memory_space<vmem>>) semaphore(%arg20 : memref<!tpu.dma_semaphore, #tpu.memory_space<semaphore_mem>>)
    %dma_wait3A = arith.constant 0 : i32
    %dma_wait3A_735 = tpu.memref_slice %arg14[%dma_wait3A] : memref<512xf32, #tpu.memory_space<vmem>> -> memref<128xf32, #tpu.memory_space<vmem>>
    %dma_wait3A_736 = arith.constant 0 : i32
    %dma_wait3A_737 = tpu.memref_slice %arg12[%dma_wait3A_736] : memref<512xi32, #tpu.memory_space<vmem>> -> memref<128xi32, #tpu.memory_space<vmem>>
    %dma_wait3A_738 = arith.constant 0 : i32
    %dma_wait3A_739 = tpu.memref_slice %arg4[%dma_wait3A_738] : memref<524288xf32, #tpu.memory_space<hbm>> -> memref<524288xf32, #tpu.memory_space<hbm>>
    tpu.wait_indirect_dma semaphore(%arg20 : memref<!tpu.dma_semaphore, #tpu.memory_space<semaphore_mem>>) src(%dma_wait3A_739 : memref<524288xf32, #tpu.memory_space<hbm>>) dst(%dma_wait3A_735 : memref<128xf32, #tpu.memory_space<vmem>>)
    %dma_wait3A_740 = arith.constant 0 : i32
    %dma_wait3A_741 = tpu.memref_slice %arg15[%dma_wait3A_740] : memref<512xf32, #tpu.memory_space<vmem>> -> memref<128xf32, #tpu.memory_space<vmem>>
    %dma_wait3A_742 = arith.constant 0 : i32
    %dma_wait3A_743 = tpu.memref_slice %arg12[%dma_wait3A_742] : memref<512xi32, #tpu.memory_space<vmem>> -> memref<128xi32, #tpu.memory_space<vmem>>
    %dma_wait3A_744 = arith.constant 0 : i32
    %dma_wait3A_745 = tpu.memref_slice %arg5[%dma_wait3A_744] : memref<524288xf32, #tpu.memory_space<hbm>> -> memref<524288xf32, #tpu.memory_space<hbm>>
    tpu.wait_indirect_dma semaphore(%arg20 : memref<!tpu.dma_semaphore, #tpu.memory_space<semaphore_mem>>) src(%dma_wait3A_745 : memref<524288xf32, #tpu.memory_space<hbm>>) dst(%dma_wait3A_741 : memref<128xf32, #tpu.memory_space<vmem>>)
    %dma_wait3A_746 = arith.constant 0 : i32
    %dma_wait3A_747 = tpu.memref_slice %arg16[%dma_wait3A_746] : memref<512xf32, #tpu.memory_space<vmem>> -> memref<128xf32, #tpu.memory_space<vmem>>
    %dma_wait3A_748 = arith.constant 0 : i32
    %dma_wait3A_749 = tpu.memref_slice %arg13[%dma_wait3A_748] : memref<512xi32, #tpu.memory_space<vmem>> -> memref<128xi32, #tpu.memory_space<vmem>>
    %dma_wait3A_750 = arith.constant 0 : i32
    %dma_wait3A_751 = tpu.memref_slice %arg6[%dma_wait3A_750] : memref<524288xf32, #tpu.memory_space<hbm>> -> memref<524288xf32, #tpu.memory_space<hbm>>
    tpu.wait_indirect_dma semaphore(%arg20 : memref<!tpu.dma_semaphore, #tpu.memory_space<semaphore_mem>>) src(%dma_wait3A_751 : memref<524288xf32, #tpu.memory_space<hbm>>) dst(%dma_wait3A_747 : memref<128xf32, #tpu.memory_space<vmem>>)
    %dma_wait3A_752 = arith.constant 0 : i32
    %dma_wait3A_753 = tpu.memref_slice %arg17[%dma_wait3A_752] : memref<512xf32, #tpu.memory_space<vmem>> -> memref<128xf32, #tpu.memory_space<vmem>>
    %dma_wait3A_754 = arith.constant 0 : i32
    %dma_wait3A_755 = tpu.memref_slice %arg13[%dma_wait3A_754] : memref<512xi32, #tpu.memory_space<vmem>> -> memref<128xi32, #tpu.memory_space<vmem>>
    %dma_wait3A_756 = arith.constant 0 : i32
    %dma_wait3A_757 = tpu.memref_slice %arg7[%dma_wait3A_756] : memref<524288xf32, #tpu.memory_space<hbm>> -> memref<524288xf32, #tpu.memory_space<hbm>>
    tpu.wait_indirect_dma semaphore(%arg20 : memref<!tpu.dma_semaphore, #tpu.memory_space<semaphore_mem>>) src(%dma_wait3A_757 : memref<524288xf32, #tpu.memory_space<hbm>>) dst(%dma_wait3A_753 : memref<128xf32, #tpu.memory_space<vmem>>)
    %dma_wait3A_758 = arith.constant 128 : i32
    %dma_wait3A_759 = tpu.memref_slice %arg14[%dma_wait3A_758] : memref<512xf32, #tpu.memory_space<vmem>> -> memref<128xf32, #tpu.memory_space<vmem>>
    %dma_wait3A_760 = arith.constant 128 : i32
    %dma_wait3A_761 = tpu.memref_slice %arg12[%dma_wait3A_760] : memref<512xi32, #tpu.memory_space<vmem>> -> memref<128xi32, #tpu.memory_space<vmem>>
    %dma_wait3A_762 = arith.constant 0 : i32
    %dma_wait3A_763 = tpu.memref_slice %arg4[%dma_wait3A_762] : memref<524288xf32, #tpu.memory_space<hbm>> -> memref<524288xf32, #tpu.memory_space<hbm>>
    tpu.wait_indirect_dma semaphore(%arg20 : memref<!tpu.dma_semaphore, #tpu.memory_space<semaphore_mem>>) src(%dma_wait3A_763 : memref<524288xf32, #tpu.memory_space<hbm>>) dst(%dma_wait3A_759 : memref<128xf32, #tpu.memory_space<vmem>>)
    %dma_wait3A_764 = arith.constant 128 : i32
    %dma_wait3A_765 = tpu.memref_slice %arg15[%dma_wait3A_764] : memref<512xf32, #tpu.memory_space<vmem>> -> memref<128xf32, #tpu.memory_space<vmem>>
    %dma_wait3A_766 = arith.constant 128 : i32
    %dma_wait3A_767 = tpu.memref_slice %arg12[%dma_wait3A_766] : memref<512xi32, #tpu.memory_space<vmem>> -> memref<128xi32, #tpu.memory_space<vmem>>
    %dma_wait3A_768 = arith.constant 0 : i32
    %dma_wait3A_769 = tpu.memref_slice %arg5[%dma_wait3A_768] : memref<524288xf32, #tpu.memory_space<hbm>> -> memref<524288xf32, #tpu.memory_space<hbm>>
    tpu.wait_indirect_dma semaphore(%arg20 : memref<!tpu.dma_semaphore, #tpu.memory_space<semaphore_mem>>) src(%dma_wait3A_769 : memref<524288xf32, #tpu.memory_space<hbm>>) dst(%dma_wait3A_765 : memref<128xf32, #tpu.memory_space<vmem>>)
    %dma_wait3A_770 = arith.constant 128 : i32
    %dma_wait3A_771 = tpu.memref_slice %arg16[%dma_wait3A_770] : memref<512xf32, #tpu.memory_space<vmem>> -> memref<128xf32, #tpu.memory_space<vmem>>
    %dma_wait3A_772 = arith.constant 128 : i32
    %dma_wait3A_773 = tpu.memref_slice %arg13[%dma_wait3A_772] : memref<512xi32, #tpu.memory_space<vmem>> -> memref<128xi32, #tpu.memory_space<vmem>>
    %dma_wait3A_774 = arith.constant 0 : i32
    %dma_wait3A_775 = tpu.memref_slice %arg6[%dma_wait3A_774] : memref<524288xf32, #tpu.memory_space<hbm>> -> memref<524288xf32, #tpu.memory_space<hbm>>
    tpu.wait_indirect_dma semaphore(%arg20 : memref<!tpu.dma_semaphore, #tpu.memory_space<semaphore_mem>>) src(%dma_wait3A_775 : memref<524288xf32, #tpu.memory_space<hbm>>) dst(%dma_wait3A_771 : memref<128xf32, #tpu.memory_space<vmem>>)
    %dma_wait3A_776 = arith.constant 128 : i32
    %dma_wait3A_777 = tpu.memref_slice %arg17[%dma_wait3A_776] : memref<512xf32, #tpu.memory_space<vmem>> -> memref<128xf32, #tpu.memory_space<vmem>>
    %dma_wait3A_778 = arith.constant 128 : i32
    %dma_wait3A_779 = tpu.memref_slice %arg13[%dma_wait3A_778] : memref<512xi32, #tpu.memory_space<vmem>> -> memref<128xi32, #tpu.memory_space<vmem>>
    %dma_wait3A_780 = arith.constant 0 : i32
    %dma_wait3A_781 = tpu.memref_slice %arg7[%dma_wait3A_780] : memref<524288xf32, #tpu.memory_space<hbm>> -> memref<524288xf32, #tpu.memory_space<hbm>>
    tpu.wait_indirect_dma semaphore(%arg20 : memref<!tpu.dma_semaphore, #tpu.memory_space<semaphore_mem>>) src(%dma_wait3A_781 : memref<524288xf32, #tpu.memory_space<hbm>>) dst(%dma_wait3A_777 : memref<128xf32, #tpu.memory_space<vmem>>)
    %dma_wait3A_782 = arith.constant 256 : i32
    %dma_wait3A_783 = tpu.memref_slice %arg14[%dma_wait3A_782] : memref<512xf32, #tpu.memory_space<vmem>> -> memref<128xf32, #tpu.memory_space<vmem>>
    %dma_wait3A_784 = arith.constant 256 : i32
    %dma_wait3A_785 = tpu.memref_slice %arg12[%dma_wait3A_784] : memref<512xi32, #tpu.memory_space<vmem>> -> memref<128xi32, #tpu.memory_space<vmem>>
    %dma_wait3A_786 = arith.constant 0 : i32
    %dma_wait3A_787 = tpu.memref_slice %arg4[%dma_wait3A_786] : memref<524288xf32, #tpu.memory_space<hbm>> -> memref<524288xf32, #tpu.memory_space<hbm>>
    tpu.wait_indirect_dma semaphore(%arg20 : memref<!tpu.dma_semaphore, #tpu.memory_space<semaphore_mem>>) src(%dma_wait3A_787 : memref<524288xf32, #tpu.memory_space<hbm>>) dst(%dma_wait3A_783 : memref<128xf32, #tpu.memory_space<vmem>>)
    %dma_wait3A_788 = arith.constant 256 : i32
    %dma_wait3A_789 = tpu.memref_slice %arg15[%dma_wait3A_788] : memref<512xf32, #tpu.memory_space<vmem>> -> memref<128xf32, #tpu.memory_space<vmem>>
    %dma_wait3A_790 = arith.constant 256 : i32
    %dma_wait3A_791 = tpu.memref_slice %arg12[%dma_wait3A_790] : memref<512xi32, #tpu.memory_space<vmem>> -> memref<128xi32, #tpu.memory_space<vmem>>
    %dma_wait3A_792 = arith.constant 0 : i32
    %dma_wait3A_793 = tpu.memref_slice %arg5[%dma_wait3A_792] : memref<524288xf32, #tpu.memory_space<hbm>> -> memref<524288xf32, #tpu.memory_space<hbm>>
    tpu.wait_indirect_dma semaphore(%arg20 : memref<!tpu.dma_semaphore, #tpu.memory_space<semaphore_mem>>) src(%dma_wait3A_793 : memref<524288xf32, #tpu.memory_space<hbm>>) dst(%dma_wait3A_789 : memref<128xf32, #tpu.memory_space<vmem>>)
    %dma_wait3A_794 = arith.constant 256 : i32
    %dma_wait3A_795 = tpu.memref_slice %arg16[%dma_wait3A_794] : memref<512xf32, #tpu.memory_space<vmem>> -> memref<128xf32, #tpu.memory_space<vmem>>
    %dma_wait3A_796 = arith.constant 256 : i32
    %dma_wait3A_797 = tpu.memref_slice %arg13[%dma_wait3A_796] : memref<512xi32, #tpu.memory_space<vmem>> -> memref<128xi32, #tpu.memory_space<vmem>>
    %dma_wait3A_798 = arith.constant 0 : i32
    %dma_wait3A_799 = tpu.memref_slice %arg6[%dma_wait3A_798] : memref<524288xf32, #tpu.memory_space<hbm>> -> memref<524288xf32, #tpu.memory_space<hbm>>
    tpu.wait_indirect_dma semaphore(%arg20 : memref<!tpu.dma_semaphore, #tpu.memory_space<semaphore_mem>>) src(%dma_wait3A_799 : memref<524288xf32, #tpu.memory_space<hbm>>) dst(%dma_wait3A_795 : memref<128xf32, #tpu.memory_space<vmem>>)
    %dma_wait3A_800 = arith.constant 256 : i32
    %dma_wait3A_801 = tpu.memref_slice %arg17[%dma_wait3A_800] : memref<512xf32, #tpu.memory_space<vmem>> -> memref<128xf32, #tpu.memory_space<vmem>>
    %dma_wait3A_802 = arith.constant 256 : i32
    %dma_wait3A_803 = tpu.memref_slice %arg13[%dma_wait3A_802] : memref<512xi32, #tpu.memory_space<vmem>> -> memref<128xi32, #tpu.memory_space<vmem>>
    %dma_wait3A_804 = arith.constant 0 : i32
    %dma_wait3A_805 = tpu.memref_slice %arg7[%dma_wait3A_804] : memref<524288xf32, #tpu.memory_space<hbm>> -> memref<524288xf32, #tpu.memory_space<hbm>>
    tpu.wait_indirect_dma semaphore(%arg20 : memref<!tpu.dma_semaphore, #tpu.memory_space<semaphore_mem>>) src(%dma_wait3A_805 : memref<524288xf32, #tpu.memory_space<hbm>>) dst(%dma_wait3A_801 : memref<128xf32, #tpu.memory_space<vmem>>)
    %dma_wait3A_806 = arith.constant 384 : i32
    %dma_wait3A_807 = tpu.memref_slice %arg14[%dma_wait3A_806] : memref<512xf32, #tpu.memory_space<vmem>> -> memref<128xf32, #tpu.memory_space<vmem>>
    %dma_wait3A_808 = arith.constant 384 : i32
    %dma_wait3A_809 = tpu.memref_slice %arg12[%dma_wait3A_808] : memref<512xi32, #tpu.memory_space<vmem>> -> memref<128xi32, #tpu.memory_space<vmem>>
    %dma_wait3A_810 = arith.constant 0 : i32
    %dma_wait3A_811 = tpu.memref_slice %arg4[%dma_wait3A_810] : memref<524288xf32, #tpu.memory_space<hbm>> -> memref<524288xf32, #tpu.memory_space<hbm>>
    tpu.wait_indirect_dma semaphore(%arg20 : memref<!tpu.dma_semaphore, #tpu.memory_space<semaphore_mem>>) src(%dma_wait3A_811 : memref<524288xf32, #tpu.memory_space<hbm>>) dst(%dma_wait3A_807 : memref<128xf32, #tpu.memory_space<vmem>>)
    %dma_wait3A_812 = arith.constant 384 : i32
    %dma_wait3A_813 = tpu.memref_slice %arg15[%dma_wait3A_812] : memref<512xf32, #tpu.memory_space<vmem>> -> memref<128xf32, #tpu.memory_space<vmem>>
    %dma_wait3A_814 = arith.constant 384 : i32
    %dma_wait3A_815 = tpu.memref_slice %arg12[%dma_wait3A_814] : memref<512xi32, #tpu.memory_space<vmem>> -> memref<128xi32, #tpu.memory_space<vmem>>
    %dma_wait3A_816 = arith.constant 0 : i32
    %dma_wait3A_817 = tpu.memref_slice %arg5[%dma_wait3A_816] : memref<524288xf32, #tpu.memory_space<hbm>> -> memref<524288xf32, #tpu.memory_space<hbm>>
    tpu.wait_indirect_dma semaphore(%arg20 : memref<!tpu.dma_semaphore, #tpu.memory_space<semaphore_mem>>) src(%dma_wait3A_817 : memref<524288xf32, #tpu.memory_space<hbm>>) dst(%dma_wait3A_813 : memref<128xf32, #tpu.memory_space<vmem>>)
    %dma_wait3A_818 = arith.constant 384 : i32
    %dma_wait3A_819 = tpu.memref_slice %arg16[%dma_wait3A_818] : memref<512xf32, #tpu.memory_space<vmem>> -> memref<128xf32, #tpu.memory_space<vmem>>
    %dma_wait3A_820 = arith.constant 384 : i32
    %dma_wait3A_821 = tpu.memref_slice %arg13[%dma_wait3A_820] : memref<512xi32, #tpu.memory_space<vmem>> -> memref<128xi32, #tpu.memory_space<vmem>>
    %dma_wait3A_822 = arith.constant 0 : i32
    %dma_wait3A_823 = tpu.memref_slice %arg6[%dma_wait3A_822] : memref<524288xf32, #tpu.memory_space<hbm>> -> memref<524288xf32, #tpu.memory_space<hbm>>
    tpu.wait_indirect_dma semaphore(%arg20 : memref<!tpu.dma_semaphore, #tpu.memory_space<semaphore_mem>>) src(%dma_wait3A_823 : memref<524288xf32, #tpu.memory_space<hbm>>) dst(%dma_wait3A_819 : memref<128xf32, #tpu.memory_space<vmem>>)
    %dma_wait3A_824 = arith.constant 384 : i32
    %dma_wait3A_825 = tpu.memref_slice %arg17[%dma_wait3A_824] : memref<512xf32, #tpu.memory_space<vmem>> -> memref<128xf32, #tpu.memory_space<vmem>>
    %dma_wait3A_826 = arith.constant 384 : i32
    %dma_wait3A_827 = tpu.memref_slice %arg13[%dma_wait3A_826] : memref<512xi32, #tpu.memory_space<vmem>> -> memref<128xi32, #tpu.memory_space<vmem>>
    %dma_wait3A_828 = arith.constant 0 : i32
    %dma_wait3A_829 = tpu.memref_slice %arg7[%dma_wait3A_828] : memref<524288xf32, #tpu.memory_space<hbm>> -> memref<524288xf32, #tpu.memory_space<hbm>>
    tpu.wait_indirect_dma semaphore(%arg20 : memref<!tpu.dma_semaphore, #tpu.memory_space<semaphore_mem>>) src(%dma_wait3A_829 : memref<524288xf32, #tpu.memory_space<hbm>>) dst(%dma_wait3A_825 : memref<128xf32, #tpu.memory_space<vmem>>)
    %get3A_830 = arith.constant 0 : index
    %get3A_831 = tpu.vector_load %arg18[%get3A_830] {strides = array<i32>} : memref<16xf32, #tpu.memory_space<vmem>>, vector<16xf32>,
    %get3A_832 = vector.shape_cast %get3A_831 : vector<16xf32> to vector<16xf32>
    %get3A_833 = arith.constant 0 : index
    %get3A_834 = tpu.vector_load %arg10[%get3A_833] {strides = array<i32>} : memref<512xi32, #tpu.memory_space<vmem>>, vector<16xi32>,
    %get3A_835 = vector.shape_cast %get3A_834 : vector<16xi32> to vector<16xi32>
    %lt3A = arith.constant 524288 : i32
    %lt3A_836 = vector.broadcast %lt3A : i32 to vector<16xi32>
    %lt3A_837 = arith.cmpi slt, %get3A_835, %lt3A_836 : vector<16xi32>
    %get3A_838 = arith.constant 0 : index
    %get3A_839 = tpu.vector_load %arg14[%get3A_838] {strides = array<i32>} : memref<512xf32, #tpu.memory_space<vmem>>, vector<16xf32>,
    %get3A_840 = vector.shape_cast %get3A_839 : vector<16xf32> to vector<16xf32>
    %get3A_841 = arith.constant 0 : index
    %get3A_842 = tpu.vector_load %arg15[%get3A_841] {strides = array<i32>} : memref<512xf32, #tpu.memory_space<vmem>>, vector<16xf32>,
    %get3A_843 = vector.shape_cast %get3A_842 : vector<16xf32> to vector<16xf32>
    %select_n3A = arith.select %lt3A_837, %get3A_840, %get3A_843 : vector<16xi1>, vector<16xf32>
    %get3A_844 = arith.constant 0 : index
    %get3A_845 = tpu.vector_load %arg11[%get3A_844] {strides = array<i32>} : memref<512xi32, #tpu.memory_space<vmem>>, vector<16xi32>,
    %get3A_846 = vector.shape_cast %get3A_845 : vector<16xi32> to vector<16xi32>
    %lt3A_847 = arith.constant 524288 : i32
    %lt3A_848 = vector.broadcast %lt3A_847 : i32 to vector<16xi32>
    %lt3A_849 = arith.cmpi slt, %get3A_846, %lt3A_848 : vector<16xi32>
    %get3A_850 = arith.constant 0 : index
    %get3A_851 = tpu.vector_load %arg16[%get3A_850] {strides = array<i32>} : memref<512xf32, #tpu.memory_space<vmem>>, vector<16xf32>,
    %get3A_852 = vector.shape_cast %get3A_851 : vector<16xf32> to vector<16xf32>
    %get3A_853 = arith.constant 0 : index
    %get3A_854 = tpu.vector_load %arg17[%get3A_853] {strides = array<i32>} : memref<512xf32, #tpu.memory_space<vmem>>, vector<16xf32>,
    %get3A_855 = vector.shape_cast %get3A_854 : vector<16xf32> to vector<16xf32>
    %select_n3A_856 = arith.select %lt3A_849, %get3A_852, %get3A_855 : vector<16xi1>, vector<16xf32>
    %add3A_857 = arith.addf %select_n3A, %select_n3A_856 : vector<16xf32>
    %add3A_858 = arith.addf %add3A_857, %get3A_832 : vector<16xf32>
    %swap3A_859 = arith.constant 0 : index
    %swap3A_860 = tpu.vector_load %arg19[%swap3A_859] {strides = array<i32>} : memref<512xf32, #tpu.memory_space<vmem>>, vector<16xf32>,
    %swap3A_861 = vector.shape_cast %swap3A_860 : vector<16xf32> to vector<16xf32>
    %swap3A_862 = vector.shape_cast %add3A_858 : vector<16xf32> to vector<16xf32>
    tpu.vector_store %arg19[%swap3A_859], %swap3A_862 {strides = array<i32>} : memref<512xf32, #tpu.memory_space<vmem>>, vector<16xf32>,
    %get3A_863 = arith.constant 16 : index
    %get3A_864 = tpu.vector_load %arg10[%get3A_863] {strides = array<i32>} : memref<512xi32, #tpu.memory_space<vmem>>, vector<16xi32>,
    %get3A_865 = vector.shape_cast %get3A_864 : vector<16xi32> to vector<16xi32>
    %lt3A_866 = arith.constant 524288 : i32
    %lt3A_867 = vector.broadcast %lt3A_866 : i32 to vector<16xi32>
    %lt3A_868 = arith.cmpi slt, %get3A_865, %lt3A_867 : vector<16xi32>
    %get3A_869 = arith.constant 16 : index
    %get3A_870 = tpu.vector_load %arg14[%get3A_869] {strides = array<i32>} : memref<512xf32, #tpu.memory_space<vmem>>, vector<16xf32>,
    %get3A_871 = vector.shape_cast %get3A_870 : vector<16xf32> to vector<16xf32>
    %get3A_872 = arith.constant 16 : index
    %get3A_873 = tpu.vector_load %arg15[%get3A_872] {strides = array<i32>} : memref<512xf32, #tpu.memory_space<vmem>>, vector<16xf32>,
    %get3A_874 = vector.shape_cast %get3A_873 : vector<16xf32> to vector<16xf32>
    %select_n3A_875 = arith.select %lt3A_868, %get3A_871, %get3A_874 : vector<16xi1>, vector<16xf32>
    %get3A_876 = arith.constant 16 : index
    %get3A_877 = tpu.vector_load %arg11[%get3A_876] {strides = array<i32>} : memref<512xi32, #tpu.memory_space<vmem>>, vector<16xi32>,
    %get3A_878 = vector.shape_cast %get3A_877 : vector<16xi32> to vector<16xi32>
    %lt3A_879 = arith.constant 524288 : i32
    %lt3A_880 = vector.broadcast %lt3A_879 : i32 to vector<16xi32>
    %lt3A_881 = arith.cmpi slt, %get3A_878, %lt3A_880 : vector<16xi32>
    %get3A_882 = arith.constant 16 : index
    %get3A_883 = tpu.vector_load %arg16[%get3A_882] {strides = array<i32>} : memref<512xf32, #tpu.memory_space<vmem>>, vector<16xf32>,
    %get3A_884 = vector.shape_cast %get3A_883 : vector<16xf32> to vector<16xf32>
    %get3A_885 = arith.constant 16 : index
    %get3A_886 = tpu.vector_load %arg17[%get3A_885] {strides = array<i32>} : memref<512xf32, #tpu.memory_space<vmem>>, vector<16xf32>,
    %get3A_887 = vector.shape_cast %get3A_886 : vector<16xf32> to vector<16xf32>
    %select_n3A_888 = arith.select %lt3A_881, %get3A_884, %get3A_887 : vector<16xi1>, vector<16xf32>
    %add3A_889 = arith.addf %select_n3A_875, %select_n3A_888 : vector<16xf32>
    %add3A_890 = arith.addf %add3A_889, %get3A_832 : vector<16xf32>
    %swap3A_891 = arith.constant 16 : index
    %swap3A_892 = tpu.vector_load %arg19[%swap3A_891] {strides = array<i32>} : memref<512xf32, #tpu.memory_space<vmem>>, vector<16xf32>,
    %swap3A_893 = vector.shape_cast %swap3A_892 : vector<16xf32> to vector<16xf32>
    %swap3A_894 = vector.shape_cast %add3A_890 : vector<16xf32> to vector<16xf32>
    tpu.vector_store %arg19[%swap3A_891], %swap3A_894 {strides = array<i32>} : memref<512xf32, #tpu.memory_space<vmem>>, vector<16xf32>,
    %get3A_895 = arith.constant 32 : index
    %get3A_896 = tpu.vector_load %arg10[%get3A_895] {strides = array<i32>} : memref<512xi32, #tpu.memory_space<vmem>>, vector<16xi32>,
    %get3A_897 = vector.shape_cast %get3A_896 : vector<16xi32> to vector<16xi32>
    %lt3A_898 = arith.constant 524288 : i32
    %lt3A_899 = vector.broadcast %lt3A_898 : i32 to vector<16xi32>
    %lt3A_900 = arith.cmpi slt, %get3A_897, %lt3A_899 : vector<16xi32>
    %get3A_901 = arith.constant 32 : index
    %get3A_902 = tpu.vector_load %arg14[%get3A_901] {strides = array<i32>} : memref<512xf32, #tpu.memory_space<vmem>>, vector<16xf32>,
    %get3A_903 = vector.shape_cast %get3A_902 : vector<16xf32> to vector<16xf32>
    %get3A_904 = arith.constant 32 : index
    %get3A_905 = tpu.vector_load %arg15[%get3A_904] {strides = array<i32>} : memref<512xf32, #tpu.memory_space<vmem>>, vector<16xf32>,
    %get3A_906 = vector.shape_cast %get3A_905 : vector<16xf32> to vector<16xf32>
    %select_n3A_907 = arith.select %lt3A_900, %get3A_903, %get3A_906 : vector<16xi1>, vector<16xf32>
    %get3A_908 = arith.constant 32 : index
    %get3A_909 = tpu.vector_load %arg11[%get3A_908] {strides = array<i32>} : memref<512xi32, #tpu.memory_space<vmem>>, vector<16xi32>,
    %get3A_910 = vector.shape_cast %get3A_909 : vector<16xi32> to vector<16xi32>
    %lt3A_911 = arith.constant 524288 : i32
    %lt3A_912 = vector.broadcast %lt3A_911 : i32 to vector<16xi32>
    %lt3A_913 = arith.cmpi slt, %get3A_910, %lt3A_912 : vector<16xi32>
    %get3A_914 = arith.constant 32 : index
    %get3A_915 = tpu.vector_load %arg16[%get3A_914] {strides = array<i32>} : memref<512xf32, #tpu.memory_space<vmem>>, vector<16xf32>,
    %get3A_916 = vector.shape_cast %get3A_915 : vector<16xf32> to vector<16xf32>
    %get3A_917 = arith.constant 32 : index
    %get3A_918 = tpu.vector_load %arg17[%get3A_917] {strides = array<i32>} : memref<512xf32, #tpu.memory_space<vmem>>, vector<16xf32>,
    %get3A_919 = vector.shape_cast %get3A_918 : vector<16xf32> to vector<16xf32>
    %select_n3A_920 = arith.select %lt3A_913, %get3A_916, %get3A_919 : vector<16xi1>, vector<16xf32>
    %add3A_921 = arith.addf %select_n3A_907, %select_n3A_920 : vector<16xf32>
    %add3A_922 = arith.addf %add3A_921, %get3A_832 : vector<16xf32>
    %swap3A_923 = arith.constant 32 : index
    %swap3A_924 = tpu.vector_load %arg19[%swap3A_923] {strides = array<i32>} : memref<512xf32, #tpu.memory_space<vmem>>, vector<16xf32>,
    %swap3A_925 = vector.shape_cast %swap3A_924 : vector<16xf32> to vector<16xf32>
    %swap3A_926 = vector.shape_cast %add3A_922 : vector<16xf32> to vector<16xf32>
    tpu.vector_store %arg19[%swap3A_923], %swap3A_926 {strides = array<i32>} : memref<512xf32, #tpu.memory_space<vmem>>, vector<16xf32>,
    %get3A_927 = arith.constant 48 : index
    %get3A_928 = tpu.vector_load %arg10[%get3A_927] {strides = array<i32>} : memref<512xi32, #tpu.memory_space<vmem>>, vector<16xi32>,
    %get3A_929 = vector.shape_cast %get3A_928 : vector<16xi32> to vector<16xi32>
    %lt3A_930 = arith.constant 524288 : i32
    %lt3A_931 = vector.broadcast %lt3A_930 : i32 to vector<16xi32>
    %lt3A_932 = arith.cmpi slt, %get3A_929, %lt3A_931 : vector<16xi32>
    %get3A_933 = arith.constant 48 : index
    %get3A_934 = tpu.vector_load %arg14[%get3A_933] {strides = array<i32>} : memref<512xf32, #tpu.memory_space<vmem>>, vector<16xf32>,
    %get3A_935 = vector.shape_cast %get3A_934 : vector<16xf32> to vector<16xf32>
    %get3A_936 = arith.constant 48 : index
    %get3A_937 = tpu.vector_load %arg15[%get3A_936] {strides = array<i32>} : memref<512xf32, #tpu.memory_space<vmem>>, vector<16xf32>,
    %get3A_938 = vector.shape_cast %get3A_937 : vector<16xf32> to vector<16xf32>
    %select_n3A_939 = arith.select %lt3A_932, %get3A_935, %get3A_938 : vector<16xi1>, vector<16xf32>
    %get3A_940 = arith.constant 48 : index
    %get3A_941 = tpu.vector_load %arg11[%get3A_940] {strides = array<i32>} : memref<512xi32, #tpu.memory_space<vmem>>, vector<16xi32>,
    %get3A_942 = vector.shape_cast %get3A_941 : vector<16xi32> to vector<16xi32>
    %lt3A_943 = arith.constant 524288 : i32
    %lt3A_944 = vector.broadcast %lt3A_943 : i32 to vector<16xi32>
    %lt3A_945 = arith.cmpi slt, %get3A_942, %lt3A_944 : vector<16xi32>
    %get3A_946 = arith.constant 48 : index
    %get3A_947 = tpu.vector_load %arg16[%get3A_946] {strides = array<i32>} : memref<512xf32, #tpu.memory_space<vmem>>, vector<16xf32>,
    %get3A_948 = vector.shape_cast %get3A_947 : vector<16xf32> to vector<16xf32>
    %get3A_949 = arith.constant 48 : index
    %get3A_950 = tpu.vector_load %arg17[%get3A_949] {strides = array<i32>} : memref<512xf32, #tpu.memory_space<vmem>>, vector<16xf32>,
    %get3A_951 = vector.shape_cast %get3A_950 : vector<16xf32> to vector<16xf32>
    %select_n3A_952 = arith.select %lt3A_945, %get3A_948, %get3A_951 : vector<16xi1>, vector<16xf32>
    %add3A_953 = arith.addf %select_n3A_939, %select_n3A_952 : vector<16xf32>
    %add3A_954 = arith.addf %add3A_953, %get3A_832 : vector<16xf32>
    %swap3A_955 = arith.constant 48 : index
    %swap3A_956 = tpu.vector_load %arg19[%swap3A_955] {strides = array<i32>} : memref<512xf32, #tpu.memory_space<vmem>>, vector<16xf32>,
    %swap3A_957 = vector.shape_cast %swap3A_956 : vector<16xf32> to vector<16xf32>
    %swap3A_958 = vector.shape_cast %add3A_954 : vector<16xf32> to vector<16xf32>
    tpu.vector_store %arg19[%swap3A_955], %swap3A_958 {strides = array<i32>} : memref<512xf32, #tpu.memory_space<vmem>>, vector<16xf32>,
    %get3A_959 = arith.constant 64 : index
    %get3A_960 = tpu.vector_load %arg10[%get3A_959] {strides = array<i32>} : memref<512xi32, #tpu.memory_space<vmem>>, vector<16xi32>,
    %get3A_961 = vector.shape_cast %get3A_960 : vector<16xi32> to vector<16xi32>
    %lt3A_962 = arith.constant 524288 : i32
    %lt3A_963 = vector.broadcast %lt3A_962 : i32 to vector<16xi32>
    %lt3A_964 = arith.cmpi slt, %get3A_961, %lt3A_963 : vector<16xi32>
    %get3A_965 = arith.constant 64 : index
    %get3A_966 = tpu.vector_load %arg14[%get3A_965] {strides = array<i32>} : memref<512xf32, #tpu.memory_space<vmem>>, vector<16xf32>,
    %get3A_967 = vector.shape_cast %get3A_966 : vector<16xf32> to vector<16xf32>
    %get3A_968 = arith.constant 64 : index
    %get3A_969 = tpu.vector_load %arg15[%get3A_968] {strides = array<i32>} : memref<512xf32, #tpu.memory_space<vmem>>, vector<16xf32>,
    %get3A_970 = vector.shape_cast %get3A_969 : vector<16xf32> to vector<16xf32>
    %select_n3A_971 = arith.select %lt3A_964, %get3A_967, %get3A_970 : vector<16xi1>, vector<16xf32>
    %get3A_972 = arith.constant 64 : index
    %get3A_973 = tpu.vector_load %arg11[%get3A_972] {strides = array<i32>} : memref<512xi32, #tpu.memory_space<vmem>>, vector<16xi32>,
    %get3A_974 = vector.shape_cast %get3A_973 : vector<16xi32> to vector<16xi32>
    %lt3A_975 = arith.constant 524288 : i32
    %lt3A_976 = vector.broadcast %lt3A_975 : i32 to vector<16xi32>
    %lt3A_977 = arith.cmpi slt, %get3A_974, %lt3A_976 : vector<16xi32>
    %get3A_978 = arith.constant 64 : index
    %get3A_979 = tpu.vector_load %arg16[%get3A_978] {strides = array<i32>} : memref<512xf32, #tpu.memory_space<vmem>>, vector<16xf32>,
    %get3A_980 = vector.shape_cast %get3A_979 : vector<16xf32> to vector<16xf32>
    %get3A_981 = arith.constant 64 : index
    %get3A_982 = tpu.vector_load %arg17[%get3A_981] {strides = array<i32>} : memref<512xf32, #tpu.memory_space<vmem>>, vector<16xf32>,
    %get3A_983 = vector.shape_cast %get3A_982 : vector<16xf32> to vector<16xf32>
    %select_n3A_984 = arith.select %lt3A_977, %get3A_980, %get3A_983 : vector<16xi1>, vector<16xf32>
    %add3A_985 = arith.addf %select_n3A_971, %select_n3A_984 : vector<16xf32>
    %add3A_986 = arith.addf %add3A_985, %get3A_832 : vector<16xf32>
    %swap3A_987 = arith.constant 64 : index
    %swap3A_988 = tpu.vector_load %arg19[%swap3A_987] {strides = array<i32>} : memref<512xf32, #tpu.memory_space<vmem>>, vector<16xf32>,
    %swap3A_989 = vector.shape_cast %swap3A_988 : vector<16xf32> to vector<16xf32>
    %swap3A_990 = vector.shape_cast %add3A_986 : vector<16xf32> to vector<16xf32>
    tpu.vector_store %arg19[%swap3A_987], %swap3A_990 {strides = array<i32>} : memref<512xf32, #tpu.memory_space<vmem>>, vector<16xf32>,
    %get3A_991 = arith.constant 80 : index
    %get3A_992 = tpu.vector_load %arg10[%get3A_991] {strides = array<i32>} : memref<512xi32, #tpu.memory_space<vmem>>, vector<16xi32>,
    %get3A_993 = vector.shape_cast %get3A_992 : vector<16xi32> to vector<16xi32>
    %lt3A_994 = arith.constant 524288 : i32
    %lt3A_995 = vector.broadcast %lt3A_994 : i32 to vector<16xi32>
    %lt3A_996 = arith.cmpi slt, %get3A_993, %lt3A_995 : vector<16xi32>
    %get3A_997 = arith.constant 80 : index
    %get3A_998 = tpu.vector_load %arg14[%get3A_997] {strides = array<i32>} : memref<512xf32, #tpu.memory_space<vmem>>, vector<16xf32>,
    %get3A_999 = vector.shape_cast %get3A_998 : vector<16xf32> to vector<16xf32>
    %get3A_1000 = arith.constant 80 : index
    %get3A_1001 = tpu.vector_load %arg15[%get3A_1000] {strides = array<i32>} : memref<512xf32, #tpu.memory_space<vmem>>, vector<16xf32>,
    %get3A_1002 = vector.shape_cast %get3A_1001 : vector<16xf32> to vector<16xf32>
    %select_n3A_1003 = arith.select %lt3A_996, %get3A_999, %get3A_1002 : vector<16xi1>, vector<16xf32>
    %get3A_1004 = arith.constant 80 : index
    %get3A_1005 = tpu.vector_load %arg11[%get3A_1004] {strides = array<i32>} : memref<512xi32, #tpu.memory_space<vmem>>, vector<16xi32>,
    %get3A_1006 = vector.shape_cast %get3A_1005 : vector<16xi32> to vector<16xi32>
    %lt3A_1007 = arith.constant 524288 : i32
    %lt3A_1008 = vector.broadcast %lt3A_1007 : i32 to vector<16xi32>
    %lt3A_1009 = arith.cmpi slt, %get3A_1006, %lt3A_1008 : vector<16xi32>
    %get3A_1010 = arith.constant 80 : index
    %get3A_1011 = tpu.vector_load %arg16[%get3A_1010] {strides = array<i32>} : memref<512xf32, #tpu.memory_space<vmem>>, vector<16xf32>,
    %get3A_1012 = vector.shape_cast %get3A_1011 : vector<16xf32> to vector<16xf32>
    %get3A_1013 = arith.constant 80 : index
    %get3A_1014 = tpu.vector_load %arg17[%get3A_1013] {strides = array<i32>} : memref<512xf32, #tpu.memory_space<vmem>>, vector<16xf32>,
    %get3A_1015 = vector.shape_cast %get3A_1014 : vector<16xf32> to vector<16xf32>
    %select_n3A_1016 = arith.select %lt3A_1009, %get3A_1012, %get3A_1015 : vector<16xi1>, vector<16xf32>
    %add3A_1017 = arith.addf %select_n3A_1003, %select_n3A_1016 : vector<16xf32>
    %add3A_1018 = arith.addf %add3A_1017, %get3A_832 : vector<16xf32>
    %swap3A_1019 = arith.constant 80 : index
    %swap3A_1020 = tpu.vector_load %arg19[%swap3A_1019] {strides = array<i32>} : memref<512xf32, #tpu.memory_space<vmem>>, vector<16xf32>,
    %swap3A_1021 = vector.shape_cast %swap3A_1020 : vector<16xf32> to vector<16xf32>
    %swap3A_1022 = vector.shape_cast %add3A_1018 : vector<16xf32> to vector<16xf32>
    tpu.vector_store %arg19[%swap3A_1019], %swap3A_1022 {strides = array<i32>} : memref<512xf32, #tpu.memory_space<vmem>>, vector<16xf32>,
    %get3A_1023 = arith.constant 96 : index
    %get3A_1024 = tpu.vector_load %arg10[%get3A_1023] {strides = array<i32>} : memref<512xi32, #tpu.memory_space<vmem>>, vector<16xi32>,
    %get3A_1025 = vector.shape_cast %get3A_1024 : vector<16xi32> to vector<16xi32>
    %lt3A_1026 = arith.constant 524288 : i32
    %lt3A_1027 = vector.broadcast %lt3A_1026 : i32 to vector<16xi32>
    %lt3A_1028 = arith.cmpi slt, %get3A_1025, %lt3A_1027 : vector<16xi32>
    %get3A_1029 = arith.constant 96 : index
    %get3A_1030 = tpu.vector_load %arg14[%get3A_1029] {strides = array<i32>} : memref<512xf32, #tpu.memory_space<vmem>>, vector<16xf32>,
    %get3A_1031 = vector.shape_cast %get3A_1030 : vector<16xf32> to vector<16xf32>
    %get3A_1032 = arith.constant 96 : index
    %get3A_1033 = tpu.vector_load %arg15[%get3A_1032] {strides = array<i32>} : memref<512xf32, #tpu.memory_space<vmem>>, vector<16xf32>,
    %get3A_1034 = vector.shape_cast %get3A_1033 : vector<16xf32> to vector<16xf32>
    %select_n3A_1035 = arith.select %lt3A_1028, %get3A_1031, %get3A_1034 : vector<16xi1>, vector<16xf32>
    %get3A_1036 = arith.constant 96 : index
    %get3A_1037 = tpu.vector_load %arg11[%get3A_1036] {strides = array<i32>} : memref<512xi32, #tpu.memory_space<vmem>>, vector<16xi32>,
    %get3A_1038 = vector.shape_cast %get3A_1037 : vector<16xi32> to vector<16xi32>
    %lt3A_1039 = arith.constant 524288 : i32
    %lt3A_1040 = vector.broadcast %lt3A_1039 : i32 to vector<16xi32>
    %lt3A_1041 = arith.cmpi slt, %get3A_1038, %lt3A_1040 : vector<16xi32>
    %get3A_1042 = arith.constant 96 : index
    %get3A_1043 = tpu.vector_load %arg16[%get3A_1042] {strides = array<i32>} : memref<512xf32, #tpu.memory_space<vmem>>, vector<16xf32>,
    %get3A_1044 = vector.shape_cast %get3A_1043 : vector<16xf32> to vector<16xf32>
    %get3A_1045 = arith.constant 96 : index
    %get3A_1046 = tpu.vector_load %arg17[%get3A_1045] {strides = array<i32>} : memref<512xf32, #tpu.memory_space<vmem>>, vector<16xf32>,
    %get3A_1047 = vector.shape_cast %get3A_1046 : vector<16xf32> to vector<16xf32>
    %select_n3A_1048 = arith.select %lt3A_1041, %get3A_1044, %get3A_1047 : vector<16xi1>, vector<16xf32>
    %add3A_1049 = arith.addf %select_n3A_1035, %select_n3A_1048 : vector<16xf32>
    %add3A_1050 = arith.addf %add3A_1049, %get3A_832 : vector<16xf32>
    %swap3A_1051 = arith.constant 96 : index
    %swap3A_1052 = tpu.vector_load %arg19[%swap3A_1051] {strides = array<i32>} : memref<512xf32, #tpu.memory_space<vmem>>, vector<16xf32>,
    %swap3A_1053 = vector.shape_cast %swap3A_1052 : vector<16xf32> to vector<16xf32>
    %swap3A_1054 = vector.shape_cast %add3A_1050 : vector<16xf32> to vector<16xf32>
    tpu.vector_store %arg19[%swap3A_1051], %swap3A_1054 {strides = array<i32>} : memref<512xf32, #tpu.memory_space<vmem>>, vector<16xf32>,
    %get3A_1055 = arith.constant 112 : index
    %get3A_1056 = tpu.vector_load %arg10[%get3A_1055] {strides = array<i32>} : memref<512xi32, #tpu.memory_space<vmem>>, vector<16xi32>,
    %get3A_1057 = vector.shape_cast %get3A_1056 : vector<16xi32> to vector<16xi32>
    %lt3A_1058 = arith.constant 524288 : i32
    %lt3A_1059 = vector.broadcast %lt3A_1058 : i32 to vector<16xi32>
    %lt3A_1060 = arith.cmpi slt, %get3A_1057, %lt3A_1059 : vector<16xi32>
    %get3A_1061 = arith.constant 112 : index
    %get3A_1062 = tpu.vector_load %arg14[%get3A_1061] {strides = array<i32>} : memref<512xf32, #tpu.memory_space<vmem>>, vector<16xf32>,
    %get3A_1063 = vector.shape_cast %get3A_1062 : vector<16xf32> to vector<16xf32>
    %get3A_1064 = arith.constant 112 : index
    %get3A_1065 = tpu.vector_load %arg15[%get3A_1064] {strides = array<i32>} : memref<512xf32, #tpu.memory_space<vmem>>, vector<16xf32>,
    %get3A_1066 = vector.shape_cast %get3A_1065 : vector<16xf32> to vector<16xf32>
    %select_n3A_1067 = arith.select %lt3A_1060, %get3A_1063, %get3A_1066 : vector<16xi1>, vector<16xf32>
    %get3A_1068 = arith.constant 112 : index
    %get3A_1069 = tpu.vector_load %arg11[%get3A_1068] {strides = array<i32>} : memref<512xi32, #tpu.memory_space<vmem>>, vector<16xi32>,
    %get3A_1070 = vector.shape_cast %get3A_1069 : vector<16xi32> to vector<16xi32>
    %lt3A_1071 = arith.constant 524288 : i32
    %lt3A_1072 = vector.broadcast %lt3A_1071 : i32 to vector<16xi32>
    %lt3A_1073 = arith.cmpi slt, %get3A_1070, %lt3A_1072 : vector<16xi32>
    %get3A_1074 = arith.constant 112 : index
    %get3A_1075 = tpu.vector_load %arg16[%get3A_1074] {strides = array<i32>} : memref<512xf32, #tpu.memory_space<vmem>>, vector<16xf32>,
    %get3A_1076 = vector.shape_cast %get3A_1075 : vector<16xf32> to vector<16xf32>
    %get3A_1077 = arith.constant 112 : index
    %get3A_1078 = tpu.vector_load %arg17[%get3A_1077] {strides = array<i32>} : memref<512xf32, #tpu.memory_space<vmem>>, vector<16xf32>,
    %get3A_1079 = vector.shape_cast %get3A_1078 : vector<16xf32> to vector<16xf32>
    %select_n3A_1080 = arith.select %lt3A_1073, %get3A_1076, %get3A_1079 : vector<16xi1>, vector<16xf32>
    %add3A_1081 = arith.addf %select_n3A_1067, %select_n3A_1080 : vector<16xf32>
    %add3A_1082 = arith.addf %add3A_1081, %get3A_832 : vector<16xf32>
    %swap3A_1083 = arith.constant 112 : index
    %swap3A_1084 = tpu.vector_load %arg19[%swap3A_1083] {strides = array<i32>} : memref<512xf32, #tpu.memory_space<vmem>>, vector<16xf32>,
    %swap3A_1085 = vector.shape_cast %swap3A_1084 : vector<16xf32> to vector<16xf32>
    %swap3A_1086 = vector.shape_cast %add3A_1082 : vector<16xf32> to vector<16xf32>
    tpu.vector_store %arg19[%swap3A_1083], %swap3A_1086 {strides = array<i32>} : memref<512xf32, #tpu.memory_space<vmem>>, vector<16xf32>,
    %get3A_1087 = arith.constant 128 : index
    %get3A_1088 = tpu.vector_load %arg10[%get3A_1087] {strides = array<i32>} : memref<512xi32, #tpu.memory_space<vmem>>, vector<16xi32>,
    %get3A_1089 = vector.shape_cast %get3A_1088 : vector<16xi32> to vector<16xi32>
    %lt3A_1090 = arith.constant 524288 : i32
    %lt3A_1091 = vector.broadcast %lt3A_1090 : i32 to vector<16xi32>
    %lt3A_1092 = arith.cmpi slt, %get3A_1089, %lt3A_1091 : vector<16xi32>
    %get3A_1093 = arith.constant 128 : index
    %get3A_1094 = tpu.vector_load %arg14[%get3A_1093] {strides = array<i32>} : memref<512xf32, #tpu.memory_space<vmem>>, vector<16xf32>,
    %get3A_1095 = vector.shape_cast %get3A_1094 : vector<16xf32> to vector<16xf32>
    %get3A_1096 = arith.constant 128 : index
    %get3A_1097 = tpu.vector_load %arg15[%get3A_1096] {strides = array<i32>} : memref<512xf32, #tpu.memory_space<vmem>>, vector<16xf32>,
    %get3A_1098 = vector.shape_cast %get3A_1097 : vector<16xf32> to vector<16xf32>
    %select_n3A_1099 = arith.select %lt3A_1092, %get3A_1095, %get3A_1098 : vector<16xi1>, vector<16xf32>
    %get3A_1100 = arith.constant 128 : index
    %get3A_1101 = tpu.vector_load %arg11[%get3A_1100] {strides = array<i32>} : memref<512xi32, #tpu.memory_space<vmem>>, vector<16xi32>,
    %get3A_1102 = vector.shape_cast %get3A_1101 : vector<16xi32> to vector<16xi32>
    %lt3A_1103 = arith.constant 524288 : i32
    %lt3A_1104 = vector.broadcast %lt3A_1103 : i32 to vector<16xi32>
    %lt3A_1105 = arith.cmpi slt, %get3A_1102, %lt3A_1104 : vector<16xi32>
    %get3A_1106 = arith.constant 128 : index
    %get3A_1107 = tpu.vector_load %arg16[%get3A_1106] {strides = array<i32>} : memref<512xf32, #tpu.memory_space<vmem>>, vector<16xf32>,
    %get3A_1108 = vector.shape_cast %get3A_1107 : vector<16xf32> to vector<16xf32>
    %get3A_1109 = arith.constant 128 : index
    %get3A_1110 = tpu.vector_load %arg17[%get3A_1109] {strides = array<i32>} : memref<512xf32, #tpu.memory_space<vmem>>, vector<16xf32>,
    %get3A_1111 = vector.shape_cast %get3A_1110 : vector<16xf32> to vector<16xf32>
    %select_n3A_1112 = arith.select %lt3A_1105, %get3A_1108, %get3A_1111 : vector<16xi1>, vector<16xf32>
    %add3A_1113 = arith.addf %select_n3A_1099, %select_n3A_1112 : vector<16xf32>
    %add3A_1114 = arith.addf %add3A_1113, %get3A_832 : vector<16xf32>
    %swap3A_1115 = arith.constant 128 : index
    %swap3A_1116 = tpu.vector_load %arg19[%swap3A_1115] {strides = array<i32>} : memref<512xf32, #tpu.memory_space<vmem>>, vector<16xf32>,
    %swap3A_1117 = vector.shape_cast %swap3A_1116 : vector<16xf32> to vector<16xf32>
    %swap3A_1118 = vector.shape_cast %add3A_1114 : vector<16xf32> to vector<16xf32>
    tpu.vector_store %arg19[%swap3A_1115], %swap3A_1118 {strides = array<i32>} : memref<512xf32, #tpu.memory_space<vmem>>, vector<16xf32>,
    %get3A_1119 = arith.constant 144 : index
    %get3A_1120 = tpu.vector_load %arg10[%get3A_1119] {strides = array<i32>} : memref<512xi32, #tpu.memory_space<vmem>>, vector<16xi32>,
    %get3A_1121 = vector.shape_cast %get3A_1120 : vector<16xi32> to vector<16xi32>
    %lt3A_1122 = arith.constant 524288 : i32
    %lt3A_1123 = vector.broadcast %lt3A_1122 : i32 to vector<16xi32>
    %lt3A_1124 = arith.cmpi slt, %get3A_1121, %lt3A_1123 : vector<16xi32>
    %get3A_1125 = arith.constant 144 : index
    %get3A_1126 = tpu.vector_load %arg14[%get3A_1125] {strides = array<i32>} : memref<512xf32, #tpu.memory_space<vmem>>, vector<16xf32>,
    %get3A_1127 = vector.shape_cast %get3A_1126 : vector<16xf32> to vector<16xf32>
    %get3A_1128 = arith.constant 144 : index
    %get3A_1129 = tpu.vector_load %arg15[%get3A_1128] {strides = array<i32>} : memref<512xf32, #tpu.memory_space<vmem>>, vector<16xf32>,
    %get3A_1130 = vector.shape_cast %get3A_1129 : vector<16xf32> to vector<16xf32>
    %select_n3A_1131 = arith.select %lt3A_1124, %get3A_1127, %get3A_1130 : vector<16xi1>, vector<16xf32>
    %get3A_1132 = arith.constant 144 : index
    %get3A_1133 = tpu.vector_load %arg11[%get3A_1132] {strides = array<i32>} : memref<512xi32, #tpu.memory_space<vmem>>, vector<16xi32>,
    %get3A_1134 = vector.shape_cast %get3A_1133 : vector<16xi32> to vector<16xi32>
    %lt3A_1135 = arith.constant 524288 : i32
    %lt3A_1136 = vector.broadcast %lt3A_1135 : i32 to vector<16xi32>
    %lt3A_1137 = arith.cmpi slt, %get3A_1134, %lt3A_1136 : vector<16xi32>
    %get3A_1138 = arith.constant 144 : index
    %get3A_1139 = tpu.vector_load %arg16[%get3A_1138] {strides = array<i32>} : memref<512xf32, #tpu.memory_space<vmem>>, vector<16xf32>,
    %get3A_1140 = vector.shape_cast %get3A_1139 : vector<16xf32> to vector<16xf32>
    %get3A_1141 = arith.constant 144 : index
    %get3A_1142 = tpu.vector_load %arg17[%get3A_1141] {strides = array<i32>} : memref<512xf32, #tpu.memory_space<vmem>>, vector<16xf32>,
    %get3A_1143 = vector.shape_cast %get3A_1142 : vector<16xf32> to vector<16xf32>
    %select_n3A_1144 = arith.select %lt3A_1137, %get3A_1140, %get3A_1143 : vector<16xi1>, vector<16xf32>
    %add3A_1145 = arith.addf %select_n3A_1131, %select_n3A_1144 : vector<16xf32>
    %add3A_1146 = arith.addf %add3A_1145, %get3A_832 : vector<16xf32>
    %swap3A_1147 = arith.constant 144 : index
    %swap3A_1148 = tpu.vector_load %arg19[%swap3A_1147] {strides = array<i32>} : memref<512xf32, #tpu.memory_space<vmem>>, vector<16xf32>,
    %swap3A_1149 = vector.shape_cast %swap3A_1148 : vector<16xf32> to vector<16xf32>
    %swap3A_1150 = vector.shape_cast %add3A_1146 : vector<16xf32> to vector<16xf32>
    tpu.vector_store %arg19[%swap3A_1147], %swap3A_1150 {strides = array<i32>} : memref<512xf32, #tpu.memory_space<vmem>>, vector<16xf32>,
    %get3A_1151 = arith.constant 160 : index
    %get3A_1152 = tpu.vector_load %arg10[%get3A_1151] {strides = array<i32>} : memref<512xi32, #tpu.memory_space<vmem>>, vector<16xi32>,
    %get3A_1153 = vector.shape_cast %get3A_1152 : vector<16xi32> to vector<16xi32>
    %lt3A_1154 = arith.constant 524288 : i32
    %lt3A_1155 = vector.broadcast %lt3A_1154 : i32 to vector<16xi32>
    %lt3A_1156 = arith.cmpi slt, %get3A_1153, %lt3A_1155 : vector<16xi32>
    %get3A_1157 = arith.constant 160 : index
    %get3A_1158 = tpu.vector_load %arg14[%get3A_1157] {strides = array<i32>} : memref<512xf32, #tpu.memory_space<vmem>>, vector<16xf32>,
    %get3A_1159 = vector.shape_cast %get3A_1158 : vector<16xf32> to vector<16xf32>
    %get3A_1160 = arith.constant 160 : index
    %get3A_1161 = tpu.vector_load %arg15[%get3A_1160] {strides = array<i32>} : memref<512xf32, #tpu.memory_space<vmem>>, vector<16xf32>,
    %get3A_1162 = vector.shape_cast %get3A_1161 : vector<16xf32> to vector<16xf32>
    %select_n3A_1163 = arith.select %lt3A_1156, %get3A_1159, %get3A_1162 : vector<16xi1>, vector<16xf32>
    %get3A_1164 = arith.constant 160 : index
    %get3A_1165 = tpu.vector_load %arg11[%get3A_1164] {strides = array<i32>} : memref<512xi32, #tpu.memory_space<vmem>>, vector<16xi32>,
    %get3A_1166 = vector.shape_cast %get3A_1165 : vector<16xi32> to vector<16xi32>
    %lt3A_1167 = arith.constant 524288 : i32
    %lt3A_1168 = vector.broadcast %lt3A_1167 : i32 to vector<16xi32>
    %lt3A_1169 = arith.cmpi slt, %get3A_1166, %lt3A_1168 : vector<16xi32>
    %get3A_1170 = arith.constant 160 : index
    %get3A_1171 = tpu.vector_load %arg16[%get3A_1170] {strides = array<i32>} : memref<512xf32, #tpu.memory_space<vmem>>, vector<16xf32>,
    %get3A_1172 = vector.shape_cast %get3A_1171 : vector<16xf32> to vector<16xf32>
    %get3A_1173 = arith.constant 160 : index
    %get3A_1174 = tpu.vector_load %arg17[%get3A_1173] {strides = array<i32>} : memref<512xf32, #tpu.memory_space<vmem>>, vector<16xf32>,
    %get3A_1175 = vector.shape_cast %get3A_1174 : vector<16xf32> to vector<16xf32>
    %select_n3A_1176 = arith.select %lt3A_1169, %get3A_1172, %get3A_1175 : vector<16xi1>, vector<16xf32>
    %add3A_1177 = arith.addf %select_n3A_1163, %select_n3A_1176 : vector<16xf32>
    %add3A_1178 = arith.addf %add3A_1177, %get3A_832 : vector<16xf32>
    %swap3A_1179 = arith.constant 160 : index
    %swap3A_1180 = tpu.vector_load %arg19[%swap3A_1179] {strides = array<i32>} : memref<512xf32, #tpu.memory_space<vmem>>, vector<16xf32>,
    %swap3A_1181 = vector.shape_cast %swap3A_1180 : vector<16xf32> to vector<16xf32>
    %swap3A_1182 = vector.shape_cast %add3A_1178 : vector<16xf32> to vector<16xf32>
    tpu.vector_store %arg19[%swap3A_1179], %swap3A_1182 {strides = array<i32>} : memref<512xf32, #tpu.memory_space<vmem>>, vector<16xf32>,
    %get3A_1183 = arith.constant 176 : index
    %get3A_1184 = tpu.vector_load %arg10[%get3A_1183] {strides = array<i32>} : memref<512xi32, #tpu.memory_space<vmem>>, vector<16xi32>,
    %get3A_1185 = vector.shape_cast %get3A_1184 : vector<16xi32> to vector<16xi32>
    %lt3A_1186 = arith.constant 524288 : i32
    %lt3A_1187 = vector.broadcast %lt3A_1186 : i32 to vector<16xi32>
    %lt3A_1188 = arith.cmpi slt, %get3A_1185, %lt3A_1187 : vector<16xi32>
    %get3A_1189 = arith.constant 176 : index
    %get3A_1190 = tpu.vector_load %arg14[%get3A_1189] {strides = array<i32>} : memref<512xf32, #tpu.memory_space<vmem>>, vector<16xf32>,
    %get3A_1191 = vector.shape_cast %get3A_1190 : vector<16xf32> to vector<16xf32>
    %get3A_1192 = arith.constant 176 : index
    %get3A_1193 = tpu.vector_load %arg15[%get3A_1192] {strides = array<i32>} : memref<512xf32, #tpu.memory_space<vmem>>, vector<16xf32>,
    %get3A_1194 = vector.shape_cast %get3A_1193 : vector<16xf32> to vector<16xf32>
    %select_n3A_1195 = arith.select %lt3A_1188, %get3A_1191, %get3A_1194 : vector<16xi1>, vector<16xf32>
    %get3A_1196 = arith.constant 176 : index
    %get3A_1197 = tpu.vector_load %arg11[%get3A_1196] {strides = array<i32>} : memref<512xi32, #tpu.memory_space<vmem>>, vector<16xi32>,
    %get3A_1198 = vector.shape_cast %get3A_1197 : vector<16xi32> to vector<16xi32>
    %lt3A_1199 = arith.constant 524288 : i32
    %lt3A_1200 = vector.broadcast %lt3A_1199 : i32 to vector<16xi32>
    %lt3A_1201 = arith.cmpi slt, %get3A_1198, %lt3A_1200 : vector<16xi32>
    %get3A_1202 = arith.constant 176 : index
    %get3A_1203 = tpu.vector_load %arg16[%get3A_1202] {strides = array<i32>} : memref<512xf32, #tpu.memory_space<vmem>>, vector<16xf32>,
    %get3A_1204 = vector.shape_cast %get3A_1203 : vector<16xf32> to vector<16xf32>
    %get3A_1205 = arith.constant 176 : index
    %get3A_1206 = tpu.vector_load %arg17[%get3A_1205] {strides = array<i32>} : memref<512xf32, #tpu.memory_space<vmem>>, vector<16xf32>,
    %get3A_1207 = vector.shape_cast %get3A_1206 : vector<16xf32> to vector<16xf32>
    %select_n3A_1208 = arith.select %lt3A_1201, %get3A_1204, %get3A_1207 : vector<16xi1>, vector<16xf32>
    %add3A_1209 = arith.addf %select_n3A_1195, %select_n3A_1208 : vector<16xf32>
    %add3A_1210 = arith.addf %add3A_1209, %get3A_832 : vector<16xf32>
    %swap3A_1211 = arith.constant 176 : index
    %swap3A_1212 = tpu.vector_load %arg19[%swap3A_1211] {strides = array<i32>} : memref<512xf32, #tpu.memory_space<vmem>>, vector<16xf32>,
    %swap3A_1213 = vector.shape_cast %swap3A_1212 : vector<16xf32> to vector<16xf32>
    %swap3A_1214 = vector.shape_cast %add3A_1210 : vector<16xf32> to vector<16xf32>
    tpu.vector_store %arg19[%swap3A_1211], %swap3A_1214 {strides = array<i32>} : memref<512xf32, #tpu.memory_space<vmem>>, vector<16xf32>,
    %get3A_1215 = arith.constant 192 : index
    %get3A_1216 = tpu.vector_load %arg10[%get3A_1215] {strides = array<i32>} : memref<512xi32, #tpu.memory_space<vmem>>, vector<16xi32>,
    %get3A_1217 = vector.shape_cast %get3A_1216 : vector<16xi32> to vector<16xi32>
    %lt3A_1218 = arith.constant 524288 : i32
    %lt3A_1219 = vector.broadcast %lt3A_1218 : i32 to vector<16xi32>
    %lt3A_1220 = arith.cmpi slt, %get3A_1217, %lt3A_1219 : vector<16xi32>
    %get3A_1221 = arith.constant 192 : index
    %get3A_1222 = tpu.vector_load %arg14[%get3A_1221] {strides = array<i32>} : memref<512xf32, #tpu.memory_space<vmem>>, vector<16xf32>,
    %get3A_1223 = vector.shape_cast %get3A_1222 : vector<16xf32> to vector<16xf32>
    %get3A_1224 = arith.constant 192 : index
    %get3A_1225 = tpu.vector_load %arg15[%get3A_1224] {strides = array<i32>} : memref<512xf32, #tpu.memory_space<vmem>>, vector<16xf32>,
    %get3A_1226 = vector.shape_cast %get3A_1225 : vector<16xf32> to vector<16xf32>
    %select_n3A_1227 = arith.select %lt3A_1220, %get3A_1223, %get3A_1226 : vector<16xi1>, vector<16xf32>
    %get3A_1228 = arith.constant 192 : index
    %get3A_1229 = tpu.vector_load %arg11[%get3A_1228] {strides = array<i32>} : memref<512xi32, #tpu.memory_space<vmem>>, vector<16xi32>,
    %get3A_1230 = vector.shape_cast %get3A_1229 : vector<16xi32> to vector<16xi32>
    %lt3A_1231 = arith.constant 524288 : i32
    %lt3A_1232 = vector.broadcast %lt3A_1231 : i32 to vector<16xi32>
    %lt3A_1233 = arith.cmpi slt, %get3A_1230, %lt3A_1232 : vector<16xi32>
    %get3A_1234 = arith.constant 192 : index
    %get3A_1235 = tpu.vector_load %arg16[%get3A_1234] {strides = array<i32>} : memref<512xf32, #tpu.memory_space<vmem>>, vector<16xf32>,
    %get3A_1236 = vector.shape_cast %get3A_1235 : vector<16xf32> to vector<16xf32>
    %get3A_1237 = arith.constant 192 : index
    %get3A_1238 = tpu.vector_load %arg17[%get3A_1237] {strides = array<i32>} : memref<512xf32, #tpu.memory_space<vmem>>, vector<16xf32>,
    %get3A_1239 = vector.shape_cast %get3A_1238 : vector<16xf32> to vector<16xf32>
    %select_n3A_1240 = arith.select %lt3A_1233, %get3A_1236, %get3A_1239 : vector<16xi1>, vector<16xf32>
    %add3A_1241 = arith.addf %select_n3A_1227, %select_n3A_1240 : vector<16xf32>
    %add3A_1242 = arith.addf %add3A_1241, %get3A_832 : vector<16xf32>
    %swap3A_1243 = arith.constant 192 : index
    %swap3A_1244 = tpu.vector_load %arg19[%swap3A_1243] {strides = array<i32>} : memref<512xf32, #tpu.memory_space<vmem>>, vector<16xf32>,
    %swap3A_1245 = vector.shape_cast %swap3A_1244 : vector<16xf32> to vector<16xf32>
    %swap3A_1246 = vector.shape_cast %add3A_1242 : vector<16xf32> to vector<16xf32>
    tpu.vector_store %arg19[%swap3A_1243], %swap3A_1246 {strides = array<i32>} : memref<512xf32, #tpu.memory_space<vmem>>, vector<16xf32>,
    %get3A_1247 = arith.constant 208 : index
    %get3A_1248 = tpu.vector_load %arg10[%get3A_1247] {strides = array<i32>} : memref<512xi32, #tpu.memory_space<vmem>>, vector<16xi32>,
    %get3A_1249 = vector.shape_cast %get3A_1248 : vector<16xi32> to vector<16xi32>
    %lt3A_1250 = arith.constant 524288 : i32
    %lt3A_1251 = vector.broadcast %lt3A_1250 : i32 to vector<16xi32>
    %lt3A_1252 = arith.cmpi slt, %get3A_1249, %lt3A_1251 : vector<16xi32>
    %get3A_1253 = arith.constant 208 : index
    %get3A_1254 = tpu.vector_load %arg14[%get3A_1253] {strides = array<i32>} : memref<512xf32, #tpu.memory_space<vmem>>, vector<16xf32>,
    %get3A_1255 = vector.shape_cast %get3A_1254 : vector<16xf32> to vector<16xf32>
    %get3A_1256 = arith.constant 208 : index
    %get3A_1257 = tpu.vector_load %arg15[%get3A_1256] {strides = array<i32>} : memref<512xf32, #tpu.memory_space<vmem>>, vector<16xf32>,
    %get3A_1258 = vector.shape_cast %get3A_1257 : vector<16xf32> to vector<16xf32>
    %select_n3A_1259 = arith.select %lt3A_1252, %get3A_1255, %get3A_1258 : vector<16xi1>, vector<16xf32>
    %get3A_1260 = arith.constant 208 : index
    %get3A_1261 = tpu.vector_load %arg11[%get3A_1260] {strides = array<i32>} : memref<512xi32, #tpu.memory_space<vmem>>, vector<16xi32>,
    %get3A_1262 = vector.shape_cast %get3A_1261 : vector<16xi32> to vector<16xi32>
    %lt3A_1263 = arith.constant 524288 : i32
    %lt3A_1264 = vector.broadcast %lt3A_1263 : i32 to vector<16xi32>
    %lt3A_1265 = arith.cmpi slt, %get3A_1262, %lt3A_1264 : vector<16xi32>
    %get3A_1266 = arith.constant 208 : index
    %get3A_1267 = tpu.vector_load %arg16[%get3A_1266] {strides = array<i32>} : memref<512xf32, #tpu.memory_space<vmem>>, vector<16xf32>,
    %get3A_1268 = vector.shape_cast %get3A_1267 : vector<16xf32> to vector<16xf32>
    %get3A_1269 = arith.constant 208 : index
    %get3A_1270 = tpu.vector_load %arg17[%get3A_1269] {strides = array<i32>} : memref<512xf32, #tpu.memory_space<vmem>>, vector<16xf32>,
    %get3A_1271 = vector.shape_cast %get3A_1270 : vector<16xf32> to vector<16xf32>
    %select_n3A_1272 = arith.select %lt3A_1265, %get3A_1268, %get3A_1271 : vector<16xi1>, vector<16xf32>
    %add3A_1273 = arith.addf %select_n3A_1259, %select_n3A_1272 : vector<16xf32>
    %add3A_1274 = arith.addf %add3A_1273, %get3A_832 : vector<16xf32>
    %swap3A_1275 = arith.constant 208 : index
    %swap3A_1276 = tpu.vector_load %arg19[%swap3A_1275] {strides = array<i32>} : memref<512xf32, #tpu.memory_space<vmem>>, vector<16xf32>,
    %swap3A_1277 = vector.shape_cast %swap3A_1276 : vector<16xf32> to vector<16xf32>
    %swap3A_1278 = vector.shape_cast %add3A_1274 : vector<16xf32> to vector<16xf32>
    tpu.vector_store %arg19[%swap3A_1275], %swap3A_1278 {strides = array<i32>} : memref<512xf32, #tpu.memory_space<vmem>>, vector<16xf32>,
    %get3A_1279 = arith.constant 224 : index
    %get3A_1280 = tpu.vector_load %arg10[%get3A_1279] {strides = array<i32>} : memref<512xi32, #tpu.memory_space<vmem>>, vector<16xi32>,
    %get3A_1281 = vector.shape_cast %get3A_1280 : vector<16xi32> to vector<16xi32>
    %lt3A_1282 = arith.constant 524288 : i32
    %lt3A_1283 = vector.broadcast %lt3A_1282 : i32 to vector<16xi32>
    %lt3A_1284 = arith.cmpi slt, %get3A_1281, %lt3A_1283 : vector<16xi32>
    %get3A_1285 = arith.constant 224 : index
    %get3A_1286 = tpu.vector_load %arg14[%get3A_1285] {strides = array<i32>} : memref<512xf32, #tpu.memory_space<vmem>>, vector<16xf32>,
    %get3A_1287 = vector.shape_cast %get3A_1286 : vector<16xf32> to vector<16xf32>
    %get3A_1288 = arith.constant 224 : index
    %get3A_1289 = tpu.vector_load %arg15[%get3A_1288] {strides = array<i32>} : memref<512xf32, #tpu.memory_space<vmem>>, vector<16xf32>,
    %get3A_1290 = vector.shape_cast %get3A_1289 : vector<16xf32> to vector<16xf32>
    %select_n3A_1291 = arith.select %lt3A_1284, %get3A_1287, %get3A_1290 : vector<16xi1>, vector<16xf32>
    %get3A_1292 = arith.constant 224 : index
    %get3A_1293 = tpu.vector_load %arg11[%get3A_1292] {strides = array<i32>} : memref<512xi32, #tpu.memory_space<vmem>>, vector<16xi32>,
    %get3A_1294 = vector.shape_cast %get3A_1293 : vector<16xi32> to vector<16xi32>
    %lt3A_1295 = arith.constant 524288 : i32
    %lt3A_1296 = vector.broadcast %lt3A_1295 : i32 to vector<16xi32>
    %lt3A_1297 = arith.cmpi slt, %get3A_1294, %lt3A_1296 : vector<16xi32>
    %get3A_1298 = arith.constant 224 : index
    %get3A_1299 = tpu.vector_load %arg16[%get3A_1298] {strides = array<i32>} : memref<512xf32, #tpu.memory_space<vmem>>, vector<16xf32>,
    %get3A_1300 = vector.shape_cast %get3A_1299 : vector<16xf32> to vector<16xf32>
    %get3A_1301 = arith.constant 224 : index
    %get3A_1302 = tpu.vector_load %arg17[%get3A_1301] {strides = array<i32>} : memref<512xf32, #tpu.memory_space<vmem>>, vector<16xf32>,
    %get3A_1303 = vector.shape_cast %get3A_1302 : vector<16xf32> to vector<16xf32>
    %select_n3A_1304 = arith.select %lt3A_1297, %get3A_1300, %get3A_1303 : vector<16xi1>, vector<16xf32>
    %add3A_1305 = arith.addf %select_n3A_1291, %select_n3A_1304 : vector<16xf32>
    %add3A_1306 = arith.addf %add3A_1305, %get3A_832 : vector<16xf32>
    %swap3A_1307 = arith.constant 224 : index
    %swap3A_1308 = tpu.vector_load %arg19[%swap3A_1307] {strides = array<i32>} : memref<512xf32, #tpu.memory_space<vmem>>, vector<16xf32>,
    %swap3A_1309 = vector.shape_cast %swap3A_1308 : vector<16xf32> to vector<16xf32>
    %swap3A_1310 = vector.shape_cast %add3A_1306 : vector<16xf32> to vector<16xf32>
    tpu.vector_store %arg19[%swap3A_1307], %swap3A_1310 {strides = array<i32>} : memref<512xf32, #tpu.memory_space<vmem>>, vector<16xf32>,
    %get3A_1311 = arith.constant 240 : index
    %get3A_1312 = tpu.vector_load %arg10[%get3A_1311] {strides = array<i32>} : memref<512xi32, #tpu.memory_space<vmem>>, vector<16xi32>,
    %get3A_1313 = vector.shape_cast %get3A_1312 : vector<16xi32> to vector<16xi32>
    %lt3A_1314 = arith.constant 524288 : i32
    %lt3A_1315 = vector.broadcast %lt3A_1314 : i32 to vector<16xi32>
    %lt3A_1316 = arith.cmpi slt, %get3A_1313, %lt3A_1315 : vector<16xi32>
    %get3A_1317 = arith.constant 240 : index
    %get3A_1318 = tpu.vector_load %arg14[%get3A_1317] {strides = array<i32>} : memref<512xf32, #tpu.memory_space<vmem>>, vector<16xf32>,
    %get3A_1319 = vector.shape_cast %get3A_1318 : vector<16xf32> to vector<16xf32>
    %get3A_1320 = arith.constant 240 : index
    %get3A_1321 = tpu.vector_load %arg15[%get3A_1320] {strides = array<i32>} : memref<512xf32, #tpu.memory_space<vmem>>, vector<16xf32>,
    %get3A_1322 = vector.shape_cast %get3A_1321 : vector<16xf32> to vector<16xf32>
    %select_n3A_1323 = arith.select %lt3A_1316, %get3A_1319, %get3A_1322 : vector<16xi1>, vector<16xf32>
    %get3A_1324 = arith.constant 240 : index
    %get3A_1325 = tpu.vector_load %arg11[%get3A_1324] {strides = array<i32>} : memref<512xi32, #tpu.memory_space<vmem>>, vector<16xi32>,
    %get3A_1326 = vector.shape_cast %get3A_1325 : vector<16xi32> to vector<16xi32>
    %lt3A_1327 = arith.constant 524288 : i32
    %lt3A_1328 = vector.broadcast %lt3A_1327 : i32 to vector<16xi32>
    %lt3A_1329 = arith.cmpi slt, %get3A_1326, %lt3A_1328 : vector<16xi32>
    %get3A_1330 = arith.constant 240 : index
    %get3A_1331 = tpu.vector_load %arg16[%get3A_1330] {strides = array<i32>} : memref<512xf32, #tpu.memory_space<vmem>>, vector<16xf32>,
    %get3A_1332 = vector.shape_cast %get3A_1331 : vector<16xf32> to vector<16xf32>
    %get3A_1333 = arith.constant 240 : index
    %get3A_1334 = tpu.vector_load %arg17[%get3A_1333] {strides = array<i32>} : memref<512xf32, #tpu.memory_space<vmem>>, vector<16xf32>,
    %get3A_1335 = vector.shape_cast %get3A_1334 : vector<16xf32> to vector<16xf32>
    %select_n3A_1336 = arith.select %lt3A_1329, %get3A_1332, %get3A_1335 : vector<16xi1>, vector<16xf32>
    %add3A_1337 = arith.addf %select_n3A_1323, %select_n3A_1336 : vector<16xf32>
    %add3A_1338 = arith.addf %add3A_1337, %get3A_832 : vector<16xf32>
    %swap3A_1339 = arith.constant 240 : index
    %swap3A_1340 = tpu.vector_load %arg19[%swap3A_1339] {strides = array<i32>} : memref<512xf32, #tpu.memory_space<vmem>>, vector<16xf32>,
    %swap3A_1341 = vector.shape_cast %swap3A_1340 : vector<16xf32> to vector<16xf32>
    %swap3A_1342 = vector.shape_cast %add3A_1338 : vector<16xf32> to vector<16xf32>
    tpu.vector_store %arg19[%swap3A_1339], %swap3A_1342 {strides = array<i32>} : memref<512xf32, #tpu.memory_space<vmem>>, vector<16xf32>,
    %get3A_1343 = arith.constant 256 : index
    %get3A_1344 = tpu.vector_load %arg10[%get3A_1343] {strides = array<i32>} : memref<512xi32, #tpu.memory_space<vmem>>, vector<16xi32>,
    %get3A_1345 = vector.shape_cast %get3A_1344 : vector<16xi32> to vector<16xi32>
    %lt3A_1346 = arith.constant 524288 : i32
    %lt3A_1347 = vector.broadcast %lt3A_1346 : i32 to vector<16xi32>
    %lt3A_1348 = arith.cmpi slt, %get3A_1345, %lt3A_1347 : vector<16xi32>
    %get3A_1349 = arith.constant 256 : index
    %get3A_1350 = tpu.vector_load %arg14[%get3A_1349] {strides = array<i32>} : memref<512xf32, #tpu.memory_space<vmem>>, vector<16xf32>,
    %get3A_1351 = vector.shape_cast %get3A_1350 : vector<16xf32> to vector<16xf32>
    %get3A_1352 = arith.constant 256 : index
    %get3A_1353 = tpu.vector_load %arg15[%get3A_1352] {strides = array<i32>} : memref<512xf32, #tpu.memory_space<vmem>>, vector<16xf32>,
    %get3A_1354 = vector.shape_cast %get3A_1353 : vector<16xf32> to vector<16xf32>
    %select_n3A_1355 = arith.select %lt3A_1348, %get3A_1351, %get3A_1354 : vector<16xi1>, vector<16xf32>
    %get3A_1356 = arith.constant 256 : index
    %get3A_1357 = tpu.vector_load %arg11[%get3A_1356] {strides = array<i32>} : memref<512xi32, #tpu.memory_space<vmem>>, vector<16xi32>,
    %get3A_1358 = vector.shape_cast %get3A_1357 : vector<16xi32> to vector<16xi32>
    %lt3A_1359 = arith.constant 524288 : i32
    %lt3A_1360 = vector.broadcast %lt3A_1359 : i32 to vector<16xi32>
    %lt3A_1361 = arith.cmpi slt, %get3A_1358, %lt3A_1360 : vector<16xi32>
    %get3A_1362 = arith.constant 256 : index
    %get3A_1363 = tpu.vector_load %arg16[%get3A_1362] {strides = array<i32>} : memref<512xf32, #tpu.memory_space<vmem>>, vector<16xf32>,
    %get3A_1364 = vector.shape_cast %get3A_1363 : vector<16xf32> to vector<16xf32>
    %get3A_1365 = arith.constant 256 : index
    %get3A_1366 = tpu.vector_load %arg17[%get3A_1365] {strides = array<i32>} : memref<512xf32, #tpu.memory_space<vmem>>, vector<16xf32>,
    %get3A_1367 = vector.shape_cast %get3A_1366 : vector<16xf32> to vector<16xf32>
    %select_n3A_1368 = arith.select %lt3A_1361, %get3A_1364, %get3A_1367 : vector<16xi1>, vector<16xf32>
    %add3A_1369 = arith.addf %select_n3A_1355, %select_n3A_1368 : vector<16xf32>
    %add3A_1370 = arith.addf %add3A_1369, %get3A_832 : vector<16xf32>
    %swap3A_1371 = arith.constant 256 : index
    %swap3A_1372 = tpu.vector_load %arg19[%swap3A_1371] {strides = array<i32>} : memref<512xf32, #tpu.memory_space<vmem>>, vector<16xf32>,
    %swap3A_1373 = vector.shape_cast %swap3A_1372 : vector<16xf32> to vector<16xf32>
    %swap3A_1374 = vector.shape_cast %add3A_1370 : vector<16xf32> to vector<16xf32>
    tpu.vector_store %arg19[%swap3A_1371], %swap3A_1374 {strides = array<i32>} : memref<512xf32, #tpu.memory_space<vmem>>, vector<16xf32>,
    %get3A_1375 = arith.constant 272 : index
    %get3A_1376 = tpu.vector_load %arg10[%get3A_1375] {strides = array<i32>} : memref<512xi32, #tpu.memory_space<vmem>>, vector<16xi32>,
    %get3A_1377 = vector.shape_cast %get3A_1376 : vector<16xi32> to vector<16xi32>
    %lt3A_1378 = arith.constant 524288 : i32
    %lt3A_1379 = vector.broadcast %lt3A_1378 : i32 to vector<16xi32>
    %lt3A_1380 = arith.cmpi slt, %get3A_1377, %lt3A_1379 : vector<16xi32>
    %get3A_1381 = arith.constant 272 : index
    %get3A_1382 = tpu.vector_load %arg14[%get3A_1381] {strides = array<i32>} : memref<512xf32, #tpu.memory_space<vmem>>, vector<16xf32>,
    %get3A_1383 = vector.shape_cast %get3A_1382 : vector<16xf32> to vector<16xf32>
    %get3A_1384 = arith.constant 272 : index
    %get3A_1385 = tpu.vector_load %arg15[%get3A_1384] {strides = array<i32>} : memref<512xf32, #tpu.memory_space<vmem>>, vector<16xf32>,
    %get3A_1386 = vector.shape_cast %get3A_1385 : vector<16xf32> to vector<16xf32>
    %select_n3A_1387 = arith.select %lt3A_1380, %get3A_1383, %get3A_1386 : vector<16xi1>, vector<16xf32>
    %get3A_1388 = arith.constant 272 : index
    %get3A_1389 = tpu.vector_load %arg11[%get3A_1388] {strides = array<i32>} : memref<512xi32, #tpu.memory_space<vmem>>, vector<16xi32>,
    %get3A_1390 = vector.shape_cast %get3A_1389 : vector<16xi32> to vector<16xi32>
    %lt3A_1391 = arith.constant 524288 : i32
    %lt3A_1392 = vector.broadcast %lt3A_1391 : i32 to vector<16xi32>
    %lt3A_1393 = arith.cmpi slt, %get3A_1390, %lt3A_1392 : vector<16xi32>
    %get3A_1394 = arith.constant 272 : index
    %get3A_1395 = tpu.vector_load %arg16[%get3A_1394] {strides = array<i32>} : memref<512xf32, #tpu.memory_space<vmem>>, vector<16xf32>,
    %get3A_1396 = vector.shape_cast %get3A_1395 : vector<16xf32> to vector<16xf32>
    %get3A_1397 = arith.constant 272 : index
    %get3A_1398 = tpu.vector_load %arg17[%get3A_1397] {strides = array<i32>} : memref<512xf32, #tpu.memory_space<vmem>>, vector<16xf32>,
    %get3A_1399 = vector.shape_cast %get3A_1398 : vector<16xf32> to vector<16xf32>
    %select_n3A_1400 = arith.select %lt3A_1393, %get3A_1396, %get3A_1399 : vector<16xi1>, vector<16xf32>
    %add3A_1401 = arith.addf %select_n3A_1387, %select_n3A_1400 : vector<16xf32>
    %add3A_1402 = arith.addf %add3A_1401, %get3A_832 : vector<16xf32>
    %swap3A_1403 = arith.constant 272 : index
    %swap3A_1404 = tpu.vector_load %arg19[%swap3A_1403] {strides = array<i32>} : memref<512xf32, #tpu.memory_space<vmem>>, vector<16xf32>,
    %swap3A_1405 = vector.shape_cast %swap3A_1404 : vector<16xf32> to vector<16xf32>
    %swap3A_1406 = vector.shape_cast %add3A_1402 : vector<16xf32> to vector<16xf32>
    tpu.vector_store %arg19[%swap3A_1403], %swap3A_1406 {strides = array<i32>} : memref<512xf32, #tpu.memory_space<vmem>>, vector<16xf32>,
    %get3A_1407 = arith.constant 288 : index
    %get3A_1408 = tpu.vector_load %arg10[%get3A_1407] {strides = array<i32>} : memref<512xi32, #tpu.memory_space<vmem>>, vector<16xi32>,
    %get3A_1409 = vector.shape_cast %get3A_1408 : vector<16xi32> to vector<16xi32>
    %lt3A_1410 = arith.constant 524288 : i32
    %lt3A_1411 = vector.broadcast %lt3A_1410 : i32 to vector<16xi32>
    %lt3A_1412 = arith.cmpi slt, %get3A_1409, %lt3A_1411 : vector<16xi32>
    %get3A_1413 = arith.constant 288 : index
    %get3A_1414 = tpu.vector_load %arg14[%get3A_1413] {strides = array<i32>} : memref<512xf32, #tpu.memory_space<vmem>>, vector<16xf32>,
    %get3A_1415 = vector.shape_cast %get3A_1414 : vector<16xf32> to vector<16xf32>
    %get3A_1416 = arith.constant 288 : index
    %get3A_1417 = tpu.vector_load %arg15[%get3A_1416] {strides = array<i32>} : memref<512xf32, #tpu.memory_space<vmem>>, vector<16xf32>,
    %get3A_1418 = vector.shape_cast %get3A_1417 : vector<16xf32> to vector<16xf32>
    %select_n3A_1419 = arith.select %lt3A_1412, %get3A_1415, %get3A_1418 : vector<16xi1>, vector<16xf32>
    %get3A_1420 = arith.constant 288 : index
    %get3A_1421 = tpu.vector_load %arg11[%get3A_1420] {strides = array<i32>} : memref<512xi32, #tpu.memory_space<vmem>>, vector<16xi32>,
    %get3A_1422 = vector.shape_cast %get3A_1421 : vector<16xi32> to vector<16xi32>
    %lt3A_1423 = arith.constant 524288 : i32
    %lt3A_1424 = vector.broadcast %lt3A_1423 : i32 to vector<16xi32>
    %lt3A_1425 = arith.cmpi slt, %get3A_1422, %lt3A_1424 : vector<16xi32>
    %get3A_1426 = arith.constant 288 : index
    %get3A_1427 = tpu.vector_load %arg16[%get3A_1426] {strides = array<i32>} : memref<512xf32, #tpu.memory_space<vmem>>, vector<16xf32>,
    %get3A_1428 = vector.shape_cast %get3A_1427 : vector<16xf32> to vector<16xf32>
    %get3A_1429 = arith.constant 288 : index
    %get3A_1430 = tpu.vector_load %arg17[%get3A_1429] {strides = array<i32>} : memref<512xf32, #tpu.memory_space<vmem>>, vector<16xf32>,
    %get3A_1431 = vector.shape_cast %get3A_1430 : vector<16xf32> to vector<16xf32>
    %select_n3A_1432 = arith.select %lt3A_1425, %get3A_1428, %get3A_1431 : vector<16xi1>, vector<16xf32>
    %add3A_1433 = arith.addf %select_n3A_1419, %select_n3A_1432 : vector<16xf32>
    %add3A_1434 = arith.addf %add3A_1433, %get3A_832 : vector<16xf32>
    %swap3A_1435 = arith.constant 288 : index
    %swap3A_1436 = tpu.vector_load %arg19[%swap3A_1435] {strides = array<i32>} : memref<512xf32, #tpu.memory_space<vmem>>, vector<16xf32>,
    %swap3A_1437 = vector.shape_cast %swap3A_1436 : vector<16xf32> to vector<16xf32>
    %swap3A_1438 = vector.shape_cast %add3A_1434 : vector<16xf32> to vector<16xf32>
    tpu.vector_store %arg19[%swap3A_1435], %swap3A_1438 {strides = array<i32>} : memref<512xf32, #tpu.memory_space<vmem>>, vector<16xf32>,
    %get3A_1439 = arith.constant 304 : index
    %get3A_1440 = tpu.vector_load %arg10[%get3A_1439] {strides = array<i32>} : memref<512xi32, #tpu.memory_space<vmem>>, vector<16xi32>,
    %get3A_1441 = vector.shape_cast %get3A_1440 : vector<16xi32> to vector<16xi32>
    %lt3A_1442 = arith.constant 524288 : i32
    %lt3A_1443 = vector.broadcast %lt3A_1442 : i32 to vector<16xi32>
    %lt3A_1444 = arith.cmpi slt, %get3A_1441, %lt3A_1443 : vector<16xi32>
    %get3A_1445 = arith.constant 304 : index
    %get3A_1446 = tpu.vector_load %arg14[%get3A_1445] {strides = array<i32>} : memref<512xf32, #tpu.memory_space<vmem>>, vector<16xf32>,
    %get3A_1447 = vector.shape_cast %get3A_1446 : vector<16xf32> to vector<16xf32>
    %get3A_1448 = arith.constant 304 : index
    %get3A_1449 = tpu.vector_load %arg15[%get3A_1448] {strides = array<i32>} : memref<512xf32, #tpu.memory_space<vmem>>, vector<16xf32>,
    %get3A_1450 = vector.shape_cast %get3A_1449 : vector<16xf32> to vector<16xf32>
    %select_n3A_1451 = arith.select %lt3A_1444, %get3A_1447, %get3A_1450 : vector<16xi1>, vector<16xf32>
    %get3A_1452 = arith.constant 304 : index
    %get3A_1453 = tpu.vector_load %arg11[%get3A_1452] {strides = array<i32>} : memref<512xi32, #tpu.memory_space<vmem>>, vector<16xi32>,
    %get3A_1454 = vector.shape_cast %get3A_1453 : vector<16xi32> to vector<16xi32>
    %lt3A_1455 = arith.constant 524288 : i32
    %lt3A_1456 = vector.broadcast %lt3A_1455 : i32 to vector<16xi32>
    %lt3A_1457 = arith.cmpi slt, %get3A_1454, %lt3A_1456 : vector<16xi32>
    %get3A_1458 = arith.constant 304 : index
    %get3A_1459 = tpu.vector_load %arg16[%get3A_1458] {strides = array<i32>} : memref<512xf32, #tpu.memory_space<vmem>>, vector<16xf32>,
    %get3A_1460 = vector.shape_cast %get3A_1459 : vector<16xf32> to vector<16xf32>
    %get3A_1461 = arith.constant 304 : index
    %get3A_1462 = tpu.vector_load %arg17[%get3A_1461] {strides = array<i32>} : memref<512xf32, #tpu.memory_space<vmem>>, vector<16xf32>,
    %get3A_1463 = vector.shape_cast %get3A_1462 : vector<16xf32> to vector<16xf32>
    %select_n3A_1464 = arith.select %lt3A_1457, %get3A_1460, %get3A_1463 : vector<16xi1>, vector<16xf32>
    %add3A_1465 = arith.addf %select_n3A_1451, %select_n3A_1464 : vector<16xf32>
    %add3A_1466 = arith.addf %add3A_1465, %get3A_832 : vector<16xf32>
    %swap3A_1467 = arith.constant 304 : index
    %swap3A_1468 = tpu.vector_load %arg19[%swap3A_1467] {strides = array<i32>} : memref<512xf32, #tpu.memory_space<vmem>>, vector<16xf32>,
    %swap3A_1469 = vector.shape_cast %swap3A_1468 : vector<16xf32> to vector<16xf32>
    %swap3A_1470 = vector.shape_cast %add3A_1466 : vector<16xf32> to vector<16xf32>
    tpu.vector_store %arg19[%swap3A_1467], %swap3A_1470 {strides = array<i32>} : memref<512xf32, #tpu.memory_space<vmem>>, vector<16xf32>,
    %get3A_1471 = arith.constant 320 : index
    %get3A_1472 = tpu.vector_load %arg10[%get3A_1471] {strides = array<i32>} : memref<512xi32, #tpu.memory_space<vmem>>, vector<16xi32>,
    %get3A_1473 = vector.shape_cast %get3A_1472 : vector<16xi32> to vector<16xi32>
    %lt3A_1474 = arith.constant 524288 : i32
    %lt3A_1475 = vector.broadcast %lt3A_1474 : i32 to vector<16xi32>
    %lt3A_1476 = arith.cmpi slt, %get3A_1473, %lt3A_1475 : vector<16xi32>
    %get3A_1477 = arith.constant 320 : index
    %get3A_1478 = tpu.vector_load %arg14[%get3A_1477] {strides = array<i32>} : memref<512xf32, #tpu.memory_space<vmem>>, vector<16xf32>,
    %get3A_1479 = vector.shape_cast %get3A_1478 : vector<16xf32> to vector<16xf32>
    %get3A_1480 = arith.constant 320 : index
    %get3A_1481 = tpu.vector_load %arg15[%get3A_1480] {strides = array<i32>} : memref<512xf32, #tpu.memory_space<vmem>>, vector<16xf32>,
    %get3A_1482 = vector.shape_cast %get3A_1481 : vector<16xf32> to vector<16xf32>
    %select_n3A_1483 = arith.select %lt3A_1476, %get3A_1479, %get3A_1482 : vector<16xi1>, vector<16xf32>
    %get3A_1484 = arith.constant 320 : index
    %get3A_1485 = tpu.vector_load %arg11[%get3A_1484] {strides = array<i32>} : memref<512xi32, #tpu.memory_space<vmem>>, vector<16xi32>,
    %get3A_1486 = vector.shape_cast %get3A_1485 : vector<16xi32> to vector<16xi32>
    %lt3A_1487 = arith.constant 524288 : i32
    %lt3A_1488 = vector.broadcast %lt3A_1487 : i32 to vector<16xi32>
    %lt3A_1489 = arith.cmpi slt, %get3A_1486, %lt3A_1488 : vector<16xi32>
    %get3A_1490 = arith.constant 320 : index
    %get3A_1491 = tpu.vector_load %arg16[%get3A_1490] {strides = array<i32>} : memref<512xf32, #tpu.memory_space<vmem>>, vector<16xf32>,
    %get3A_1492 = vector.shape_cast %get3A_1491 : vector<16xf32> to vector<16xf32>
    %get3A_1493 = arith.constant 320 : index
    %get3A_1494 = tpu.vector_load %arg17[%get3A_1493] {strides = array<i32>} : memref<512xf32, #tpu.memory_space<vmem>>, vector<16xf32>,
    %get3A_1495 = vector.shape_cast %get3A_1494 : vector<16xf32> to vector<16xf32>
    %select_n3A_1496 = arith.select %lt3A_1489, %get3A_1492, %get3A_1495 : vector<16xi1>, vector<16xf32>
    %add3A_1497 = arith.addf %select_n3A_1483, %select_n3A_1496 : vector<16xf32>
    %add3A_1498 = arith.addf %add3A_1497, %get3A_832 : vector<16xf32>
    %swap3A_1499 = arith.constant 320 : index
    %swap3A_1500 = tpu.vector_load %arg19[%swap3A_1499] {strides = array<i32>} : memref<512xf32, #tpu.memory_space<vmem>>, vector<16xf32>,
    %swap3A_1501 = vector.shape_cast %swap3A_1500 : vector<16xf32> to vector<16xf32>
    %swap3A_1502 = vector.shape_cast %add3A_1498 : vector<16xf32> to vector<16xf32>
    tpu.vector_store %arg19[%swap3A_1499], %swap3A_1502 {strides = array<i32>} : memref<512xf32, #tpu.memory_space<vmem>>, vector<16xf32>,
    %get3A_1503 = arith.constant 336 : index
    %get3A_1504 = tpu.vector_load %arg10[%get3A_1503] {strides = array<i32>} : memref<512xi32, #tpu.memory_space<vmem>>, vector<16xi32>,
    %get3A_1505 = vector.shape_cast %get3A_1504 : vector<16xi32> to vector<16xi32>
    %lt3A_1506 = arith.constant 524288 : i32
    %lt3A_1507 = vector.broadcast %lt3A_1506 : i32 to vector<16xi32>
    %lt3A_1508 = arith.cmpi slt, %get3A_1505, %lt3A_1507 : vector<16xi32>
    %get3A_1509 = arith.constant 336 : index
    %get3A_1510 = tpu.vector_load %arg14[%get3A_1509] {strides = array<i32>} : memref<512xf32, #tpu.memory_space<vmem>>, vector<16xf32>,
    %get3A_1511 = vector.shape_cast %get3A_1510 : vector<16xf32> to vector<16xf32>
    %get3A_1512 = arith.constant 336 : index
    %get3A_1513 = tpu.vector_load %arg15[%get3A_1512] {strides = array<i32>} : memref<512xf32, #tpu.memory_space<vmem>>, vector<16xf32>,
    %get3A_1514 = vector.shape_cast %get3A_1513 : vector<16xf32> to vector<16xf32>
    %select_n3A_1515 = arith.select %lt3A_1508, %get3A_1511, %get3A_1514 : vector<16xi1>, vector<16xf32>
    %get3A_1516 = arith.constant 336 : index
    %get3A_1517 = tpu.vector_load %arg11[%get3A_1516] {strides = array<i32>} : memref<512xi32, #tpu.memory_space<vmem>>, vector<16xi32>,
    %get3A_1518 = vector.shape_cast %get3A_1517 : vector<16xi32> to vector<16xi32>
    %lt3A_1519 = arith.constant 524288 : i32
    %lt3A_1520 = vector.broadcast %lt3A_1519 : i32 to vector<16xi32>
    %lt3A_1521 = arith.cmpi slt, %get3A_1518, %lt3A_1520 : vector<16xi32>
    %get3A_1522 = arith.constant 336 : index
    %get3A_1523 = tpu.vector_load %arg16[%get3A_1522] {strides = array<i32>} : memref<512xf32, #tpu.memory_space<vmem>>, vector<16xf32>,
    %get3A_1524 = vector.shape_cast %get3A_1523 : vector<16xf32> to vector<16xf32>
    %get3A_1525 = arith.constant 336 : index
    %get3A_1526 = tpu.vector_load %arg17[%get3A_1525] {strides = array<i32>} : memref<512xf32, #tpu.memory_space<vmem>>, vector<16xf32>,
    %get3A_1527 = vector.shape_cast %get3A_1526 : vector<16xf32> to vector<16xf32>
    %select_n3A_1528 = arith.select %lt3A_1521, %get3A_1524, %get3A_1527 : vector<16xi1>, vector<16xf32>
    %add3A_1529 = arith.addf %select_n3A_1515, %select_n3A_1528 : vector<16xf32>
    %add3A_1530 = arith.addf %add3A_1529, %get3A_832 : vector<16xf32>
    %swap3A_1531 = arith.constant 336 : index
    %swap3A_1532 = tpu.vector_load %arg19[%swap3A_1531] {strides = array<i32>} : memref<512xf32, #tpu.memory_space<vmem>>, vector<16xf32>,
    %swap3A_1533 = vector.shape_cast %swap3A_1532 : vector<16xf32> to vector<16xf32>
    %swap3A_1534 = vector.shape_cast %add3A_1530 : vector<16xf32> to vector<16xf32>
    tpu.vector_store %arg19[%swap3A_1531], %swap3A_1534 {strides = array<i32>} : memref<512xf32, #tpu.memory_space<vmem>>, vector<16xf32>,
    %get3A_1535 = arith.constant 352 : index
    %get3A_1536 = tpu.vector_load %arg10[%get3A_1535] {strides = array<i32>} : memref<512xi32, #tpu.memory_space<vmem>>, vector<16xi32>,
    %get3A_1537 = vector.shape_cast %get3A_1536 : vector<16xi32> to vector<16xi32>
    %lt3A_1538 = arith.constant 524288 : i32
    %lt3A_1539 = vector.broadcast %lt3A_1538 : i32 to vector<16xi32>
    %lt3A_1540 = arith.cmpi slt, %get3A_1537, %lt3A_1539 : vector<16xi32>
    %get3A_1541 = arith.constant 352 : index
    %get3A_1542 = tpu.vector_load %arg14[%get3A_1541] {strides = array<i32>} : memref<512xf32, #tpu.memory_space<vmem>>, vector<16xf32>,
    %get3A_1543 = vector.shape_cast %get3A_1542 : vector<16xf32> to vector<16xf32>
    %get3A_1544 = arith.constant 352 : index
    %get3A_1545 = tpu.vector_load %arg15[%get3A_1544] {strides = array<i32>} : memref<512xf32, #tpu.memory_space<vmem>>, vector<16xf32>,
    %get3A_1546 = vector.shape_cast %get3A_1545 : vector<16xf32> to vector<16xf32>
    %select_n3A_1547 = arith.select %lt3A_1540, %get3A_1543, %get3A_1546 : vector<16xi1>, vector<16xf32>
    %get3A_1548 = arith.constant 352 : index
    %get3A_1549 = tpu.vector_load %arg11[%get3A_1548] {strides = array<i32>} : memref<512xi32, #tpu.memory_space<vmem>>, vector<16xi32>,
    %get3A_1550 = vector.shape_cast %get3A_1549 : vector<16xi32> to vector<16xi32>
    %lt3A_1551 = arith.constant 524288 : i32
    %lt3A_1552 = vector.broadcast %lt3A_1551 : i32 to vector<16xi32>
    %lt3A_1553 = arith.cmpi slt, %get3A_1550, %lt3A_1552 : vector<16xi32>
    %get3A_1554 = arith.constant 352 : index
    %get3A_1555 = tpu.vector_load %arg16[%get3A_1554] {strides = array<i32>} : memref<512xf32, #tpu.memory_space<vmem>>, vector<16xf32>,
    %get3A_1556 = vector.shape_cast %get3A_1555 : vector<16xf32> to vector<16xf32>
    %get3A_1557 = arith.constant 352 : index
    %get3A_1558 = tpu.vector_load %arg17[%get3A_1557] {strides = array<i32>} : memref<512xf32, #tpu.memory_space<vmem>>, vector<16xf32>,
    %get3A_1559 = vector.shape_cast %get3A_1558 : vector<16xf32> to vector<16xf32>
    %select_n3A_1560 = arith.select %lt3A_1553, %get3A_1556, %get3A_1559 : vector<16xi1>, vector<16xf32>
    %add3A_1561 = arith.addf %select_n3A_1547, %select_n3A_1560 : vector<16xf32>
    %add3A_1562 = arith.addf %add3A_1561, %get3A_832 : vector<16xf32>
    %swap3A_1563 = arith.constant 352 : index
    %swap3A_1564 = tpu.vector_load %arg19[%swap3A_1563] {strides = array<i32>} : memref<512xf32, #tpu.memory_space<vmem>>, vector<16xf32>,
    %swap3A_1565 = vector.shape_cast %swap3A_1564 : vector<16xf32> to vector<16xf32>
    %swap3A_1566 = vector.shape_cast %add3A_1562 : vector<16xf32> to vector<16xf32>
    tpu.vector_store %arg19[%swap3A_1563], %swap3A_1566 {strides = array<i32>} : memref<512xf32, #tpu.memory_space<vmem>>, vector<16xf32>,
    %get3A_1567 = arith.constant 368 : index
    %get3A_1568 = tpu.vector_load %arg10[%get3A_1567] {strides = array<i32>} : memref<512xi32, #tpu.memory_space<vmem>>, vector<16xi32>,
    %get3A_1569 = vector.shape_cast %get3A_1568 : vector<16xi32> to vector<16xi32>
    %lt3A_1570 = arith.constant 524288 : i32
    %lt3A_1571 = vector.broadcast %lt3A_1570 : i32 to vector<16xi32>
    %lt3A_1572 = arith.cmpi slt, %get3A_1569, %lt3A_1571 : vector<16xi32>
    %get3A_1573 = arith.constant 368 : index
    %get3A_1574 = tpu.vector_load %arg14[%get3A_1573] {strides = array<i32>} : memref<512xf32, #tpu.memory_space<vmem>>, vector<16xf32>,
    %get3A_1575 = vector.shape_cast %get3A_1574 : vector<16xf32> to vector<16xf32>
    %get3A_1576 = arith.constant 368 : index
    %get3A_1577 = tpu.vector_load %arg15[%get3A_1576] {strides = array<i32>} : memref<512xf32, #tpu.memory_space<vmem>>, vector<16xf32>,
    %get3A_1578 = vector.shape_cast %get3A_1577 : vector<16xf32> to vector<16xf32>
    %select_n3A_1579 = arith.select %lt3A_1572, %get3A_1575, %get3A_1578 : vector<16xi1>, vector<16xf32>
    %get3A_1580 = arith.constant 368 : index
    %get3A_1581 = tpu.vector_load %arg11[%get3A_1580] {strides = array<i32>} : memref<512xi32, #tpu.memory_space<vmem>>, vector<16xi32>,
    %get3A_1582 = vector.shape_cast %get3A_1581 : vector<16xi32> to vector<16xi32>
    %lt3A_1583 = arith.constant 524288 : i32
    %lt3A_1584 = vector.broadcast %lt3A_1583 : i32 to vector<16xi32>
    %lt3A_1585 = arith.cmpi slt, %get3A_1582, %lt3A_1584 : vector<16xi32>
    %get3A_1586 = arith.constant 368 : index
    %get3A_1587 = tpu.vector_load %arg16[%get3A_1586] {strides = array<i32>} : memref<512xf32, #tpu.memory_space<vmem>>, vector<16xf32>,
    %get3A_1588 = vector.shape_cast %get3A_1587 : vector<16xf32> to vector<16xf32>
    %get3A_1589 = arith.constant 368 : index
    %get3A_1590 = tpu.vector_load %arg17[%get3A_1589] {strides = array<i32>} : memref<512xf32, #tpu.memory_space<vmem>>, vector<16xf32>,
    %get3A_1591 = vector.shape_cast %get3A_1590 : vector<16xf32> to vector<16xf32>
    %select_n3A_1592 = arith.select %lt3A_1585, %get3A_1588, %get3A_1591 : vector<16xi1>, vector<16xf32>
    %add3A_1593 = arith.addf %select_n3A_1579, %select_n3A_1592 : vector<16xf32>
    %add3A_1594 = arith.addf %add3A_1593, %get3A_832 : vector<16xf32>
    %swap3A_1595 = arith.constant 368 : index
    %swap3A_1596 = tpu.vector_load %arg19[%swap3A_1595] {strides = array<i32>} : memref<512xf32, #tpu.memory_space<vmem>>, vector<16xf32>,
    %swap3A_1597 = vector.shape_cast %swap3A_1596 : vector<16xf32> to vector<16xf32>
    %swap3A_1598 = vector.shape_cast %add3A_1594 : vector<16xf32> to vector<16xf32>
    tpu.vector_store %arg19[%swap3A_1595], %swap3A_1598 {strides = array<i32>} : memref<512xf32, #tpu.memory_space<vmem>>, vector<16xf32>,
    %get3A_1599 = arith.constant 384 : index
    %get3A_1600 = tpu.vector_load %arg10[%get3A_1599] {strides = array<i32>} : memref<512xi32, #tpu.memory_space<vmem>>, vector<16xi32>,
    %get3A_1601 = vector.shape_cast %get3A_1600 : vector<16xi32> to vector<16xi32>
    %lt3A_1602 = arith.constant 524288 : i32
    %lt3A_1603 = vector.broadcast %lt3A_1602 : i32 to vector<16xi32>
    %lt3A_1604 = arith.cmpi slt, %get3A_1601, %lt3A_1603 : vector<16xi32>
    %get3A_1605 = arith.constant 384 : index
    %get3A_1606 = tpu.vector_load %arg14[%get3A_1605] {strides = array<i32>} : memref<512xf32, #tpu.memory_space<vmem>>, vector<16xf32>,
    %get3A_1607 = vector.shape_cast %get3A_1606 : vector<16xf32> to vector<16xf32>
    %get3A_1608 = arith.constant 384 : index
    %get3A_1609 = tpu.vector_load %arg15[%get3A_1608] {strides = array<i32>} : memref<512xf32, #tpu.memory_space<vmem>>, vector<16xf32>,
    %get3A_1610 = vector.shape_cast %get3A_1609 : vector<16xf32> to vector<16xf32>
    %select_n3A_1611 = arith.select %lt3A_1604, %get3A_1607, %get3A_1610 : vector<16xi1>, vector<16xf32>
    %get3A_1612 = arith.constant 384 : index
    %get3A_1613 = tpu.vector_load %arg11[%get3A_1612] {strides = array<i32>} : memref<512xi32, #tpu.memory_space<vmem>>, vector<16xi32>,
    %get3A_1614 = vector.shape_cast %get3A_1613 : vector<16xi32> to vector<16xi32>
    %lt3A_1615 = arith.constant 524288 : i32
    %lt3A_1616 = vector.broadcast %lt3A_1615 : i32 to vector<16xi32>
    %lt3A_1617 = arith.cmpi slt, %get3A_1614, %lt3A_1616 : vector<16xi32>
    %get3A_1618 = arith.constant 384 : index
    %get3A_1619 = tpu.vector_load %arg16[%get3A_1618] {strides = array<i32>} : memref<512xf32, #tpu.memory_space<vmem>>, vector<16xf32>,
    %get3A_1620 = vector.shape_cast %get3A_1619 : vector<16xf32> to vector<16xf32>
    %get3A_1621 = arith.constant 384 : index
    %get3A_1622 = tpu.vector_load %arg17[%get3A_1621] {strides = array<i32>} : memref<512xf32, #tpu.memory_space<vmem>>, vector<16xf32>,
    %get3A_1623 = vector.shape_cast %get3A_1622 : vector<16xf32> to vector<16xf32>
    %select_n3A_1624 = arith.select %lt3A_1617, %get3A_1620, %get3A_1623 : vector<16xi1>, vector<16xf32>
    %add3A_1625 = arith.addf %select_n3A_1611, %select_n3A_1624 : vector<16xf32>
    %add3A_1626 = arith.addf %add3A_1625, %get3A_832 : vector<16xf32>
    %swap3A_1627 = arith.constant 384 : index
    %swap3A_1628 = tpu.vector_load %arg19[%swap3A_1627] {strides = array<i32>} : memref<512xf32, #tpu.memory_space<vmem>>, vector<16xf32>,
    %swap3A_1629 = vector.shape_cast %swap3A_1628 : vector<16xf32> to vector<16xf32>
    %swap3A_1630 = vector.shape_cast %add3A_1626 : vector<16xf32> to vector<16xf32>
    tpu.vector_store %arg19[%swap3A_1627], %swap3A_1630 {strides = array<i32>} : memref<512xf32, #tpu.memory_space<vmem>>, vector<16xf32>,
    %get3A_1631 = arith.constant 400 : index
    %get3A_1632 = tpu.vector_load %arg10[%get3A_1631] {strides = array<i32>} : memref<512xi32, #tpu.memory_space<vmem>>, vector<16xi32>,
    %get3A_1633 = vector.shape_cast %get3A_1632 : vector<16xi32> to vector<16xi32>
    %lt3A_1634 = arith.constant 524288 : i32
    %lt3A_1635 = vector.broadcast %lt3A_1634 : i32 to vector<16xi32>
    %lt3A_1636 = arith.cmpi slt, %get3A_1633, %lt3A_1635 : vector<16xi32>
    %get3A_1637 = arith.constant 400 : index
    %get3A_1638 = tpu.vector_load %arg14[%get3A_1637] {strides = array<i32>} : memref<512xf32, #tpu.memory_space<vmem>>, vector<16xf32>,
    %get3A_1639 = vector.shape_cast %get3A_1638 : vector<16xf32> to vector<16xf32>
    %get3A_1640 = arith.constant 400 : index
    %get3A_1641 = tpu.vector_load %arg15[%get3A_1640] {strides = array<i32>} : memref<512xf32, #tpu.memory_space<vmem>>, vector<16xf32>,
    %get3A_1642 = vector.shape_cast %get3A_1641 : vector<16xf32> to vector<16xf32>
    %select_n3A_1643 = arith.select %lt3A_1636, %get3A_1639, %get3A_1642 : vector<16xi1>, vector<16xf32>
    %get3A_1644 = arith.constant 400 : index
    %get3A_1645 = tpu.vector_load %arg11[%get3A_1644] {strides = array<i32>} : memref<512xi32, #tpu.memory_space<vmem>>, vector<16xi32>,
    %get3A_1646 = vector.shape_cast %get3A_1645 : vector<16xi32> to vector<16xi32>
    %lt3A_1647 = arith.constant 524288 : i32
    %lt3A_1648 = vector.broadcast %lt3A_1647 : i32 to vector<16xi32>
    %lt3A_1649 = arith.cmpi slt, %get3A_1646, %lt3A_1648 : vector<16xi32>
    %get3A_1650 = arith.constant 400 : index
    %get3A_1651 = tpu.vector_load %arg16[%get3A_1650] {strides = array<i32>} : memref<512xf32, #tpu.memory_space<vmem>>, vector<16xf32>,
    %get3A_1652 = vector.shape_cast %get3A_1651 : vector<16xf32> to vector<16xf32>
    %get3A_1653 = arith.constant 400 : index
    %get3A_1654 = tpu.vector_load %arg17[%get3A_1653] {strides = array<i32>} : memref<512xf32, #tpu.memory_space<vmem>>, vector<16xf32>,
    %get3A_1655 = vector.shape_cast %get3A_1654 : vector<16xf32> to vector<16xf32>
    %select_n3A_1656 = arith.select %lt3A_1649, %get3A_1652, %get3A_1655 : vector<16xi1>, vector<16xf32>
    %add3A_1657 = arith.addf %select_n3A_1643, %select_n3A_1656 : vector<16xf32>
    %add3A_1658 = arith.addf %add3A_1657, %get3A_832 : vector<16xf32>
    %swap3A_1659 = arith.constant 400 : index
    %swap3A_1660 = tpu.vector_load %arg19[%swap3A_1659] {strides = array<i32>} : memref<512xf32, #tpu.memory_space<vmem>>, vector<16xf32>,
    %swap3A_1661 = vector.shape_cast %swap3A_1660 : vector<16xf32> to vector<16xf32>
    %swap3A_1662 = vector.shape_cast %add3A_1658 : vector<16xf32> to vector<16xf32>
    tpu.vector_store %arg19[%swap3A_1659], %swap3A_1662 {strides = array<i32>} : memref<512xf32, #tpu.memory_space<vmem>>, vector<16xf32>,
    %get3A_1663 = arith.constant 416 : index
    %get3A_1664 = tpu.vector_load %arg10[%get3A_1663] {strides = array<i32>} : memref<512xi32, #tpu.memory_space<vmem>>, vector<16xi32>,
    %get3A_1665 = vector.shape_cast %get3A_1664 : vector<16xi32> to vector<16xi32>
    %lt3A_1666 = arith.constant 524288 : i32
    %lt3A_1667 = vector.broadcast %lt3A_1666 : i32 to vector<16xi32>
    %lt3A_1668 = arith.cmpi slt, %get3A_1665, %lt3A_1667 : vector<16xi32>
    %get3A_1669 = arith.constant 416 : index
    %get3A_1670 = tpu.vector_load %arg14[%get3A_1669] {strides = array<i32>} : memref<512xf32, #tpu.memory_space<vmem>>, vector<16xf32>,
    %get3A_1671 = vector.shape_cast %get3A_1670 : vector<16xf32> to vector<16xf32>
    %get3A_1672 = arith.constant 416 : index
    %get3A_1673 = tpu.vector_load %arg15[%get3A_1672] {strides = array<i32>} : memref<512xf32, #tpu.memory_space<vmem>>, vector<16xf32>,
    %get3A_1674 = vector.shape_cast %get3A_1673 : vector<16xf32> to vector<16xf32>
    %select_n3A_1675 = arith.select %lt3A_1668, %get3A_1671, %get3A_1674 : vector<16xi1>, vector<16xf32>
    %get3A_1676 = arith.constant 416 : index
    %get3A_1677 = tpu.vector_load %arg11[%get3A_1676] {strides = array<i32>} : memref<512xi32, #tpu.memory_space<vmem>>, vector<16xi32>,
    %get3A_1678 = vector.shape_cast %get3A_1677 : vector<16xi32> to vector<16xi32>
    %lt3A_1679 = arith.constant 524288 : i32
    %lt3A_1680 = vector.broadcast %lt3A_1679 : i32 to vector<16xi32>
    %lt3A_1681 = arith.cmpi slt, %get3A_1678, %lt3A_1680 : vector<16xi32>
    %get3A_1682 = arith.constant 416 : index
    %get3A_1683 = tpu.vector_load %arg16[%get3A_1682] {strides = array<i32>} : memref<512xf32, #tpu.memory_space<vmem>>, vector<16xf32>,
    %get3A_1684 = vector.shape_cast %get3A_1683 : vector<16xf32> to vector<16xf32>
    %get3A_1685 = arith.constant 416 : index
    %get3A_1686 = tpu.vector_load %arg17[%get3A_1685] {strides = array<i32>} : memref<512xf32, #tpu.memory_space<vmem>>, vector<16xf32>,
    %get3A_1687 = vector.shape_cast %get3A_1686 : vector<16xf32> to vector<16xf32>
    %select_n3A_1688 = arith.select %lt3A_1681, %get3A_1684, %get3A_1687 : vector<16xi1>, vector<16xf32>
    %add3A_1689 = arith.addf %select_n3A_1675, %select_n3A_1688 : vector<16xf32>
    %add3A_1690 = arith.addf %add3A_1689, %get3A_832 : vector<16xf32>
    %swap3A_1691 = arith.constant 416 : index
    %swap3A_1692 = tpu.vector_load %arg19[%swap3A_1691] {strides = array<i32>} : memref<512xf32, #tpu.memory_space<vmem>>, vector<16xf32>,
    %swap3A_1693 = vector.shape_cast %swap3A_1692 : vector<16xf32> to vector<16xf32>
    %swap3A_1694 = vector.shape_cast %add3A_1690 : vector<16xf32> to vector<16xf32>
    tpu.vector_store %arg19[%swap3A_1691], %swap3A_1694 {strides = array<i32>} : memref<512xf32, #tpu.memory_space<vmem>>, vector<16xf32>,
    %get3A_1695 = arith.constant 432 : index
    %get3A_1696 = tpu.vector_load %arg10[%get3A_1695] {strides = array<i32>} : memref<512xi32, #tpu.memory_space<vmem>>, vector<16xi32>,
    %get3A_1697 = vector.shape_cast %get3A_1696 : vector<16xi32> to vector<16xi32>
    %lt3A_1698 = arith.constant 524288 : i32
    %lt3A_1699 = vector.broadcast %lt3A_1698 : i32 to vector<16xi32>
    %lt3A_1700 = arith.cmpi slt, %get3A_1697, %lt3A_1699 : vector<16xi32>
    %get3A_1701 = arith.constant 432 : index
    %get3A_1702 = tpu.vector_load %arg14[%get3A_1701] {strides = array<i32>} : memref<512xf32, #tpu.memory_space<vmem>>, vector<16xf32>,
    %get3A_1703 = vector.shape_cast %get3A_1702 : vector<16xf32> to vector<16xf32>
    %get3A_1704 = arith.constant 432 : index
    %get3A_1705 = tpu.vector_load %arg15[%get3A_1704] {strides = array<i32>} : memref<512xf32, #tpu.memory_space<vmem>>, vector<16xf32>,
    %get3A_1706 = vector.shape_cast %get3A_1705 : vector<16xf32> to vector<16xf32>
    %select_n3A_1707 = arith.select %lt3A_1700, %get3A_1703, %get3A_1706 : vector<16xi1>, vector<16xf32>
    %get3A_1708 = arith.constant 432 : index
    %get3A_1709 = tpu.vector_load %arg11[%get3A_1708] {strides = array<i32>} : memref<512xi32, #tpu.memory_space<vmem>>, vector<16xi32>,
    %get3A_1710 = vector.shape_cast %get3A_1709 : vector<16xi32> to vector<16xi32>
    %lt3A_1711 = arith.constant 524288 : i32
    %lt3A_1712 = vector.broadcast %lt3A_1711 : i32 to vector<16xi32>
    %lt3A_1713 = arith.cmpi slt, %get3A_1710, %lt3A_1712 : vector<16xi32>
    %get3A_1714 = arith.constant 432 : index
    %get3A_1715 = tpu.vector_load %arg16[%get3A_1714] {strides = array<i32>} : memref<512xf32, #tpu.memory_space<vmem>>, vector<16xf32>,
    %get3A_1716 = vector.shape_cast %get3A_1715 : vector<16xf32> to vector<16xf32>
    %get3A_1717 = arith.constant 432 : index
    %get3A_1718 = tpu.vector_load %arg17[%get3A_1717] {strides = array<i32>} : memref<512xf32, #tpu.memory_space<vmem>>, vector<16xf32>,
    %get3A_1719 = vector.shape_cast %get3A_1718 : vector<16xf32> to vector<16xf32>
    %select_n3A_1720 = arith.select %lt3A_1713, %get3A_1716, %get3A_1719 : vector<16xi1>, vector<16xf32>
    %add3A_1721 = arith.addf %select_n3A_1707, %select_n3A_1720 : vector<16xf32>
    %add3A_1722 = arith.addf %add3A_1721, %get3A_832 : vector<16xf32>
    %swap3A_1723 = arith.constant 432 : index
    %swap3A_1724 = tpu.vector_load %arg19[%swap3A_1723] {strides = array<i32>} : memref<512xf32, #tpu.memory_space<vmem>>, vector<16xf32>,
    %swap3A_1725 = vector.shape_cast %swap3A_1724 : vector<16xf32> to vector<16xf32>
    %swap3A_1726 = vector.shape_cast %add3A_1722 : vector<16xf32> to vector<16xf32>
    tpu.vector_store %arg19[%swap3A_1723], %swap3A_1726 {strides = array<i32>} : memref<512xf32, #tpu.memory_space<vmem>>, vector<16xf32>,
    %get3A_1727 = arith.constant 448 : index
    %get3A_1728 = tpu.vector_load %arg10[%get3A_1727] {strides = array<i32>} : memref<512xi32, #tpu.memory_space<vmem>>, vector<16xi32>,
    %get3A_1729 = vector.shape_cast %get3A_1728 : vector<16xi32> to vector<16xi32>
    %lt3A_1730 = arith.constant 524288 : i32
    %lt3A_1731 = vector.broadcast %lt3A_1730 : i32 to vector<16xi32>
    %lt3A_1732 = arith.cmpi slt, %get3A_1729, %lt3A_1731 : vector<16xi32>
    %get3A_1733 = arith.constant 448 : index
    %get3A_1734 = tpu.vector_load %arg14[%get3A_1733] {strides = array<i32>} : memref<512xf32, #tpu.memory_space<vmem>>, vector<16xf32>,
    %get3A_1735 = vector.shape_cast %get3A_1734 : vector<16xf32> to vector<16xf32>
    %get3A_1736 = arith.constant 448 : index
    %get3A_1737 = tpu.vector_load %arg15[%get3A_1736] {strides = array<i32>} : memref<512xf32, #tpu.memory_space<vmem>>, vector<16xf32>,
    %get3A_1738 = vector.shape_cast %get3A_1737 : vector<16xf32> to vector<16xf32>
    %select_n3A_1739 = arith.select %lt3A_1732, %get3A_1735, %get3A_1738 : vector<16xi1>, vector<16xf32>
    %get3A_1740 = arith.constant 448 : index
    %get3A_1741 = tpu.vector_load %arg11[%get3A_1740] {strides = array<i32>} : memref<512xi32, #tpu.memory_space<vmem>>, vector<16xi32>,
    %get3A_1742 = vector.shape_cast %get3A_1741 : vector<16xi32> to vector<16xi32>
    %lt3A_1743 = arith.constant 524288 : i32
    %lt3A_1744 = vector.broadcast %lt3A_1743 : i32 to vector<16xi32>
    %lt3A_1745 = arith.cmpi slt, %get3A_1742, %lt3A_1744 : vector<16xi32>
    %get3A_1746 = arith.constant 448 : index
    %get3A_1747 = tpu.vector_load %arg16[%get3A_1746] {strides = array<i32>} : memref<512xf32, #tpu.memory_space<vmem>>, vector<16xf32>,
    %get3A_1748 = vector.shape_cast %get3A_1747 : vector<16xf32> to vector<16xf32>
    %get3A_1749 = arith.constant 448 : index
    %get3A_1750 = tpu.vector_load %arg17[%get3A_1749] {strides = array<i32>} : memref<512xf32, #tpu.memory_space<vmem>>, vector<16xf32>,
    %get3A_1751 = vector.shape_cast %get3A_1750 : vector<16xf32> to vector<16xf32>
    %select_n3A_1752 = arith.select %lt3A_1745, %get3A_1748, %get3A_1751 : vector<16xi1>, vector<16xf32>
    %add3A_1753 = arith.addf %select_n3A_1739, %select_n3A_1752 : vector<16xf32>
    %add3A_1754 = arith.addf %add3A_1753, %get3A_832 : vector<16xf32>
    %swap3A_1755 = arith.constant 448 : index
    %swap3A_1756 = tpu.vector_load %arg19[%swap3A_1755] {strides = array<i32>} : memref<512xf32, #tpu.memory_space<vmem>>, vector<16xf32>,
    %swap3A_1757 = vector.shape_cast %swap3A_1756 : vector<16xf32> to vector<16xf32>
    %swap3A_1758 = vector.shape_cast %add3A_1754 : vector<16xf32> to vector<16xf32>
    tpu.vector_store %arg19[%swap3A_1755], %swap3A_1758 {strides = array<i32>} : memref<512xf32, #tpu.memory_space<vmem>>, vector<16xf32>,
    %get3A_1759 = arith.constant 464 : index
    %get3A_1760 = tpu.vector_load %arg10[%get3A_1759] {strides = array<i32>} : memref<512xi32, #tpu.memory_space<vmem>>, vector<16xi32>,
    %get3A_1761 = vector.shape_cast %get3A_1760 : vector<16xi32> to vector<16xi32>
    %lt3A_1762 = arith.constant 524288 : i32
    %lt3A_1763 = vector.broadcast %lt3A_1762 : i32 to vector<16xi32>
    %lt3A_1764 = arith.cmpi slt, %get3A_1761, %lt3A_1763 : vector<16xi32>
    %get3A_1765 = arith.constant 464 : index
    %get3A_1766 = tpu.vector_load %arg14[%get3A_1765] {strides = array<i32>} : memref<512xf32, #tpu.memory_space<vmem>>, vector<16xf32>,
    %get3A_1767 = vector.shape_cast %get3A_1766 : vector<16xf32> to vector<16xf32>
    %get3A_1768 = arith.constant 464 : index
    %get3A_1769 = tpu.vector_load %arg15[%get3A_1768] {strides = array<i32>} : memref<512xf32, #tpu.memory_space<vmem>>, vector<16xf32>,
    %get3A_1770 = vector.shape_cast %get3A_1769 : vector<16xf32> to vector<16xf32>
    %select_n3A_1771 = arith.select %lt3A_1764, %get3A_1767, %get3A_1770 : vector<16xi1>, vector<16xf32>
    %get3A_1772 = arith.constant 464 : index
    %get3A_1773 = tpu.vector_load %arg11[%get3A_1772] {strides = array<i32>} : memref<512xi32, #tpu.memory_space<vmem>>, vector<16xi32>,
    %get3A_1774 = vector.shape_cast %get3A_1773 : vector<16xi32> to vector<16xi32>
    %lt3A_1775 = arith.constant 524288 : i32
    %lt3A_1776 = vector.broadcast %lt3A_1775 : i32 to vector<16xi32>
    %lt3A_1777 = arith.cmpi slt, %get3A_1774, %lt3A_1776 : vector<16xi32>
    %get3A_1778 = arith.constant 464 : index
    %get3A_1779 = tpu.vector_load %arg16[%get3A_1778] {strides = array<i32>} : memref<512xf32, #tpu.memory_space<vmem>>, vector<16xf32>,
    %get3A_1780 = vector.shape_cast %get3A_1779 : vector<16xf32> to vector<16xf32>
    %get3A_1781 = arith.constant 464 : index
    %get3A_1782 = tpu.vector_load %arg17[%get3A_1781] {strides = array<i32>} : memref<512xf32, #tpu.memory_space<vmem>>, vector<16xf32>,
    %get3A_1783 = vector.shape_cast %get3A_1782 : vector<16xf32> to vector<16xf32>
    %select_n3A_1784 = arith.select %lt3A_1777, %get3A_1780, %get3A_1783 : vector<16xi1>, vector<16xf32>
    %add3A_1785 = arith.addf %select_n3A_1771, %select_n3A_1784 : vector<16xf32>
    %add3A_1786 = arith.addf %add3A_1785, %get3A_832 : vector<16xf32>
    %swap3A_1787 = arith.constant 464 : index
    %swap3A_1788 = tpu.vector_load %arg19[%swap3A_1787] {strides = array<i32>} : memref<512xf32, #tpu.memory_space<vmem>>, vector<16xf32>,
    %swap3A_1789 = vector.shape_cast %swap3A_1788 : vector<16xf32> to vector<16xf32>
    %swap3A_1790 = vector.shape_cast %add3A_1786 : vector<16xf32> to vector<16xf32>
    tpu.vector_store %arg19[%swap3A_1787], %swap3A_1790 {strides = array<i32>} : memref<512xf32, #tpu.memory_space<vmem>>, vector<16xf32>,
    %get3A_1791 = arith.constant 480 : index
    %get3A_1792 = tpu.vector_load %arg10[%get3A_1791] {strides = array<i32>} : memref<512xi32, #tpu.memory_space<vmem>>, vector<16xi32>,
    %get3A_1793 = vector.shape_cast %get3A_1792 : vector<16xi32> to vector<16xi32>
    %lt3A_1794 = arith.constant 524288 : i32
    %lt3A_1795 = vector.broadcast %lt3A_1794 : i32 to vector<16xi32>
    %lt3A_1796 = arith.cmpi slt, %get3A_1793, %lt3A_1795 : vector<16xi32>
    %get3A_1797 = arith.constant 480 : index
    %get3A_1798 = tpu.vector_load %arg14[%get3A_1797] {strides = array<i32>} : memref<512xf32, #tpu.memory_space<vmem>>, vector<16xf32>,
    %get3A_1799 = vector.shape_cast %get3A_1798 : vector<16xf32> to vector<16xf32>
    %get3A_1800 = arith.constant 480 : index
    %get3A_1801 = tpu.vector_load %arg15[%get3A_1800] {strides = array<i32>} : memref<512xf32, #tpu.memory_space<vmem>>, vector<16xf32>,
    %get3A_1802 = vector.shape_cast %get3A_1801 : vector<16xf32> to vector<16xf32>
    %select_n3A_1803 = arith.select %lt3A_1796, %get3A_1799, %get3A_1802 : vector<16xi1>, vector<16xf32>
    %get3A_1804 = arith.constant 480 : index
    %get3A_1805 = tpu.vector_load %arg11[%get3A_1804] {strides = array<i32>} : memref<512xi32, #tpu.memory_space<vmem>>, vector<16xi32>,
    %get3A_1806 = vector.shape_cast %get3A_1805 : vector<16xi32> to vector<16xi32>
    %lt3A_1807 = arith.constant 524288 : i32
    %lt3A_1808 = vector.broadcast %lt3A_1807 : i32 to vector<16xi32>
    %lt3A_1809 = arith.cmpi slt, %get3A_1806, %lt3A_1808 : vector<16xi32>
    %get3A_1810 = arith.constant 480 : index
    %get3A_1811 = tpu.vector_load %arg16[%get3A_1810] {strides = array<i32>} : memref<512xf32, #tpu.memory_space<vmem>>, vector<16xf32>,
    %get3A_1812 = vector.shape_cast %get3A_1811 : vector<16xf32> to vector<16xf32>
    %get3A_1813 = arith.constant 480 : index
    %get3A_1814 = tpu.vector_load %arg17[%get3A_1813] {strides = array<i32>} : memref<512xf32, #tpu.memory_space<vmem>>, vector<16xf32>,
    %get3A_1815 = vector.shape_cast %get3A_1814 : vector<16xf32> to vector<16xf32>
    %select_n3A_1816 = arith.select %lt3A_1809, %get3A_1812, %get3A_1815 : vector<16xi1>, vector<16xf32>
    %add3A_1817 = arith.addf %select_n3A_1803, %select_n3A_1816 : vector<16xf32>
    %add3A_1818 = arith.addf %add3A_1817, %get3A_832 : vector<16xf32>
    %swap3A_1819 = arith.constant 480 : index
    %swap3A_1820 = tpu.vector_load %arg19[%swap3A_1819] {strides = array<i32>} : memref<512xf32, #tpu.memory_space<vmem>>, vector<16xf32>,
    %swap3A_1821 = vector.shape_cast %swap3A_1820 : vector<16xf32> to vector<16xf32>
    %swap3A_1822 = vector.shape_cast %add3A_1818 : vector<16xf32> to vector<16xf32>
    tpu.vector_store %arg19[%swap3A_1819], %swap3A_1822 {strides = array<i32>} : memref<512xf32, #tpu.memory_space<vmem>>, vector<16xf32>,
    %get3A_1823 = arith.constant 496 : index
    %get3A_1824 = tpu.vector_load %arg10[%get3A_1823] {strides = array<i32>} : memref<512xi32, #tpu.memory_space<vmem>>, vector<16xi32>,
    %get3A_1825 = vector.shape_cast %get3A_1824 : vector<16xi32> to vector<16xi32>
    %lt3A_1826 = arith.constant 524288 : i32
    %lt3A_1827 = vector.broadcast %lt3A_1826 : i32 to vector<16xi32>
    %lt3A_1828 = arith.cmpi slt, %get3A_1825, %lt3A_1827 : vector<16xi32>
    %get3A_1829 = arith.constant 496 : index
    %get3A_1830 = tpu.vector_load %arg14[%get3A_1829] {strides = array<i32>} : memref<512xf32, #tpu.memory_space<vmem>>, vector<16xf32>,
    %get3A_1831 = vector.shape_cast %get3A_1830 : vector<16xf32> to vector<16xf32>
    %get3A_1832 = arith.constant 496 : index
    %get3A_1833 = tpu.vector_load %arg15[%get3A_1832] {strides = array<i32>} : memref<512xf32, #tpu.memory_space<vmem>>, vector<16xf32>,
    %get3A_1834 = vector.shape_cast %get3A_1833 : vector<16xf32> to vector<16xf32>
    %select_n3A_1835 = arith.select %lt3A_1828, %get3A_1831, %get3A_1834 : vector<16xi1>, vector<16xf32>
    %get3A_1836 = arith.constant 496 : index
    %get3A_1837 = tpu.vector_load %arg11[%get3A_1836] {strides = array<i32>} : memref<512xi32, #tpu.memory_space<vmem>>, vector<16xi32>,
    %get3A_1838 = vector.shape_cast %get3A_1837 : vector<16xi32> to vector<16xi32>
    %lt3A_1839 = arith.constant 524288 : i32
    %lt3A_1840 = vector.broadcast %lt3A_1839 : i32 to vector<16xi32>
    %lt3A_1841 = arith.cmpi slt, %get3A_1838, %lt3A_1840 : vector<16xi32>
    %get3A_1842 = arith.constant 496 : index
    %get3A_1843 = tpu.vector_load %arg16[%get3A_1842] {strides = array<i32>} : memref<512xf32, #tpu.memory_space<vmem>>, vector<16xf32>,
    %get3A_1844 = vector.shape_cast %get3A_1843 : vector<16xf32> to vector<16xf32>
    %get3A_1845 = arith.constant 496 : index
    %get3A_1846 = tpu.vector_load %arg17[%get3A_1845] {strides = array<i32>} : memref<512xf32, #tpu.memory_space<vmem>>, vector<16xf32>,
    %get3A_1847 = vector.shape_cast %get3A_1846 : vector<16xf32> to vector<16xf32>
    %select_n3A_1848 = arith.select %lt3A_1841, %get3A_1844, %get3A_1847 : vector<16xi1>, vector<16xf32>
    %add3A_1849 = arith.addf %select_n3A_1835, %select_n3A_1848 : vector<16xf32>
    %add3A_1850 = arith.addf %add3A_1849, %get3A_832 : vector<16xf32>
    %swap3A_1851 = arith.constant 496 : index
    %swap3A_1852 = tpu.vector_load %arg19[%swap3A_1851] {strides = array<i32>} : memref<512xf32, #tpu.memory_space<vmem>>, vector<16xf32>,
    %swap3A_1853 = vector.shape_cast %swap3A_1852 : vector<16xf32> to vector<16xf32>
    %swap3A_1854 = vector.shape_cast %add3A_1850 : vector<16xf32> to vector<16xf32>
    tpu.vector_store %arg19[%swap3A_1851], %swap3A_1854 {strides = array<i32>} : memref<512xf32, #tpu.memory_space<vmem>>, vector<16xf32>,
    "tpu.region"() ({
      %run_scoped3A = tpu.sem_alloc : memref<!tpu.dma_semaphore, #tpu.memory_space<semaphore_mem>>
      %dma_start3A_1855 = tpu.memref_slice %arg9[%multiple_of3A] : memref<16384xf32, #tpu.memory_space<hbm>> -> memref<512xf32, #tpu.memory_space<hbm>>
      %dma_start3A_1856 = tpu.memref_slice %arg9[%multiple_of3A] : memref<16384xf32, #tpu.memory_space<hbm>> -> memref<512xf32, #tpu.memory_space<hbm>>
      tpu.enqueue_dma source(%arg19 : memref<512xf32, #tpu.memory_space<vmem>>) target(%dma_start3A_1856 : memref<512xf32, #tpu.memory_space<hbm>>) target_semaphore(%run_scoped3A : memref<!tpu.dma_semaphore, #tpu.memory_space<semaphore_mem>>)
      %dma_wait3A_1857 = tpu.memref_slice %arg9[%multiple_of3A] : memref<16384xf32, #tpu.memory_space<hbm>> -> memref<512xf32, #tpu.memory_space<hbm>>
      %dma_wait3A_1858 = tpu.memref_slice %arg9[%multiple_of3A] : memref<16384xf32, #tpu.memory_space<hbm>> -> memref<512xf32, #tpu.memory_space<hbm>>
      tpu.wait_dma2 semaphore(%run_scoped3A : memref<!tpu.dma_semaphore, #tpu.memory_space<semaphore_mem>>) src(%arg19 : memref<512xf32, #tpu.memory_space<vmem>>) dst(%dma_wait3A_1858 : memref<512xf32, #tpu.memory_space<hbm>>)
      tpu.yield
    }) : () -> ()
    return
  }
}

module attributes {stable_mosaic.version = 14 : i64} {
  func.func @_matvec_body(%arg0: i32, %arg1: memref<32x32768xf32, #tpu.memory_space<vmem>>, %arg2: memref<32x32768xf32, #tpu.memory_space<vmem>>, %arg3: memref<32x32768xf32, #tpu.memory_space<vmem>>, %arg4: memref<32x32768xf32, #tpu.memory_space<vmem>>, %arg5: memref<8x32xf32, #tpu.memory_space<vmem>>, %arg6: memref<8x32xf32, #tpu.memory_space<vmem>>, %arg7: memref<32768xf32, #tpu.memory_space<vmem>>, %arg8: memref<32768xf32, #tpu.memory_space<vmem>>, %arg9: memref<32768xf32, #tpu.memory_space<vmem>>, %arg10: memref<32768xf32, #tpu.memory_space<vmem>>) attributes {dimension_semantics = [#tpu.dimension_semantics<arbitrary>], iteration_bounds = array<i64: 16>, scalar_prefetch = 0 : i64, scratch_operands = 0 : i64, tpu.core_type = #tpu.core_type<tc>, window_params = [{transform_indices = @transform_0, window_bounds = array<i64: 32, 32768>}, {transform_indices = @transform_1, window_bounds = array<i64: 32, 32768>}, {transform_indices = @transform_2, window_bounds = array<i64: 32, 32768>}, {transform_indices = @transform_3, window_bounds = array<i64: 32, 32768>}, {pipeline_mode = #tpu.pipeline_mode<synchronous>, transform_indices = @transform_4, window_bounds = array<i64: 8, 32>}, {pipeline_mode = #tpu.pipeline_mode<synchronous>, transform_indices = @transform_5, window_bounds = array<i64: 8, 32>}, {transform_indices = @transform_6, window_bounds = array<i64: 32768>}, {transform_indices = @transform_7, window_bounds = array<i64: 32768>}, {transform_indices = @transform_8, window_bounds = array<i64: 32768>}, {transform_indices = @transform_9, window_bounds = array<i64: 32768>}]} {
    %get3A = arith.constant 0 : index
    %get3A_0 = arith.constant 0 : index
    %get3A_1 = vector.load %arg5[%get3A, %get3A_0] : memref<8x32xf32, #tpu.memory_space<vmem>>, vector<8x32xf32>
    %get3A_2 = arith.constant 0 : index
    %get3A_3 = arith.constant 0 : index
    %get3A_4 = vector.load %arg1[%get3A_2, %get3A_3] : memref<32x32768xf32, #tpu.memory_space<vmem>>, vector<32x32768xf32>
    %dot_general3A = arith.constant dense<0.000000e+00> : vector<8x32768xf32>
    %dot_general3A_5 = tpu.matmul %get3A_1, %get3A_4, %dot_general3A {dimension_numbers = #tpu.dot_dimension_numbers<[1], [0], [0], [1], [0, 0, 1, 1], [], []>, transpose_lhs_hint = false} : vector<8x32xf32>, vector<32x32768xf32>, vector<8x32768xf32> -> vector<8x32768xf32>
    %slice3A = vector.extract_strided_slice %dot_general3A_5 {offsets = [0, 0], sizes = [1, 32768], strides = [1, 1]} : vector<8x32768xf32> to vector<1x32768xf32>
    %squeeze3A = vector.shape_cast %slice3A : vector<1x32768xf32> to vector<32768xf32>
    %swap3A = arith.constant 0 : index
    %swap3A_6 = vector.load %arg7[%swap3A] : memref<32768xf32, #tpu.memory_space<vmem>>, vector<32768xf32>
    tpu.vector_store %arg7[%swap3A], %squeeze3A {strides = array<i32>} : memref<32768xf32, #tpu.memory_space<vmem>>, vector<32768xf32>,
    %get3A_7 = arith.constant 0 : index
    %get3A_8 = arith.constant 0 : index
    %get3A_9 = vector.load %arg5[%get3A_7, %get3A_8] : memref<8x32xf32, #tpu.memory_space<vmem>>, vector<8x32xf32>
    %get3A_10 = arith.constant 0 : index
    %get3A_11 = arith.constant 0 : index
    %get3A_12 = vector.load %arg2[%get3A_10, %get3A_11] : memref<32x32768xf32, #tpu.memory_space<vmem>>, vector<32x32768xf32>
    %dot_general3A_13 = arith.constant dense<0.000000e+00> : vector<8x32768xf32>
    %dot_general3A_14 = tpu.matmul %get3A_9, %get3A_12, %dot_general3A_13 {dimension_numbers = #tpu.dot_dimension_numbers<[1], [0], [0], [1], [0, 0, 1, 1], [], []>, transpose_lhs_hint = false} : vector<8x32xf32>, vector<32x32768xf32>, vector<8x32768xf32> -> vector<8x32768xf32>
    %slice3A_15 = vector.extract_strided_slice %dot_general3A_14 {offsets = [0, 0], sizes = [1, 32768], strides = [1, 1]} : vector<8x32768xf32> to vector<1x32768xf32>
    %squeeze3A_16 = vector.shape_cast %slice3A_15 : vector<1x32768xf32> to vector<32768xf32>
    %swap3A_17 = arith.constant 0 : index
    %swap3A_18 = vector.load %arg8[%swap3A_17] : memref<32768xf32, #tpu.memory_space<vmem>>, vector<32768xf32>
    tpu.vector_store %arg8[%swap3A_17], %squeeze3A_16 {strides = array<i32>} : memref<32768xf32, #tpu.memory_space<vmem>>, vector<32768xf32>,
    %get3A_19 = arith.constant 0 : index
    %get3A_20 = arith.constant 0 : index
    %get3A_21 = vector.load %arg6[%get3A_19, %get3A_20] : memref<8x32xf32, #tpu.memory_space<vmem>>, vector<8x32xf32>
    %get3A_22 = arith.constant 0 : index
    %get3A_23 = arith.constant 0 : index
    %get3A_24 = vector.load %arg3[%get3A_22, %get3A_23] : memref<32x32768xf32, #tpu.memory_space<vmem>>, vector<32x32768xf32>
    %dot_general3A_25 = arith.constant dense<0.000000e+00> : vector<8x32768xf32>
    %dot_general3A_26 = tpu.matmul %get3A_21, %get3A_24, %dot_general3A_25 {dimension_numbers = #tpu.dot_dimension_numbers<[1], [0], [0], [1], [0, 0, 1, 1], [], []>, transpose_lhs_hint = false} : vector<8x32xf32>, vector<32x32768xf32>, vector<8x32768xf32> -> vector<8x32768xf32>
    %slice3A_27 = vector.extract_strided_slice %dot_general3A_26 {offsets = [0, 0], sizes = [1, 32768], strides = [1, 1]} : vector<8x32768xf32> to vector<1x32768xf32>
    %squeeze3A_28 = vector.shape_cast %slice3A_27 : vector<1x32768xf32> to vector<32768xf32>
    %swap3A_29 = arith.constant 0 : index
    %swap3A_30 = vector.load %arg9[%swap3A_29] : memref<32768xf32, #tpu.memory_space<vmem>>, vector<32768xf32>
    tpu.vector_store %arg9[%swap3A_29], %squeeze3A_28 {strides = array<i32>} : memref<32768xf32, #tpu.memory_space<vmem>>, vector<32768xf32>,
    %get3A_31 = arith.constant 0 : index
    %get3A_32 = arith.constant 0 : index
    %get3A_33 = vector.load %arg6[%get3A_31, %get3A_32] : memref<8x32xf32, #tpu.memory_space<vmem>>, vector<8x32xf32>
    %get3A_34 = arith.constant 0 : index
    %get3A_35 = arith.constant 0 : index
    %get3A_36 = vector.load %arg4[%get3A_34, %get3A_35] : memref<32x32768xf32, #tpu.memory_space<vmem>>, vector<32x32768xf32>
    %dot_general3A_37 = arith.constant dense<0.000000e+00> : vector<8x32768xf32>
    %dot_general3A_38 = tpu.matmul %get3A_33, %get3A_36, %dot_general3A_37 {dimension_numbers = #tpu.dot_dimension_numbers<[1], [0], [0], [1], [0, 0, 1, 1], [], []>, transpose_lhs_hint = false} : vector<8x32xf32>, vector<32x32768xf32>, vector<8x32768xf32> -> vector<8x32768xf32>
    %slice3A_39 = vector.extract_strided_slice %dot_general3A_38 {offsets = [0, 0], sizes = [1, 32768], strides = [1, 1]} : vector<8x32768xf32> to vector<1x32768xf32>
    %squeeze3A_40 = vector.shape_cast %slice3A_39 : vector<1x32768xf32> to vector<32768xf32>
    %swap3A_41 = arith.constant 0 : index
    %swap3A_42 = vector.load %arg10[%swap3A_41] : memref<32768xf32, #tpu.memory_space<vmem>>, vector<32768xf32>
    tpu.vector_store %arg10[%swap3A_41], %squeeze3A_40 {strides = array<i32>} : memref<32768xf32, #tpu.memory_space<vmem>>, vector<32768xf32>,
    return
  }
  func.func @transform_0(%arg0: i32) -> (i32, i32) {
    %c0_i32 = arith.constant 0 : i32
    %c0_i32_0 = arith.constant 0 : i32
    return %c0_i32, %arg0 : i32, i32
  }
  func.func @transform_1(%arg0: i32) -> (i32, i32) {
    %add3A = arith.constant 16 : i32
    %add3A_0 = arith.addi %arg0, %add3A : i32
    %min3A = arith.constant 30 : i32
    %min3A_1 = arith.minsi %add3A_0, %min3A : i32
    %c0_i32 = arith.constant 0 : i32
    %c0_i32_2 = arith.constant 0 : i32
    return %c0_i32, %min3A_1 : i32, i32
  }
  func.func @transform_2(%arg0: i32) -> (i32, i32) {
    %c0_i32 = arith.constant 0 : i32
    %c0_i32_0 = arith.constant 0 : i32
    return %c0_i32, %arg0 : i32, i32
  }
  func.func @transform_3(%arg0: i32) -> (i32, i32) {
    %add3A = arith.constant 16 : i32
    %add3A_0 = arith.addi %arg0, %add3A : i32
    %min3A = arith.constant 30 : i32
    %min3A_1 = arith.minsi %add3A_0, %min3A : i32
    %c0_i32 = arith.constant 0 : i32
    %c0_i32_2 = arith.constant 0 : i32
    return %c0_i32, %min3A_1 : i32, i32
  }
  func.func @transform_4(%arg0: i32) -> (i32, i32) {
    %c0_i32 = arith.constant 0 : i32
    %c0_i32_0 = arith.constant 0 : i32
    %c0_i32_1 = arith.constant 0 : i32
    return %c0_i32, %c0_i32_0 : i32, i32
  }
  func.func @transform_5(%arg0: i32) -> (i32, i32) {
    %c0_i32 = arith.constant 0 : i32
    %c0_i32_0 = arith.constant 0 : i32
    %c0_i32_1 = arith.constant 0 : i32
    return %c0_i32, %c0_i32_0 : i32, i32
  }
  func.func @transform_6(%arg0: i32) -> i32 {
    %c0_i32 = arith.constant 0 : i32
    return %arg0 : i32
  }
  func.func @transform_7(%arg0: i32) -> i32 {
    %c0_i32 = arith.constant 0 : i32
    return %arg0 : i32
  }
  func.func @transform_8(%arg0: i32) -> i32 {
    %c0_i32 = arith.constant 0 : i32
    return %arg0 : i32
  }
  func.func @transform_9(%arg0: i32) -> i32 {
    %c0_i32 = arith.constant 0 : i32
    return %arg0 : i32
  }
}

</mosaic_0001>

<sc_bundles>
// kernel: kernel.4.cloned.1.call-start
scs
__scs_entry_jumppad:
0x0: {  	(pc) =	sbr.rel $0x88, $3  }
0x1: {  	(tag) =	ssettag $0x0;
	lr =	simm.s32 $0x1  }
0x2: {  	[smem:$0x3F9B] =	sst lr;
	_ =	strace $0xD0000000  }
0x3: {  	_ = 	snop  }
0x4: {  	_ = 	snop  }
0x5: {  	_ = 	snop  }
0x6: {  	_ = 	snop  }
0x7: {  	_ = 	snop  }
__scs_overlays_trampoline_lowered:
0x8: {  	[smem:$0x3FAA] =	sst s0  }
0x9: {  	[smem:$0x3FAB] =	sst s1  }
0xa: {  	[smem:$0x3FAC] =	sst s2  }
0xb: {  	[smem:$0x3FAD] =	sst s3  }
0xc: {  	[smem:$0x3FAE] =	sst s4  }
0xd: {  	[smem:$0x3FAF] =	sst s5  }
0xe: {  	[smem:$0x3FB0] =	sst s6  }
0xf: {  	[smem:$0x3FB1] =	sst s7  }
0x10: {  	[smem:$0x3FB2] =	sst s8  }
0x11: {  	[smem:$0x3FB3] =	sst s9;
	s0 =	simm.s32 @!p0 $0x0  }
0x12: {  	s1 =	sld [smem:$0x3F99];
	s0 =	simm.s32 @p0 $0x1  }
0x13: {  	[smem:$0x3FB4] =	sst s0;
	s0 =	simm.s32 @!p1 $0x0  }
0x14: {  	s2 =	sld [smem:$0x3F98];
	s0 =	simm.s32 @p1 $0x1  }
0x15: {  	[smem:$0x3FB5] =	sst s0;
	s0 =	simm.s32 @!p2 $0x0  }
0x16: {  	s3 =	sld [smem:$0x3FDB];
	s0 =	simm.s32 @p2 $0x1  }
0x17: {  	s4 =	simm.s32 $0x1BF5;
	[smem:$0x3FB7] =	sst s0  }
0x18: {  	s0 =	sld [smem:$0x3F9A];
	_ =	swait.ge [sflag:s4], $0x0  }
0x19: {  	s7 =	sld [smem:$0x3F9B]  }
0x1a: {  	s8 =	sadd.s32 $0xFFFFE003, lr  }
0x1b: {  	s9 =	sadd.s32 $0xFFFFFEF7, lr;
	s5 =	simm.s32 $0xFFFFFFFF;
	p2 =	slt.u32 s8, $0xFFFFF086  }
0x1c: {  	p1 =	slt.u32 s9, $0xF7A;
	s5 =	simm.s32 @!p2 $0x0  }
0x1d: {  	s5 =	simm.s32 @p1 $0x1;
	p0 =	seq.s32 s7, s2  }
0x1e: {  	s7 =	smul.u32 @!p0 $0xF7A, s2;
	p2 =	seq.s32 @!p0 s5, $0x0  }
0x1f: {  	s9 =	smul.u32 $0xF7A, s1;
	s8 =	simm.s32 @!p0 $0x1BF5;
	p2 =	por !p2, p0  }
0x20: {  	[sflag:s8] =	ssyncset.s32 @!p0 $0xFFFFF086;
	s6 =	sadd.s32 @!p0 s3, s7;
	s7 =	simm.s32 @!p0 $0x108  }
0x21: {  	s3 =	sadd.s32 s3, s9;
	s6 =	sadd.s32 @!p0 $0x88, s6;
	s7 =	simm.s32 @p2 $0x1082  }
0x22: {  	[simem:s7], [sflag:s8] =	dma.local @!p0 [hbm:s6], $0xF7A  }
0x23: {  	s9 =	sor.u32 $0xD0000000, s2;
	s6 =	simm.s32 $0x108;
	_ =	swait.ge @!p0 [sflag:s8], $0x0  }
0x24: {  	s3 =	sadd.s32 $0x88, s3;
	s6 =	simm.s32 @!p1 $0x1082;
	[sflag:s4] =	ssyncset.s32 $0xFFFFF086  }
0x25: {  	[simem:s6], [sflag:s4] =	dma.local [hbm:s3], $0xF7A  }
0x26: {  	[smem:$0x3F9B] =	sst s1;
	(tag) =	ssettag s2;
	_ =	strace s9  }
0x27: {  	s1 =	sld [smem:$0x3FAB]  }
0x28: {  	s2 =	sld [smem:$0x3FAC]  }
0x29: {  	s4 =	sld [smem:$0x3FAE]  }
0x2a: {  	p0 =	seq.s32 s5, $0x0;
	s5 =	sld [smem:$0x3FAF]  }
0x2b: {  	s6 =	sld [smem:$0x3FB0]  }
0x2c: {  	s7 =	sld [smem:$0x3FB1]  }
0x2d: {  	s3 =	simm.s32 $0x108;
	s8 =	sld [smem:$0x3FB2]  }
0x2e: {  	s3 =	simm.s32 @!p0 $0x1082;
	s9 =	sld [smem:$0x3FB3]  }
0x2f: {  	lr =	sadd.s32 s0, s3;
	s0 =	sld [smem:$0x3FAA]  }
0x30: {  	s3 =	sld [smem:$0x3FAD]  }
0x31: {  	[smem:$0x3FB6] =	sst s10  }
0x32: {  	s10 =	sld [smem:$0x3FB4];
	_ =	sdelay $0x3  }
0x33: {  	p0 =	seq.s32 s10, $0x1;
	s10 =	sld [smem:$0x3FB6];
	_ =	sdelay $0x3  }
0x34: {  	[smem:$0x3FB6] =	sst s10  }
0x35: {  	s10 =	sld [smem:$0x3FB5];
	_ =	sdelay $0x3  }
0x36: {  	p1 =	seq.s32 s10, $0x1;
	s10 =	sld [smem:$0x3FB6];
	_ =	sdelay $0x3  }
0x37: {  	[smem:$0x3FB6] =	sst s10  }
0x38: {  	s10 =	sld [smem:$0x3FB7]  }
0x39: {  	_ = 	snop;
	(pc) =	sbr.ind lr, $3  }
0x3a: {  	_ = 	snop  }
0x3b: {  	_ = 	snop  }
0x3c: {  	p2 =	seq.s32 s10, $0x1;
	s10 =	sld [smem:$0x3FB6]  }
0x3d: {  	_ =	shalt  }
0x3e: {  	_ =	shalt  }
0x3f: {  	_ =	shalt  }
0x40: {  	_ =	shalt  }
0x41: {  	_ =	shalt  }
0x42: {  	_ =	shalt  }
0x43: {  	_ =	shalt  }
0x44: {  	_ =	shalt  }
0x45: {  	_ =	shalt  }
0x46: {  	_ =	shalt  }
0x47: {  	_ =	shalt  }
0x48: {  	_ =	shalt  }
0x49: {  	_ =	shalt  }
0x4a: {  	_ =	shalt  }
0x4b: {  	_ =	shalt  }
0x4c: {  	_ =	shalt  }
0x4d: {  	_ =	shalt  }
0x4e: {  	_ =	shalt  }
0x4f: {  	_ =	shalt  }
0x50: {  	_ =	shalt  }
0x51: {  	_ =	shalt  }
0x52: {  	_ =	shalt  }
0x53: {  	_ =	shalt  }
0x54: {  	_ =	shalt  }
0x55: {  	_ =	shalt  }
0x56: {  	_ =	shalt  }
0x57: {  	_ =	shalt  }
0x58: {  	_ =	shalt  }
0x59: {  	_ =	shalt  }
0x5a: {  	_ =	shalt  }
0x5b: {  	_ =	shalt  }
0x5c: {  	_ =	shalt  }
0x5d: {  	_ =	shalt  }
0x5e: {  	_ =	shalt  }
0x5f: {  	_ =	shalt  }
0x60: {  	_ =	shalt  }
0x61: {  	_ =	shalt  }
0x62: {  	_ =	shalt  }
0x63: {  	_ =	shalt  }
0x64: {  	_ =	shalt  }
0x65: {  	_ =	shalt  }
0x66: {  	_ =	shalt  }
0x67: {  	_ =	shalt  }
0x68: {  	_ =	shalt  }
0x69: {  	_ =	shalt  }
0x6a: {  	_ =	shalt  }
0x6b: {  	_ =	shalt  }
0x6c: {  	_ =	shalt  }
0x6d: {  	_ =	shalt  }
0x6e: {  	_ =	shalt  }
0x6f: {  	_ =	shalt  }
0x70: {  	_ =	shalt  }
0x71: {  	_ =	shalt  }
0x72: {  	_ =	shalt  }
0x73: {  	_ =	shalt  }
0x74: {  	_ =	shalt  }
0x75: {  	_ =	shalt  }
0x76: {  	_ =	shalt  }
0x77: {  	_ =	shalt  }
0x78: {  	_ =	shalt  }
0x79: {  	_ =	shalt  }
0x7a: {  	_ =	shalt  }
0x7b: {  	_ =	shalt  }
0x7c: {  	_ =	shalt  }
0x7d: {  	_ =	shalt  }
0x7e: {  	_ =	shalt  }
0x7f: {  	_ =	shalt  }
0x80: {  	_ =	shalt  }
0x81: {  	_ =	shalt  }
0x82: {  	_ =	shalt  }
0x83: {  	_ =	shalt  }
0x84: {  	_ =	shalt  }
0x85: {  	_ =	shalt  }
0x86: {  	_ =	shalt  }
0x87: {  	_ =	shalt  }
.Lfunc_end0:
.L_simem_size_0:
called_computation_lowered:
.L_overlay_start_0:
0x88: {  	s2 =	sld [smem:$0x3FD9]  }
0x89: {  	s3 =	sld [smem:$0x3FFE];
	_ =	sdelay $0x1  }
0x8a: {  	s1 =	srdreg.scid  }
0x8b: {  	s0 =	sand.u32 $0x1, s1  }
0x8c: {  	s17 =	sshll.u32 s0, $0xA;
	s2 =	sadd.s32 s3, s2  }
0x8d: {  	s2 =	sadd.s32 s2, s17  }
0x8e: {  	[smem:$0x3FC2] =	sst s2  }
0x8f: {  	_ = 	snop  }
0x90: {  	s2 =	sld [smem:$0x3FC9]  }
0x91: {  	s18 =	sld [smem:$0x3FC8]  }
0x92: {  	s4 =	sld [smem:$0x3FD0];
	(tm) =	ssettm $0x1  }
0x93: {  	s5 =	sld [smem:$0x3FFB];
	_ =	sdelay $0x3  }
0x94: {  	_ =	strace s5  }
0x95: {  	s5 =	sld [smem:$0x3FFC];
	_ =	sdelay $0x3  }
0x96: {  	_ =	strace s5  }
0x97: {  	s5 =	sld [smem:$0x3FFD];
	_ =	sdelay $0x3  }
0x98: {  	_ =	strace s5  }
0x99: {  	_ =	strace $0x8FFFFFFF  }
0x9a: {  	s19 =	sld [smem:$0x3FDB];
	_ =	sdelay $0x1  }
0x9b: {  	s6 =	simm.s32 $_scs_section_size  }
0x9c: {  	s7 =	simm.s32 $_size__tile_overlayer_lowered;
	s8 =	simm.s32 $_tile_overlayer_lowered  }
0x9d: {  	s22 =	simm.s32 $0x1BFF;
	s21 =	sshll.u32 s8, $0x1;
	s5 =	sadd.s32 s6, s19  }
0x9e: {  	s9 =	simm.s32 $0x0;
	s20 =	sshll.u32 s7, $0x1;
	s7 =	sadd.s32 s21, s5  }
0x9f: {  	[timem:s9], [sflag:s22] =	dma.local [hbm:s7], s20  }
0xa0: {  	_ =	swait.ge [sflag:s22], s20  }
0xa1: {  	s6 =	ssub.s32 $0x0, s20;
	[sflag:s22] =	ssyncset.done $0x0  }
0xa2: {  	[sflag:s22] =	ssyncadd.s32 s6;
	_ =	sdelay $0x1  }
0xa3: {  	s23 =	simm.s32 $0x1B8B  }
0xa4: {  	_ =	swait.ge [sflag:s23], $0x1  }
0xa5: {  	[sflag:s23] =	ssyncset.done $0x0  }
0xa6: {  	s25 =	simm.s32 $0x1B8E;
	s24 =	sld [smem:$0x3FFE];
	[sflag:s23] =	ssyncadd.s32 $0xFFFFFFFF  }
0xa7: {  	s26 =	simm.s32 $execute0_lowered;
	[smem:$0x3FD2] =	sst s25  }
0xa8: {  	s7 =	sshll.u32 s26, $0x1;
	_ =	strace $0x80000046;
	[dreg:$0x1] =	wrdreg $0xFFFFFFFF  }
0xa9: {  	s28 =	simm.s32 $_size_execute0_lowered;
	s5 =	sadd.s32 s5, s7;
	[dreg:$0x0] =	wrdreg $0x0  }
0xaa: {  	s7 =	sshll.u32 s28, $0x1;
	[dreg:$0x2] =	wrdreg s5  }
0xab: {  	[dreg:$0x3] =	wrdreg s7  }
0xac: {  	[dreg:$0x4] =	wrdreg $0xC0  }
0xad: {  	_ =	task [dreg:s9], $0x5FFFF  }
0xae: {  	[dreg:$0x1] =	wrdreg $0xFFFFFFFF  }
0xaf: {  	[dreg:$0x0] =	wrdreg $0x60  }
0xb0: {  	[dreg:$0x2] =	wrdreg s18  }
0xb1: {  	[dreg:$0x3] =	wrdreg s2  }
0xb2: {  	[dreg:$0x4] =	wrdreg s24  }
0xb3: {  	[dreg:$0x5] =	wrdreg s4  }
0xb4: {  	[dreg:$0x6] =	wrdreg $0x9  }
0xb5: {  	_ =	task.clear_ibuf [dreg:s9], $0x7FFFF;
	_ =	strace $0x90000046  }
0xb6: {  	s29 =	simm.s32 $0x9;
	_ =	strace $0x80000048  }
0xb7: {  	_ =	swait.ge [sflag:s29], $0x1  }
0xb8: {  	[sflag:s29] =	ssyncadd.s32 $0xFFFFFFFF  }
0xb9: {  	_ =	strace $0x90000048  }
0xba: {  	_ =	sfence  }
0xbb: {  	s30 =	sld [smem:$0x0];
	_ =	sdelay $0x2  }
0xbc: {  	s31 =	sshll.u32 s1, $0xD;
	s1 =	sshrl.u32 s1, $0x2  }
0xbd: {  	s3 =	sand.u32 $0x4000, s31;
	s1 =	sadd.s32 s1, s30  }
0xbe: {  	s0 =	sor.u32 s3, s0;
	s1 =	sshll.u32 s1, $0x11  }
0xbf: {  	s0 =	sor.u32 s1, s0  }
0xc0: {  	s0 =	sadd.s32 $0x8F2B, s0  }
0xc1: {  	[sflag:s0] =	ssyncadd.remote.s32 $0x1  }
0xc2: {  	_ =	sfence.sel $0xFFFF  }
0xc3: {  	[dreg:$0x0] =	wrdreg $0xFFFFFFFF;
	(pc) =	sbr.abs _section_cstart, $3  }
0xc4: {  	[dreg:$0x1] =	wrdreg $0xFFFFFFFF  }
0xc5: {  	_ =	task.clear_ibuf [dreg:s9], $0x2FFFF;
	_ =	strace $0x9FFFFFFF  }
0xc6: {  	(tm) =	ssettm $0x7FFFFFFF  }
0xc7: {  	_ =	shalt  }
tec
execute0_lowered:
.L_overlay_start_1:
0x0: {  	(tag) =	ssettag $0x1  }
0x1: {  	s0 =	rddreg [dreg:$0x0]  }
0x2: {  	s7 =	rddreg [dreg:$0x1]  }
0x3: {  	s6 =	rddreg [dreg:$0x2]  }
0x4: {  	s8 =	rddreg [dreg:$0x3]  }
0x5: {  	s1 =	simm.s32 $0x0;
	s4 =	srdreg.scid;
	s2 =	stileid.u32  }
0x6: {  	s21 =	simm.s32 $0x200;
	s22 =	simm.s32 $0x1000;
	s23 =	simm.s32 $0x800  }
0x7: {  	s24 =	simm.s32 $0xA00;
	s25 =	simm.s32 $0xC00;
	s26 =	simm.s32 $0xE00  }
0x8: {  	s14 =	simm.s32 $0xA80;
	s15 =	simm.s32 $0x680;
	s16 =	simm.s32 $0xC80  }
0x9: {  	s17 =	simm.s32 $0xE80;
	[smem:$0x7FF] =	sst s1;
	s12 =	sadd.s32 $0x41000, s6  }
0xa: {  	s28 =	simm.s32 $0x780;
	_ =	strace $0x80000047;
	[dreg:$0x5] =	wrdreg s12  }
0xb: {  	s29 =	simm.s32 $0xD80;
	s30 =	simm.s32 $0xF80;
	[dreg:$0x9] =	wrdreg s21  }
0xc: {  	s31 =	simm.s32 $0x1;
	s3 =	sadd.s32 $0x1000, s6;
	[dreg:$0xa] =	wrdreg s22  }
0xd: {  	s9 =	sand.u32 $0x1, s4;
	s4 =	sadd.s32 $0x11000, s6;
	[dreg:$0xb] =	wrdreg s23  }
0xe: {  	s10 =	sshll.u32 s2, $0x7;
	s5 =	sadd.s32 $0x21000, s6;
	[dreg:$0xc] =	wrdreg s24  }
0xf: {  	s6 =	sadd.s32 $0x31000, s6;
	s11 =	sshll.u32 s9, $0x6;
	[dreg:$0xd] =	wrdreg s25  }
0x10: {  	s9 =	ssub.s32 $0x2, s9;
	[dreg:$0xe] =	wrdreg s26;
	s12 =	simm.s32 $0x480  }
0x11: {  	s21 =	simm.s32 $0x700;
	s22 =	simm.s32 $0xD00;
	s23 =	simm.s32 $0xF00  }
0x12: {  	s24 =	simm.s32 $0x580;
	s25 =	simm.s32 $0x980;
	s26 =	simm.s32 $0xB80  }
0x13: {  	s10 =	sor.u32 s11, s10;
	s19 =	sshrl.u32 s9, $0x1;
	s11 =	simm.s32 $0x600  }
0x14: {  	s0 =	sadd.s32 s0, s10;
	s18 =	sadd.s32 s7, s10;
	s20 =	sadd.s32 s8, s10  }
0x15: {  	s7 =	ssub.s32 s9, s19;
	s8 =	simm.s32 $0x2;
	[dreg:$0x6] =	wrdreg s0  }
0x16: {  	s9 =	simm.s32 $0x80;
	s10 =	simm.s32 $0x400;
	[dreg:$0x7] =	wrdreg s18  }
0x17: {  	s19 =	simm.s32 $0x900;
	[dreg:$0x8] =	wrdreg s20;
	s7 =	smax.u32 s7, $0x1  }
0x18: {  	s18 =	simm.s32 $0x500;
	s20 =	simm.s32 $0xB00;
	s0 =	simm.s32 $0x1080  }
.LBB2_1:
0x19: {  	s2 =	rddreg [dreg:$0x6]  }
0x1a: {  	[tilespmem:s1], [sflag:$0x2] =	stream.linear.gather [hbm4b:s2+s1], $0x200, $0x38;
	[tilespmem:$0x1280] =	vst v63  }
0x1b: {  	_ =	swait.ge [sflag:s8], $0x200  }
0x1c: {  	s2 =	rddreg [dreg:$0x7];
	[sflag:s8] =	ssyncset.done $0x0  }
0x1d: {  	s13 =	rddreg [dreg:$0x9];
	[sflag:s8] =	ssyncadd.s32 $0xFFFFFE00  }
0x1e: {  	[tilespmem:s13], [sflag:$0x2] =	stream.linear.gather [hbm4b:s2+s1], $0x200, $0x38;
	[tilespmem:$0x1280] =	vst v63  }
0x1f: {  	_ =	swait.ge [sflag:s8], $0x200  }
0x20: {  	s2 =	rddreg [dreg:$0x5];
	[sflag:s8] =	ssyncset.done $0x0  }
0x21: {  	s13 =	rddreg [dreg:$0xa];
	[sflag:s8] =	ssyncadd.s32 $0xFFFFFE00  }
0x22: {  	[tilespmem:s13], [sflag:$0x2] =	stream.linear.gather [hbm4b:s2+s1], $0x80, $0x38;
	[tilespmem:$0x1280] =	vst v63  }
0x23: {  	_ =	swait.ge [sflag:s8], $0x80  }
0x24: {  	[sflag:s8] =	ssyncset.done $0x0  }
0x25: {  	[sflag:s8] =	ssyncadd.s32 $0xFFFFFF80  }
0x26: {  	v0 =	vld [tilespmem:$0x0]  }
0x27: {  	v1 =	vld [tilespmem:$0x200]  }
0x28: {  	v2 =	vld [tilespmem:$0x10]  }
0x29: {  	v3 =	vld [tilespmem:$0x210]  }
0x2a: {  	v4 =	vld [tilespmem:$0x20]  }
0x2b: {  	v5 =	vld [tilespmem:$0x220];
	v0 =	vand.u32 $0x7FFFF, v0  }
0x2c: {  	v31 =	vld [tilespmem:$0x30];
	v30 =	vand.u32 $0x7FFFF, v1;
	[tilespmem:$0x400] =	vst v0  }
0x2d: {  	v33 =	vld [tilespmem:$0x230];
	v32 =	vand.u32 $0x7FFFF, v2;
	[tilespmem:$0x600] =	vst v30  }
0x2e: {  	v35 =	vld [tilespmem:$0x40];
	v34 =	vand.u32 $0x7FFFF, v3;
	[tilespmem:$0x410] =	vst v32  }
0x2f: {  	v37 =	vld [tilespmem:$0x240];
	v36 =	vand.u32 $0x7FFFF, v4;
	[tilespmem:$0x610] =	vst v34  }
0x30: {  	v39 =	vld [tilespmem:$0x50];
	v38 =	vand.u32 $0x7FFFF, v5;
	[tilespmem:$0x420] =	vst v36  }
0x31: {  	v41 =	vld [tilespmem:$0x250];
	v40 =	vand.u32 $0x7FFFF, v31;
	[tilespmem:$0x620] =	vst v38  }
0x32: {  	v43 =	vld [tilespmem:$0x60];
	v42 =	vand.u32 $0x7FFFF, v33;
	[tilespmem:$0x430] =	vst v40  }
0x33: {  	v45 =	vld [tilespmem:$0x260];
	v44 =	vand.u32 $0x7FFFF, v35;
	[tilespmem:$0x630] =	vst v42  }
0x34: {  	v47 =	vld [tilespmem:$0x70];
	v46 =	vand.u32 $0x7FFFF, v37;
	[tilespmem:$0x440] =	vst v44  }
0x35: {  	v49 =	vld [tilespmem:$0x270];
	v48 =	vand.u32 $0x7FFFF, v39;
	[tilespmem:$0x640] =	vst v46  }
0x36: {  	v51 =	vld [tilespmem:$0x80];
	v50 =	vand.u32 $0x7FFFF, v41;
	[tilespmem:$0x450] =	vst v48  }
0x37: {  	v53 =	vld [tilespmem:$0x280];
	v52 =	vand.u32 $0x7FFFF, v43;
	[tilespmem:$0x650] =	vst v50  }
0x38: {  	v55 =	vld [tilespmem:$0x90];
	v54 =	vand.u32 $0x7FFFF, v45;
	[tilespmem:$0x460] =	vst v52  }
0x39: {  	v57 =	vld [tilespmem:$0x290];
	v56 =	vand.u32 $0x7FFFF, v47;
	[tilespmem:$0x660] =	vst v54  }
0x3a: {  	v59 =	vld [tilespmem:$0xA0];
	v58 =	vand.u32 $0x7FFFF, v49;
	[tilespmem:$0x470] =	vst v56  }
0x3b: {  	v61 =	vld [tilespmem:$0x2A0];
	v60 =	vand.u32 $0x7FFFF, v51;
	[tilespmem:$0x670] =	vst v58  }
0x3c: {  	v63 =	vld [tilespmem:$0xB0];
	v62 =	vand.u32 $0x7FFFF, v53;
	[tilespmem:$0x480] =	vst v60  }
0x3d: {  	v9 =	vld [tilespmem:$0x2B0];
	v8 =	vand.u32 $0x7FFFF, v55;
	[tilespmem:$0x680] =	vst v62  }
0x3e: {  	v11 =	vld [tilespmem:$0xC0];
	v10 =	vand.u32 $0x7FFFF, v57;
	[tilespmem:$0x490] =	vst v8  }
0x3f: {  	v13 =	vld [tilespmem:$0x2C0];
	v12 =	vand.u32 $0x7FFFF, v59;
	[tilespmem:$0x690] =	vst v10  }
0x40: {  	v15 =	vld [tilespmem:$0xD0];
	v14 =	vand.u32 $0x7FFFF, v61;
	[tilespmem:$0x4A0] =	vst v12  }
0x41: {  	v17 =	vld [tilespmem:$0x2D0];
	v16 =	vand.u32 $0x7FFFF, v63;
	[tilespmem:$0x6A0] =	vst v14  }
0x42: {  	v19 =	vld [tilespmem:$0xE0];
	v18 =	vand.u32 $0x7FFFF, v9;
	[tilespmem:$0x4B0] =	vst v16  }
0x43: {  	v21 =	vld [tilespmem:$0x2E0];
	v20 =	vand.u32 $0x7FFFF, v11;
	[tilespmem:$0x6B0] =	vst v18  }
0x44: {  	v22 =	vand.u32 $0x7FFFF, v13;
	[tilespmem:$0x4C0] =	vst v20  }
0x45: {  	v23 =	vld [tilespmem:$0xF0];
	v24 =	vand.u32 $0x7FFFF, v15;
	[tilespmem:$0x6C0] =	vst v22  }
0x46: {  	v25 =	vld [tilespmem:$0x2F0];
	v26 =	vand.u32 $0x7FFFF, v17;
	[tilespmem:$0x4D0] =	vst v24  }
0x47: {  	v27 =	vld [tilespmem:$0x100];
	v28 =	vand.u32 $0x7FFFF, v19;
	[tilespmem:$0x6D0] =	vst v26  }
0x48: {  	v29 =	vld [tilespmem:$0x300];
	[tilespmem:$0x4E0] =	vst v28;
	v30 =	vand.u32 $0x7FFFF, v21  }
0x49: {  	v31 =	vld [tilespmem:$0x110];
	[tilespmem:$0x6E0] =	vst v30  }
0x4a: {  	v32 =	vand.u32 $0x7FFFF, v23;
	v33 =	vld [tilespmem:$0x310]  }
0x4b: {  	v34 =	vand.u32 $0x7FFFF, v25;
	[tilespmem:$0x4F0] =	vst v32;
	v35 =	vld [tilespmem:$0x120]  }
0x4c: {  	v36 =	vand.u32 $0x7FFFF, v27;
	[tilespmem:$0x6F0] =	vst v34;
	v37 =	vld [tilespmem:$0x320]  }
0x4d: {  	v38 =	vand.u32 $0x7FFFF, v29;
	[tilespmem:$0x500] =	vst v36;
	v39 =	vld [tilespmem:$0x130]  }
0x4e: {  	[tilespmem:$0x700] =	vst v38;
	v41 =	vld [tilespmem:$0x330];
	v40 =	vand.u32 $0x7FFFF, v31  }
0x4f: {  	v43 =	vld [tilespmem:$0x140];
	[tilespmem:$0x510] =	vst v40;
	v42 =	vand.u32 $0x7FFFF, v33  }
0x50: {  	v45 =	vld [tilespmem:$0x340];
	v44 =	vand.u32 $0x7FFFF, v35;
	[tilespmem:$0x710] =	vst v42  }
0x51: {  	v47 =	vld [tilespmem:$0x150];
	v46 =	vand.u32 $0x7FFFF, v37;
	[tilespmem:$0x520] =	vst v44  }
0x52: {  	v49 =	vld [tilespmem:$0x350];
	v48 =	vand.u32 $0x7FFFF, v39;
	[tilespmem:$0x720] =	vst v46  }
0x53: {  	v51 =	vld [tilespmem:$0x160];
	v50 =	vand.u32 $0x7FFFF, v41;
	[tilespmem:$0x530] =	vst v48  }
0x54: {  	v53 =	vld [tilespmem:$0x360];
	v52 =	vand.u32 $0x7FFFF, v43;
	[tilespmem:$0x730] =	vst v50  }
0x55: {  	v55 =	vld [tilespmem:$0x170];
	v54 =	vand.u32 $0x7FFFF, v45;
	[tilespmem:$0x540] =	vst v52  }
0x56: {  	v57 =	vld [tilespmem:$0x370];
	v56 =	vand.u32 $0x7FFFF, v47;
	[tilespmem:$0x740] =	vst v54  }
0x57: {  	v59 =	vld [tilespmem:$0x180];
	v58 =	vand.u32 $0x7FFFF, v49;
	[tilespmem:$0x550] =	vst v56  }
0x58: {  	v61 =	vld [tilespmem:$0x380];
	v60 =	vand.u32 $0x7FFFF, v51;
	[tilespmem:$0x750] =	vst v58  }
0x59: {  	v63 =	vld [tilespmem:$0x190];
	v62 =	vand.u32 $0x7FFFF, v53;
	[tilespmem:$0x560] =	vst v60  }
0x5a: {  	v8 =	vld [tilespmem:$0x390];
	v7 =	vand.u32 $0x7FFFF, v55;
	[tilespmem:$0x760] =	vst v62  }
0x5b: {  	v10 =	vld [tilespmem:$0x1A0];
	v9 =	vand.u32 $0x7FFFF, v57;
	[tilespmem:$0x570] =	vst v7  }
0x5c: {  	v12 =	vld [tilespmem:$0x3A0];
	v11 =	vand.u32 $0x7FFFF, v59;
	[tilespmem:$0x770] =	vst v9  }
0x5d: {  	v14 =	vld [tilespmem:$0x1B0];
	v13 =	vand.u32 $0x7FFFF, v61;
	[tilespmem:$0x580] =	vst v11  }
0x5e: {  	v16 =	vld [tilespmem:$0x3B0];
	v15 =	vand.u32 $0x7FFFF, v63;
	[tilespmem:$0x780] =	vst v13  }
0x5f: {  	v18 =	vld [tilespmem:$0x1C0];
	v17 =	vand.u32 $0x7FFFF, v8;
	[tilespmem:$0x590] =	vst v15  }
0x60: {  	v20 =	vld [tilespmem:$0x3C0];
	v19 =	vand.u32 $0x7FFFF, v10;
	[tilespmem:$0x790] =	vst v17  }
0x61: {  	v22 =	vld [tilespmem:$0x1D0];
	v21 =	vand.u32 $0x7FFFF, v12;
	[tilespmem:$0x5A0] =	vst v19  }
0x62: {  	v24 =	vld [tilespmem:$0x3D0];
	v23 =	vand.u32 $0x7FFFF, v14;
	[tilespmem:$0x7A0] =	vst v21  }
0x63: {  	v26 =	vld [tilespmem:$0x1E0];
	v25 =	vand.u32 $0x7FFFF, v16;
	[tilespmem:$0x5B0] =	vst v23  }
0x64: {  	v28 =	vld [tilespmem:$0x3E0];
	v27 =	vand.u32 $0x7FFFF, v18;
	[tilespmem:$0x7B0] =	vst v25  }
0x65: {  	v30 =	vld [tilespmem:$0x1F0];
	v29 =	vand.u32 $0x7FFFF, v20;
	[tilespmem:$0x5C0] =	vst v27  }
0x66: {  	v32 =	vld [tilespmem:$0x3F0];
	v31 =	vand.u32 $0x7FFFF, v22;
	[tilespmem:$0x7C0] =	vst v29  }
0x67: {  	v33 =	vand.u32 $0x7FFFF, v24;
	[tilespmem:$0x5D0] =	vst v31  }
0x68: {  	v34 =	vand.u32 $0x7FFFF, v26;
	[tilespmem:$0x7D0] =	vst v33  }
0x69: {  	v35 =	vand.u32 $0x7FFFF, v28;
	[tilespmem:$0x5E0] =	vst v34  }
0x6a: {  	v36 =	vand.u32 $0x7FFFF, v30;
	[tilespmem:$0x7E0] =	vst v35  }
0x6b: {  	v37 =	vand.u32 $0x7FFFF, v32;
	[tilespmem:$0x5F0] =	vst v36  }
0x6c: {  	s2 =	rddreg [dreg:$0xb];
	[tilespmem:$0x7F0] =	vst v37  }
0x6d: {  	[tilespmem:s2], [sflag:$0x1] =	stream.indirect.gather [hbm4b:s3+s9], $0x1, s10, s9, $0xb8;
	[tilespmem:$0x1280] =	vst v63  }
0x6e: {  	s13 =	rddreg [dreg:$0xc]  }
0x6f: {  	[tilespmem:s13], [sflag:$0x1] =	stream.indirect.gather [hbm4b:s4+s9], $0x1, s10, s9, $0xb8;
	[tilespmem:$0x1280] =	vst v63  }
0x70: {  	s2 =	rddreg [dreg:$0xd]  }
0x71: {  	[tilespmem:s2], [sflag:$0x1] =	stream.indirect.gather [hbm4b:s5+s9], $0x1, s11, s9, $0xb8;
	[tilespmem:$0x1280] =	vst v63  }
0x72: {  	s13 =	rddreg [dreg:$0xe]  }
0x73: {  	[tilespmem:s13], [sflag:$0x1] =	stream.indirect.gather [hbm4b:s6+s9], $0x1, s11, s9, $0xb8;
	[tilespmem:$0x1280] =	vst v63  }
0x74: {  	s13 =	simm.s32 $0x880  }
0x75: {  	[tilespmem:s13], [sflag:$0x1] =	stream.indirect.gather [hbm4b:s3+s9], $0x1, s12, s9, $0xb8;
	[tilespmem:$0x1280] =	vst v63  }
0x76: {  	_ = 	snop  }
0x77: {  	[tilespmem:s14], [sflag:$0x1] =	stream.indirect.gather [hbm4b:s4+s9], $0x1, s12, s9, $0xb8;
	[tilespmem:$0x1280] =	vst v63  }
0x78: {  	_ = 	snop  }
0x79: {  	[tilespmem:s16], [sflag:$0x1] =	stream.indirect.gather [hbm4b:s5+s9], $0x1, s15, s9, $0xb8;
	[tilespmem:$0x1280] =	vst v63  }
0x7a: {  	_ = 	snop  }
0x7b: {  	[tilespmem:s17], [sflag:$0x1] =	stream.indirect.gather [hbm4b:s6+s9], $0x1, s15, s9, $0xb8;
	[tilespmem:$0x1280] =	vst v63  }
0x7c: {  	_ = 	snop  }
0x7d: {  	[tilespmem:s19], [sflag:$0x1] =	stream.indirect.gather [hbm4b:s3+s9], $0x1, s18, s9, $0xb8;
	[tilespmem:$0x1280] =	vst v63  }
0x7e: {  	_ = 	snop  }
0x7f: {  	[tilespmem:s20], [sflag:$0x1] =	stream.indirect.gather [hbm4b:s4+s9], $0x1, s18, s9, $0xb8;
	[tilespmem:$0x1280] =	vst v63  }
0x80: {  	_ = 	snop  }
0x81: {  	[tilespmem:s22], [sflag:$0x1] =	stream.indirect.gather [hbm4b:s5+s9], $0x1, s21, s9, $0xb8;
	[tilespmem:$0x1280] =	vst v63  }
0x82: {  	_ = 	snop  }
0x83: {  	[tilespmem:s23], [sflag:$0x1] =	stream.indirect.gather [hbm4b:s6+s9], $0x1, s21, s9, $0xb8;
	[tilespmem:$0x1280] =	vst v63  }
0x84: {  	_ = 	snop  }
0x85: {  	[tilespmem:s25], [sflag:$0x1] =	stream.indirect.gather [hbm4b:s3+s9], $0x1, s24, s9, $0xb8;
	[tilespmem:$0x1280] =	vst v63  }
0x86: {  	_ = 	snop  }
0x87: {  	[tilespmem:s26], [sflag:$0x1] =	stream.indirect.gather [hbm4b:s4+s9], $0x1, s24, s9, $0xb8;
	[tilespmem:$0x1280] =	vst v63  }
0x88: {  	_ = 	snop  }
0x89: {  	[tilespmem:s29], [sflag:$0x1] =	stream.indirect.gather [hbm4b:s5+s9], $0x1, s28, s9, $0xb8;
	[tilespmem:$0x1280] =	vst v63  }
0x8a: {  	_ = 	snop  }
0x8b: {  	[tilespmem:s30], [sflag:$0x1] =	stream.indirect.gather [hbm4b:s6+s9], $0x1, s28, s9, $0xb8;
	[tilespmem:$0x1280] =	vst v63  }
0x8c: {  	_ =	swait.ge [sflag:s31], $0x80  }
0x8d: {  	[sflag:s31] =	ssyncset.done $0x0  }
0x8e: {  	[sflag:s31] =	ssyncadd.s32 $0xFFFFFF80  }
0x8f: {  	_ =	swait.ge [sflag:s31], $0x80  }
0x90: {  	[sflag:s31] =	ssyncset.done $0x0  }
0x91: {  	[sflag:s31] =	ssyncadd.s32 $0xFFFFFF80  }
0x92: {  	_ =	swait.ge [sflag:s31], $0x80  }
0x93: {  	[sflag:s31] =	ssyncset.done $0x0  }
0x94: {  	[sflag:s31] =	ssyncadd.s32 $0xFFFFFF80  }
0x95: {  	_ =	swait.ge [sflag:s31], $0x80  }
0x96: {  	[sflag:s31] =	ssyncset.done $0x0  }
0x97: {  	[sflag:s31] =	ssyncadd.s32 $0xFFFFFF80  }
0x98: {  	_ =	swait.ge [sflag:s31], $0x80  }
0x99: {  	[sflag:s31] =	ssyncset.done $0x0  }
0x9a: {  	[sflag:s31] =	ssyncadd.s32 $0xFFFFFF80  }
0x9b: {  	_ =	swait.ge [sflag:s31], $0x80  }
0x9c: {  	[sflag:s31] =	ssyncset.done $0x0  }
0x9d: {  	[sflag:s31] =	ssyncadd.s32 $0xFFFFFF80  }
0x9e: {  	_ =	swait.ge [sflag:s31], $0x80  }
0x9f: {  	[sflag:s31] =	ssyncset.done $0x0  }
0xa0: {  	[sflag:s31] =	ssyncadd.s32 $0xFFFFFF80  }
0xa1: {  	_ =	swait.ge [sflag:s31], $0x80  }
0xa2: {  	[sflag:s31] =	ssyncset.done $0x0  }
0xa3: {  	[sflag:s31] =	ssyncadd.s32 $0xFFFFFF80  }
0xa4: {  	_ =	swait.ge [sflag:s31], $0x80  }
0xa5: {  	[sflag:s31] =	ssyncset.done $0x0  }
0xa6: {  	[sflag:s31] =	ssyncadd.s32 $0xFFFFFF80  }
0xa7: {  	_ =	swait.ge [sflag:s31], $0x80  }
0xa8: {  	[sflag:s31] =	ssyncset.done $0x0  }
0xa9: {  	[sflag:s31] =	ssyncadd.s32 $0xFFFFFF80  }
0xaa: {  	_ =	swait.ge [sflag:s31], $0x80  }
0xab: {  	[sflag:s31] =	ssyncset.done $0x0  }
0xac: {  	[sflag:s31] =	ssyncadd.s32 $0xFFFFFF80  }
0xad: {  	_ =	swait.ge [sflag:s31], $0x80  }
0xae: {  	[sflag:s31] =	ssyncset.done $0x0  }
0xaf: {  	[sflag:s31] =	ssyncadd.s32 $0xFFFFFF80  }
0xb0: {  	_ =	swait.ge [sflag:s31], $0x80  }
0xb1: {  	[sflag:s31] =	ssyncset.done $0x0  }
0xb2: {  	[sflag:s31] =	ssyncadd.s32 $0xFFFFFF80  }
0xb3: {  	_ =	swait.ge [sflag:s31], $0x80  }
0xb4: {  	[sflag:s31] =	ssyncset.done $0x0  }
0xb5: {  	[sflag:s31] =	ssyncadd.s32 $0xFFFFFF80  }
0xb6: {  	_ =	swait.ge [sflag:s31], $0x80  }
0xb7: {  	[sflag:s31] =	ssyncset.done $0x0  }
0xb8: {  	[sflag:s31] =	ssyncadd.s32 $0xFFFFFF80  }
0xb9: {  	_ =	swait.ge [sflag:s31], $0x80  }
0xba: {  	[sflag:s31] =	ssyncset.done $0x0  }
0xbb: {  	[sflag:s31] =	ssyncadd.s32 $0xFFFFFF80  }
0xbc: {  	v1 =	vld [tilespmem:$0x8E0];
	_ =	sdelay $0x4  }
0xbd: {  	[tilespmem:$0x1FC90] =	vst v1;
	v1 =	vld [tilespmem:$0xAE0];
	_ =	sdelay $0x4  }
0xbe: {  	[tilespmem:$0x1FCA0] =	vst v1;
	v1 =	vld [tilespmem:$0x2E0];
	_ =	sdelay $0x4  }
0xbf: {  	[tilespmem:$0x1FCB0] =	vst v1;
	v1 =	vld [tilespmem:$0xCE0];
	_ =	sdelay $0x4  }
0xc0: {  	[tilespmem:$0x1FCC0] =	vst v1;
	v1 =	vld [tilespmem:$0xEE0];
	_ =	sdelay $0x4  }
0xc1: {  	[tilespmem:$0x1FCD0] =	vst v1;
	v1 =	vld [tilespmem:$0xF0];
	_ =	sdelay $0x4  }
0xc2: {  	[tilespmem:$0x1FCE0] =	vst v1;
	v1 =	vld [tilespmem:$0x8F0];
	_ =	sdelay $0x4  }
0xc3: {  	[tilespmem:$0x1FCF0] =	vst v1;
	v1 =	vld [tilespmem:$0xAF0];
	_ =	sdelay $0x4  }
0xc4: {  	[tilespmem:$0x1FD00] =	vst v1;
	v1 =	vld [tilespmem:$0x2F0];
	_ =	sdelay $0x4  }
0xc5: {  	[tilespmem:$0x1FD10] =	vst v1;
	v1 =	vld [tilespmem:$0xCF0];
	_ =	sdelay $0x4  }
0xc6: {  	[tilespmem:$0x1FD20] =	vst v1;
	v1 =	vld [tilespmem:$0xEF0];
	_ =	sdelay $0x4  }
0xc7: {  	[tilespmem:$0x1FD30] =	vst v1;
	v1 =	vld [tilespmem:$0x100];
	_ =	sdelay $0x4  }
0xc8: {  	[tilespmem:$0x1FD40] =	vst v1;
	v1 =	vld [tilespmem:$0x900];
	_ =	sdelay $0x4  }
0xc9: {  	[tilespmem:$0x1FD50] =	vst v1;
	v1 =	vld [tilespmem:$0xB00];
	_ =	sdelay $0x4  }
0xca: {  	[tilespmem:$0x1FD60] =	vst v1;
	v1 =	vld [tilespmem:$0x300];
	_ =	sdelay $0x4  }
0xcb: {  	[tilespmem:$0x1FD70] =	vst v1;
	v1 =	vld [tilespmem:$0xD00];
	_ =	sdelay $0x4  }
0xcc: {  	[tilespmem:$0x1FD80] =	vst v1;
	v1 =	vld [tilespmem:$0xF00];
	_ =	sdelay $0x4  }
0xcd: {  	[tilespmem:$0x1FD90] =	vst v1;
	v1 =	vld [tilespmem:$0x110];
	_ =	sdelay $0x4  }
0xce: {  	[tilespmem:$0x1FDA0] =	vst v1;
	v1 =	vld [tilespmem:$0x910];
	_ =	sdelay $0x4  }
0xcf: {  	[tilespmem:$0x1FDB0] =	vst v1;
	v1 =	vld [tilespmem:$0xB10];
	_ =	sdelay $0x4  }
0xd0: {  	[tilespmem:$0x1FDC0] =	vst v1;
	v1 =	vld [tilespmem:$0x310];
	_ =	sdelay $0x4  }
0xd1: {  	[tilespmem:$0x1FDD0] =	vst v1;
	v1 =	vld [tilespmem:$0xD10];
	_ =	sdelay $0x4  }
0xd2: {  	[tilespmem:$0x1FDE0] =	vst v1;
	v1 =	vld [tilespmem:$0xF10];
	_ =	sdelay $0x4  }
0xd3: {  	[tilespmem:$0x1FDF0] =	vst v1;
	v1 =	vld [tilespmem:$0x120];
	_ =	sdelay $0x4  }
0xd4: {  	[tilespmem:$0x1FE00] =	vst v1;
	v1 =	vld [tilespmem:$0x920];
	_ =	sdelay $0x3  }
0xd5: {  	v0 =	vld [tilespmem:$0x1000]  }
0xd6: {  	[tilespmem:$0x1FE10] =	vst v1;
	v1 =	vld [tilespmem:$0xB20]  }
0xd7: {  	v5 =	vld [tilespmem:$0x0]  }
0xd8: {  	v2 =	vld [tilespmem:$0x800]  }
0xd9: {  	v3 =	vld [tilespmem:$0xA00]  }
0xda: {  	v61 =	vld [tilespmem:$0x200]  }
0xdb: {  	[tilespmem:$0x1FE20] =	vst v1;
	v1 =	vld [tilespmem:$0x320]  }
0xdc: {  	v6 =	vld [tilespmem:$0xC00]  }
0xdd: {  	v38 =	vld [tilespmem:$0xE00]  }
0xde: {  	v39 =	vld [tilespmem:$0x10]  }
0xdf: {  	v7 =	vld [tilespmem:$0x810]  }
0xe0: {  	[tilespmem:$0x1FE30] =	vst v1;
	v1 =	vld [tilespmem:$0xD20]  }
0xe1: {  	v40 =	vld [tilespmem:$0xA10]  }
0xe2: {  	v41 =	vld [tilespmem:$0x210]  }
0xe3: {  	v4 =	vld [tilespmem:$0xC10]  }
0xe4: {  	v42 =	vld [tilespmem:$0xE10]  }
0xe5: {  	[tilespmem:$0x1FE40] =	vst v1;
	v1 =	vld [tilespmem:$0xF20]  }
0xe6: {  	v62 =	vld [tilespmem:$0x20]  }
0xe7: {  	v43 =	vld [tilespmem:$0x820]  }
0xe8: {  	v44 =	vld [tilespmem:$0xA20]  }
0xe9: {  	v45 =	vld [tilespmem:$0x220]  }
0xea: {  	[tilespmem:$0x1FE50] =	vst v1;
	v1 =	vld [tilespmem:$0x130]  }
0xeb: {  	v46 =	vld [tilespmem:$0xC20]  }
0xec: {  	v47 =	vld [tilespmem:$0xE20]  }
0xed: {  	v48 =	vld [tilespmem:$0x30]  }
0xee: {  	v49 =	vld [tilespmem:$0x830]  }
0xef: {  	[tilespmem:$0x1FE60] =	vst v1;
	v1 =	vld [tilespmem:$0x930]  }
0xf0: {  	v50 =	vld [tilespmem:$0xA30]  }
0xf1: {  	v51 =	vld [tilespmem:$0xC30]  }
0xf2: {  	v63 =	vld [tilespmem:$0xE30]  }
0xf3: {  	v52 =	vld [tilespmem:$0x40]  }
0xf4: {  	[tilespmem:$0x1FE70] =	vst v1;
	v1 =	vld [tilespmem:$0xB30]  }
0xf5: {  	v53 =	vld [tilespmem:$0x840]  }
0xf6: {  	v54 =	vld [tilespmem:$0xA40]  }
0xf7: {  	v55 =	vld [tilespmem:$0x240]  }
0xf8: {  	v56 =	vld [tilespmem:$0xC40]  }
0xf9: {  	[tilespmem:$0x1FE80] =	vst v1;
	v1 =	vld [tilespmem:$0x330]  }
0xfa: {  	v57 =	vld [tilespmem:$0xE40]  }
0xfb: {  	v37 =	vld [tilespmem:$0x50]  }
0xfc: {  	v58 =	vld [tilespmem:$0x850]  }
0xfd: {  	v59 =	vld [tilespmem:$0x860]  }
0xfe: {  	[tilespmem:$0x1FE90] =	vst v1;
	v1 =	vld [tilespmem:$0xD30]  }
0xff: {  	v26 =	vld [tilespmem:$0x260]  }
0x100: {  	v15 =	vld [tilespmem:$0x80]  }
0x101: {  	v28 =	vld [tilespmem:$0xA80]  }
0x102: {  	v29 =	vld [tilespmem:$0x280]  }
0x103: {  	[tilespmem:$0x1FEA0] =	vst v1;
	v1 =	vld [tilespmem:$0xF30]  }
0x104: {  	v31 =	vld [tilespmem:$0xC80]  }
0x105: {  	v21 =	vld [tilespmem:$0xE80]  }
0x106: {  	v24 =	vld [tilespmem:$0x90]  }
0x107: {  	v32 =	vld [tilespmem:$0xA90]  }
0x108: {  	[tilespmem:$0x1FEB0] =	vst v1;
	v1 =	vld [tilespmem:$0x140]  }
0x109: {  	v11 =	vld [tilespmem:$0x290]  }
0x10a: {  	v27 =	vld [tilespmem:$0xC90]  }
0x10b: {  	v17 =	vld [tilespmem:$0xE90]  }
0x10c: {  	v18 =	vld [tilespmem:$0xA0]  }
0x10d: {  	[tilespmem:$0x1FEC0] =	vst v1;
	v1 =	vld [tilespmem:$0x940]  }
0x10e: {  	v20 =	vld [tilespmem:$0x8A0]  }
0x10f: {  	v13 =	vld [tilespmem:$0xAA0]  }
0x110: {  	v14 =	vld [tilespmem:$0x2A0]  }
0x111: {  	v33 =	vld [tilespmem:$0xCA0]  }
0x112: {  	[tilespmem:$0x1FED0] =	vst v1;
	v1 =	vld [tilespmem:$0xB40]  }
0x113: {  	v25 =	vld [tilespmem:$0xEA0]  }
0x114: {  	v8 =	vld [tilespmem:$0xB0]  }
0x115: {  	v16 =	vld [tilespmem:$0x8B0]  }
0x116: {  	v9 =	vld [tilespmem:$0xAB0]  }
0x117: {  	[tilespmem:$0x1FEE0] =	vst v1;
	v1 =	vld [tilespmem:$0x340]  }
0x118: {  	v10 =	vld [tilespmem:$0x2B0]  }
0x119: {  	v30 =	vld [tilespmem:$0xCB0]  }
0x11a: {  	v19 =	vld [tilespmem:$0xEB0]  }
0x11b: {  	v12 =	vld [tilespmem:$0xC0]  }
0x11c: {  	[tilespmem:$0x1FEF0] =	vst v1;
	v1 =	vld [tilespmem:$0xD40]  }
0x11d: {  	v34 =	vld [tilespmem:$0x8C0]  }
0x11e: {  	v22 =	vld [tilespmem:$0xAC0]  }
0x11f: {  	v23 =	vld [tilespmem:$0x2C0];
	[tilespmem:$0x1FB20] =	vst v38  }
0x120: {  	vm0 =	vlt.s32 v5, $0x80000;
	v5 =	vld [tilespmem:$0x1FB20]  }
0x121: {  	[tilespmem:$0x1FF00] =	vst v1;
	v1 =	vld [tilespmem:$0xF40]  }
0x122: {  	v35 =	vld [tilespmem:$0xEC0]  }
0x123: {  	v36 =	vld [tilespmem:$0xD0]  }
0x124: {  	v60 =	vld [tilespmem:$0xCD0];
	[tilespmem:$0x1FB30] =	vst v39;
	vm1 =	vlt.s32 v61, $0x80000  }
0x125: {  	v5 =	vsel vm1, v6, v5;
	v6 =	vld [tilespmem:$0x1FB30]  }
0x126: {  	[tilespmem:$0x1FF10] =	vst v1;
	v1 =	vld [tilespmem:$0x150]  }
0x127: {  	[tilespmem:$0x1FBD0] =	vst v49;
	v49 =	vld [tilespmem:$0x230]  }
0x128: {  	[tilespmem:$0x1FBE0] =	vst v50;
	v50 =	vld [tilespmem:$0xA50]  }
0x129: {  	[tilespmem:$0x1FC00] =	vst v52;
	v52 =	vld [tilespmem:$0x250]  }
0x12a: {  	[tilespmem:$0x1FB40] =	vst v40;
	vm14 =	vlt.s32 v6, $0x80000;
	v6 =	vld [tilespmem:$0x360]  }
0x12b: {  	[tilespmem:$0x1FF20] =	vst v1;
	v1 =	vld [tilespmem:$0x950]  }
0x12c: {  	[tilespmem:$0x1FC30] =	vst v55;
	v55 =	vld [tilespmem:$0xC50]  }
0x12d: {  	[tilespmem:$0x1FBF0] =	vst v51;
	v51 =	vld [tilespmem:$0xE50]  }
0x12e: {  	[tilespmem:$0x1FC10] =	vst v53;
	v53 =	vld [tilespmem:$0x60]  }
0x12f: {  	[tilespmem:$0x1FFB0] =	vst v6;
	v6 =	vld [tilespmem:$0x1FB40]  }
0x130: {  	[tilespmem:$0x1FF30] =	vst v1;
	v1 =	vld [tilespmem:$0xB50]  }
0x131: {  	[tilespmem:$0x1FC40] =	vst v56;
	v56 =	vld [tilespmem:$0xA60]  }
0x132: {  	[tilespmem:$0x1FC20] =	vst v54;
	v54 =	vld [tilespmem:$0xC60]  }
0x133: {  	[tilespmem:$0x1FB50] =	vst v41;
	v38 =	vld [tilespmem:$0xE60]  }
0x134: {  	v7 =	vsel vm14, v7, v6;
	v6 =	vld [tilespmem:$0x1FB50]  }
0x135: {  	[tilespmem:$0x1FF40] =	vst v1;
	v1 =	vld [tilespmem:$0x350]  }
0x136: {  	[tilespmem:$0x1FB60] =	vst v42;
	v40 =	vld [tilespmem:$0x70]  }
0x137: {  	[tilespmem:$0x1FB70] =	vst v43;
	v43 =	vld [tilespmem:$0x870]  }
0x138: {  	vm4 =	vlt.s32 v62, $0x80000;
	v62 =	vld [tilespmem:$0x1FB60]  }
0x139: {  	vm15 =	vlt.s32 v6, $0x80000;
	v6 =	vld [tilespmem:$0xD60]  }
0x13a: {  	[tilespmem:$0x1FF50] =	vst v1;
	v1 =	vld [tilespmem:$0xD50]  }
0x13b: {  	v39 =	vld [tilespmem:$0xA70]  }
0x13c: {  	v41 =	vld [tilespmem:$0x270]  }
0x13d: {  	[tilespmem:$0x1FB80] =	vst v44;
	v62 =	vsel vm15, v4, v62;
	v4 =	vld [tilespmem:$0x1FB70]  }
0x13e: {  	[tilespmem:$0x1FFC0] =	vst v6;
	v6 =	vld [tilespmem:$0x1FB80]  }
0x13f: {  	[tilespmem:$0x1FF60] =	vst v1;
	v1 =	vld [tilespmem:$0xF50]  }
0x140: {  	[tilespmem:$0x1FC50] =	vst v57;
	v57 =	vld [tilespmem:$0xC70]  }
0x141: {  	v44 =	vld [tilespmem:$0xE70]  }
0x142: {  	[tilespmem:$0x1FB90] =	vst v45;
	v42 =	vld [tilespmem:$0x880]  }
0x143: {  	v6 =	vsel vm4, v4, v6;
	v4 =	vld [tilespmem:$0x1FB90]  }
0x144: {  	[tilespmem:$0x1FF70] =	vst v1;
	v1 =	vld [tilespmem:$0x160]  }
0x145: {  	v45 =	vld [tilespmem:$0x890]  }
0x146: {  	[tilespmem:$0x1FBA0] =	vst v46;
	v46 =	vld [tilespmem:$0xCC0]  }
0x147: {  	[tilespmem:$0x1FC60] =	vst v58;
	v58 =	vld [tilespmem:$0x8D0]  }
0x148: {  	vm5 =	vlt.s32 v4, $0x80000;
	v4 =	vld [tilespmem:$0xF60]  }
0x149: {  	[tilespmem:$0x1FF80] =	vst v1;
	v1 =	vld [tilespmem:$0x960]  }
0x14a: {  	[tilespmem:$0x1FBB0] =	vst v47;
	v47 =	vld [tilespmem:$0xAD0]  }
0x14b: {  	[tilespmem:$0x1FBC0] =	vst v48;
	v48 =	vld [tilespmem:$0x2D0]  }
0x14c: {  	v61 =	vld [tilespmem:$0xB60]  }
0x14d: {  	[tilespmem:$0x1FFD0] =	vst v4;
	v4 =	vld [tilespmem:$0x1FBB0]  }
0x14e: {  	[tilespmem:$0x1FF90] =	vst v1;
	v1 =	vld [tilespmem:$0x1FBA0]  }
0x14f: {  	[tilespmem:$0x1FC70] =	vst v59;
	v59 =	vld [tilespmem:$0xED0]  }
0x150: {  	[tilespmem:$0x1FC80] =	vst v60;
	v60 =	vld [tilespmem:$0xE0]  }
0x151: {  	vm13 =	vlt.s32 v26, $0x80000;
	v26 =	vld [tilespmem:$0xD70]  }
0x152: {  	vm10 =	vlt.s32 v37, $0x80000;
	v37 =	vld [tilespmem:$0x1FC40]  }
0x153: {  	[tilespmem:$0x1FFA0] =	vst v61;
	v61 =	vsel vm0, v2, v3;
	v3 =	vsel vm5, v1, v4;
	v4 =	vld [tilespmem:$0x1FBC0]  }
0x154: {  	vm7 =	vlt.s32 v49, $0x80000;
	v49 =	vld [tilespmem:$0x1FBD0]  }
0x155: {  	vm11 =	vlt.s32 v52, $0x80000;
	v52 =	vld [tilespmem:$0x370]  }
0x156: {  	v54 =	vsel vm13, v54, v38;
	v38 =	vld [tilespmem:$0xF70]  }
0x157: {  	v51 =	vsel vm11, v55, v51;
	vm11 =	vlt.s32 v10, $0x80000;
	v10 =	vld [tilespmem:$0xF80]  }
0x158: {  	vm14 =	vlt.s32 v40, $0x80000;
	vm6 =	vlt.s32 v4, $0x80000;
	v4 =	vld [tilespmem:$0x170]  }
0x159: {  	v40 =	vsel vm14, v43, v39;
	v39 =	vld [tilespmem:$0x180]  }
0x15a: {  	v43 =	vld [tilespmem:$0x980]  }
0x15b: {  	vm14 =	vlt.s32 v36, $0x80000;
	v36 =	vld [tilespmem:$0xBA0];
	vm15 =	vlt.s32 v41, $0x80000  }
0x15c: {  	v41 =	vsel vm15, v57, v44;
	v57 =	vld [tilespmem:$0xB80]  }
0x15d: {  	vm4 =	vlt.s32 v15, $0x80000;
	[tilespmem:$0x1FFE0] =	vst v4;
	v4 =	vld [tilespmem:$0x1FBE0]  }
0x15e: {  	v28 =	vsel vm4, v42, v28;
	v42 =	vld [tilespmem:$0x1FC80]  }
0x15f: {  	v44 =	vld [tilespmem:$0x1FC90]  }
0x160: {  	vm15 =	vlt.s32 v48, $0x80000;
	v48 =	vld [tilespmem:$0x1FCD0]  }
0x161: {  	v15 =	vld [tilespmem:$0x380]  }
0x162: {  	v2 =	vsel vm6, v49, v4;
	v49 =	vld [tilespmem:$0x1FBF0]  }
0x163: {  	vm13 =	vlt.s32 v23, $0x80000;
	v23 =	vsel vm15, v42, v59;
	v42 =	vld [tilespmem:$0x1B0]  }
0x164: {  	v55 =	vld [tilespmem:$0x1FD20]  }
0x165: {  	v59 =	vld [tilespmem:$0x1FD50]  }
0x166: {  	vm4 =	vlt.s32 v60, $0x80000;
	v60 =	vld [tilespmem:$0x1FD60]  }
0x167: {  	v1 =	vsel vm7, v49, v63;
	v63 =	vld [tilespmem:$0x1FC00]  }
0x168: {  	v5 =	vadd.f32 v5, v61;
	v61 =	vld [tilespmem:$0x1FD70]  }
0x169: {  	v7 =	vadd.f32 v62, v7;
	v62 =	vld [tilespmem:$0x1FD80]  }
0x16a: {  	v3 =	vadd.f32 v3, v6;
	v6 =	vsel vm13, v46, v35;
	v46 =	vld [tilespmem:$0x1FCB0]  }
0x16b: {  	v4 =	vld [tilespmem:$0x1FC10]  }
0x16c: {  	vm8 =	vlt.s32 v63, $0x80000;
	v63 =	vld [tilespmem:$0x1FC20]  }
0x16d: {  	vm5 =	vlt.s32 v29, $0x80000;
	v29 =	vld [tilespmem:$0xF90]  }
0x16e: {  	v35 =	vld [tilespmem:$0x9A0]  }
0x16f: {  	v21 =	vsel vm5, v31, v21;
	vm5 =	vlt.s32 v46, $0x80000;
	v46 =	vld [tilespmem:$0x1FDC0]  }
0x170: {  	v49 =	vld [tilespmem:$0x970]  }
0x171: {  	v4 =	vsel vm8, v4, v63;
	v63 =	vld [tilespmem:$0x1FC30]  }
0x172: {  	v1 =	vadd.f32 v1, v2;
	v2 =	vsel vm14, v58, v47;
	v47 =	vld [tilespmem:$0x1FCC0]  }
0x173: {  	vm6 =	vlt.s32 v24, $0x80000;
	v24 =	vld [tilespmem:$0xD90]  }
0x174: {  	v58 =	vld [tilespmem:$0x1FD40]  }
0x175: {  	[tilespmem:$0x1FFF0] =	vst v49;
	v49 =	vld [tilespmem:$0xB70]  }
0x176: {  	vm9 =	vlt.s32 v63, $0x80000;
	v63 =	vld [tilespmem:$0x1FC50]  }
0x177: {  	v31 =	vsel vm5, v47, v48;
	v47 =	vld [tilespmem:$0x1FDD0]  }
0x178: {  	v48 =	vld [tilespmem:$0x1FDE0];
	vm8 =	vlt.s32 v18, $0x80000  }
0x179: {  	v13 =	vsel vm8, v20, v13;
	v20 =	vld [tilespmem:$0xB90]  }
0x17a: {  	vm8 =	vlt.s32 v58, $0x80000;
	v58 =	vld [tilespmem:$0x1FE50]  }
0x17b: {  	v37 =	vsel vm9, v37, v63;
	v63 =	vld [tilespmem:$0x1FC60]  }
0x17c: {  	vm9 =	vlt.s32 v14, $0x80000;
	v4 =	vadd.f32 v37, v4;
	v37 =	vld [tilespmem:$0x3A0]  }
0x17d: {  	v14 =	vsel vm9, v33, v25;
	v33 =	vadd.f32 v41, v40;
	v40 =	vld [tilespmem:$0xDA0]  }
0x17e: {  	v41 =	vld [tilespmem:$0xFA0]  }
0x17f: {  	vm9 =	vlt.s32 v61, $0x80000;
	v61 =	vld [tilespmem:$0x1FE80]  }
0x180: {  	v50 =	vsel vm10, v63, v50;
	v63 =	vld [tilespmem:$0x1FC70]  }
0x181: {  	vm10 =	vlt.s32 v8, $0x80000;
	v8 =	vld [tilespmem:$0xD80]  }
0x182: {  	v9 =	vsel vm10, v16, v9;
	v16 =	vsel vm11, v30, v19;
	v19 =	vld [tilespmem:$0x990]  }
0x183: {  	v25 =	vadd.f32 v51, v50;
	v50 =	vld [tilespmem:$0x1FCE0]  }
0x184: {  	v51 =	vld [tilespmem:$0x1FCF0]  }
0x185: {  	vm12 =	vlt.s32 v53, $0x80000;
	vm11 =	vlt.s32 v47, $0x80000;
	v47 =	vld [tilespmem:$0x1C0]  }
0x186: {  	v53 =	vsel vm12, v63, v56;
	vm12 =	vlt.s32 v12, $0x80000;
	v12 =	vld [tilespmem:$0x190]  }
0x187: {  	v63 =	vsel vm6, v45, v32;
	v45 =	vld [tilespmem:$0x1FCA0]  }
0x188: {  	v32 =	vld [tilespmem:$0x1A0]  }
0x189: {  	v56 =	vld [tilespmem:$0x1FD30]  }
0x18a: {  	v18 =	vsel vm12, v34, v22;
	v22 =	vld [tilespmem:$0x390]  }
0x18b: {  	vm7 =	vlt.s32 v11, $0x80000;
	v30 =	vadd.f32 v54, v53;
	v53 =	vld [tilespmem:$0x1FD00]  }
0x18c: {  	v17 =	vsel vm7, v27, v17;
	v54 =	vld [tilespmem:$0x1FD10]  }
0x18d: {  	v11 =	vadd.f32 v17, v63;
	v63 =	vld [tilespmem:$0x1FD90]  }
0x18e: {  	vm6 =	vlt.s32 v50, $0x80000;
	v50 =	vld [tilespmem:$0x1FDF0]  }
0x18f: {  	v17 =	vsel vm8, v59, v60;
	v59 =	vld [tilespmem:$0x1FE60]  }
0x190: {  	v60 =	vld [tilespmem:$0x1FE70]  }
0x191: {  	v27 =	vsel vm4, v44, v45;
	v44 =	vld [tilespmem:$0x1FDA0]  }
0x192: {  	v45 =	vld [tilespmem:$0x1FDB0]  }
0x193: {  	v34 =	vsel vm6, v51, v53;
	v51 =	vld [tilespmem:$0x1FE00]  }
0x194: {  	v53 =	vld [tilespmem:$0x1FE10]  }
0x195: {  	vm7 =	vlt.s32 v54, $0x80000;
	v54 =	vld [tilespmem:$0x1FE20]  }
0x196: {  	v13 =	vadd.f32 v14, v13;
	v14 =	vsel vm9, v62, v63;
	v62 =	vld [tilespmem:$0x1FE90]  }
0x197: {  	v63 =	vld [tilespmem:$0x1FEA0]  }
0x198: {  	v6 =	vadd.f32 v6, v18;
	v18 =	vsel vm11, v48, v50;
	v48 =	vld [tilespmem:$0x1FEB0]  }
0x199: {  	v50 =	vld [tilespmem:$0x1FEC0]  }
0x19a: {  	vm14 =	vlt.s32 v59, $0x80000;
	v59 =	vld [tilespmem:$0x1FF30]  }
0x19b: {  	vm11 =	vlt.s32 v52, $0x80000;
	v52 =	vld [tilespmem:$0xDF0]  }
0x19c: {  	v21 =	vadd.f32 v21, v28;
	v28 =	vsel vm7, v55, v56;
	v55 =	vld [tilespmem:$0x1FE30]  }
0x19d: {  	v56 =	vld [tilespmem:$0x1FE40]  }
0x19e: {  	v26 =	vsel vm11, v26, v38;
	v38 =	vld [tilespmem:$0xDE0]  }
0x19f: {  	v28 =	vadd.f32 v28, v34;
	v34 =	vsel vm14, v60, v61;
	v60 =	vld [tilespmem:$0x1FF40]  }
0x1a0: {  	v61 =	vld [tilespmem:$0x1FF50]  }
0x1a1: {  	vm10 =	vlt.s32 v44, $0x80000;
	v44 =	vld [tilespmem:$0x9B0]  }
0x1a2: {  	v9 =	vadd.f32 v16, v9;
	v16 =	vsel vm10, v45, v46;
	v45 =	vld [tilespmem:$0xBB0]  }
0x1a3: {  	v46 =	vld [tilespmem:$0x3B0]  }
0x1a4: {  	vm12 =	vlt.s32 v51, $0x80000;
	v51 =	vld [tilespmem:$0x1FED0]  }
0x1a5: {  	vm4 =	vlt.s32 v50, $0x80000;
	v50 =	vld [tilespmem:$0x9C0]  }
0x1a6: {  	vm15 =	vlt.s32 v62, $0x80000;
	v62 =	vld [tilespmem:$0x1FF60]  }
0x1a7: {  	v16 =	vadd.f32 v18, v16;
	v18 =	vld [tilespmem:$0xDB0]  }
0x1a8: {  	v2 =	vadd.f32 v23, v2;
	v23 =	vsel vm12, v53, v54;
	v53 =	vld [tilespmem:$0x1FEE0]  }
0x1a9: {  	v54 =	vld [tilespmem:$0x1FEF0]  }
0x1aa: {  	vm13 =	vlt.s32 v55, $0x80000;
	v55 =	vld [tilespmem:$0x1FF00]  }
0x1ab: {  	v14 =	vadd.f32 v14, v17;
	v17 =	vsel vm15, v63, v48;
	v63 =	vld [tilespmem:$0x1FF70]  }
0x1ac: {  	v27 =	vadd.f32 v31, v27;
	v31 =	vsel vm13, v56, v58;
	v56 =	vld [tilespmem:$0x1FF10]  }
0x1ad: {  	v58 =	vld [tilespmem:$0x1FF20]  }
0x1ae: {  	vm15 =	vlt.s32 v22, $0x80000;
	vm7 =	vlt.s32 v61, $0x80000;
	v61 =	vld [tilespmem:$0x1FFC0]  }
0x1af: {  	v22 =	vsel vm15, v24, v29;
	v24 =	vld [tilespmem:$0x9E0]  }
0x1b0: {  	v7 =	vadd.f32 v7, v0;
	v23 =	vadd.f32 v31, v23;
	v31 =	vld [tilespmem:$0xFB0]  }
0x1b1: {  	v17 =	vadd.f32 v17, v34;
	v34 =	vsel vm4, v51, v53;
	v51 =	vld [tilespmem:$0xBC0]  }
0x1b2: {  	[tilespmem:$0x1090] =	vst v7;
	v7 =	vsel vm7, v62, v63;
	v62 =	vld [tilespmem:$0x1FFD0]  }
0x1b3: {  	v63 =	vld [tilespmem:$0x1FFE0]  }
0x1b4: {  	v5 =	vadd.f32 v5, v0;
	v53 =	vld [tilespmem:$0x1D0]  }
0x1b5: {  	v3 =	vadd.f32 v3, v0;
	vm5 =	vlt.s32 v54, $0x80000;
	v54 =	vld [tilespmem:$0x1FFF0]  }
0x1b6: {  	[tilespmem:$0x1080] =	vst v5;
	v21 =	vadd.f32 v21, v0;
	vm4 =	vlt.s32 v32, $0x80000;
	v32 =	vld [tilespmem:$0xBE0]  }
0x1b7: {  	[tilespmem:$0x10A0] =	vst v3;
	v1 =	vadd.f32 v1, v0;
	v2 =	vadd.f32 v2, v0;
	v48 =	vsel vm5, v55, v56;
	v55 =	vld [tilespmem:$0x1FF80]  }
0x1b8: {  	[tilespmem:$0x1100] =	vst v21;
	v4 =	vadd.f32 v4, v0;
	v33 =	vadd.f32 v33, v0;
	v56 =	vld [tilespmem:$0x1FF90]  }
0x1b9: {  	[tilespmem:$0x10B0] =	vst v1;
	v13 =	vadd.f32 v13, v0;
	v9 =	vadd.f32 v9, v0;
	vm6 =	vlt.s32 v58, $0x80000;
	v58 =	vld [tilespmem:$0x1FFA0]  }
0x1ba: {  	[tilespmem:$0x10F0] =	vst v33;
	v30 =	vadd.f32 v30, v0;
	v11 =	vadd.f32 v11, v0;
	v33 =	vsel vm4, v35, v36;
	v36 =	vld [tilespmem:$0x3E0]  }
0x1bb: {  	[tilespmem:$0x1150] =	vst v2;
	v6 =	vadd.f32 v6, v0;
	vm14 =	vlt.s32 v12, $0x80000;
	v34 =	vadd.f32 v48, v34;
	v48 =	vld [tilespmem:$0x3C0]  }
0x1bc: {  	[tilespmem:$0x10E0] =	vst v30;
	v30 =	vadd.f32 v27, v0;
	v14 =	vadd.f32 v14, v0;
	v5 =	vsel vm6, v59, v60;
	v60 =	vld [tilespmem:$0x1FFB0]  }
0x1bd: {  	[tilespmem:$0x10C0] =	vst v4;
	vm13 =	vlt.s32 v15, $0x80000;
	vm5 =	vlt.s32 v37, $0x80000;
	v59 =	vadd.f32 v25, v0;
	v25 =	vld [tilespmem:$0xFC0]  }
0x1be: {  	[tilespmem:$0x1120] =	vst v13;
	vm12 =	vlt.s32 v39, $0x80000;
	v8 =	vsel vm13, v8, v10;
	v37 =	vsel vm5, v40, v41;
	v40 =	vld [tilespmem:$0xFE0]  }
0x1bf: {  	[tilespmem:$0x1130] =	vst v9;
	v16 =	vadd.f32 v16, v0;
	vm6 =	vlt.s32 v42, $0x80000;
	v3 =	vadd.f32 v7, v5;
	v5 =	vld [tilespmem:$0xDC0]  }
0x1c0: {  	[tilespmem:$0x1110] =	vst v11;
	vm7 =	vlt.s32 v46, $0x80000;
	v35 =	vadd.f32 v28, v0;
	v39 =	vsel vm6, v44, v45;
	v45 =	vld [tilespmem:$0x9F0]  }
0x1c1: {  	v41 =	vsel vm7, v18, v31;
	v42 =	vadd.f32 v23, v0;
	[tilespmem:$0x10D0] =	vst v59;
	v59 =	vsel vm12, v43, v57;
	v43 =	vld [tilespmem:$0x1F0]  }
0x1c2: {  	[tilespmem:$0x1140] =	vst v6;
	v2 =	vadd.f32 v37, v33;
	v44 =	vadd.f32 v17, v0;
	vm10 =	vlt.s32 v63, $0x80000;
	v63 =	vld [tilespmem:$0x1E0]  }
0x1c3: {  	[tilespmem:$0x1180] =	vst v14;
	v14 =	vadd.f32 v41, v39;
	v8 =	vadd.f32 v8, v59;
	vm8 =	vlt.s32 v55, $0x80000;
	v55 =	vld [tilespmem:$0x9D0]  }
0x1c4: {  	[tilespmem:$0x1160] =	vst v30;
	v3 =	vadd.f32 v3, v0;
	v2 =	vadd.f32 v2, v0;
	v1 =	vsel vm8, v56, v58;
	v56 =	vld [tilespmem:$0xBD0]  }
0x1c5: {  	[tilespmem:$0x1190] =	vst v16;
	v7 =	vsel vm10, v54, v49;
	vm10 =	vlt.s32 v53, $0x80000;
	vm13 =	vlt.s32 v36, $0x80000;
	v58 =	vld [tilespmem:$0x3D0]  }
0x1c6: {  	[tilespmem:$0x1170] =	vst v35;
	vm9 =	vlt.s32 v60, $0x80000;
	v7 =	vadd.f32 v26, v7;
	v60 =	vld [tilespmem:$0xDD0];
	vm8 =	vlt.s32 v47, $0x80000  }
0x1c7: {  	[tilespmem:$0x11A0] =	vst v42;
	v47 =	vadd.f32 v34, v0;
	v4 =	vsel vm9, v61, v62;
	v61 =	vld [tilespmem:$0xFD0];
	v62 =	vsel vm14, v19, v20  }
0x1c8: {  	[tilespmem:$0x11B0] =	vst v44;
	v46 =	vsel vm8, v50, v51;
	vm9 =	vlt.s32 v48, $0x80000;
	v50 =	vld [tilespmem:$0xBF0];
	v1 =	vadd.f32 v4, v1  }
0x1c9: {  	[tilespmem:$0x11D0] =	vst v3;
	v51 =	vld [tilespmem:$0x3F0];
	v29 =	vadd.f32 v22, v62;
	v5 =	vsel vm9, v5, v25;
	v7 =	vadd.f32 v7, v0  }
0x1ca: {  	v54 =	vld [tilespmem:$0xFF0];
	[tilespmem:$0x1220] =	vst v2;
	vm14 =	vlt.s32 v43, $0x80000;
	v5 =	vadd.f32 v5, v46;
	vm12 =	vlt.s32 v63, $0x80000  }
0x1cb: {  	[tilespmem:$0x11C0] =	vst v47;
	v1 =	vadd.f32 v1, v0;
	v57 =	vsel vm12, v24, v32;
	v6 =	vadd.f32 v29, v0  }
0x1cc: {  	[tilespmem:$0x11F0] =	vst v7;
	v4 =	vsel vm10, v55, v56;
	vm11 =	vlt.s32 v58, $0x80000;
	v56 =	vadd.f32 v8, v0  }
0x1cd: {  	v58 =	vsel vm13, v38, v40;
	v63 =	vadd.f32 v5, v0;
	v53 =	vsel vm11, v60, v61;
	[tilespmem:$0x11E0] =	vst v1  }
0x1ce: {  	[tilespmem:$0x1210] =	vst v6;
	v59 =	vsel vm14, v45, v50;
	vm15 =	vlt.s32 v51, $0x80000;
	v61 =	vadd.f32 v58, v57  }
0x1cf: {  	v60 =	vadd.f32 v14, v0;
	v55 =	vadd.f32 v53, v4;
	[tilespmem:$0x1200] =	vst v56;
	v62 =	vsel vm15, v52, v54  }
0x1d0: {  	[tilespmem:$0x1240] =	vst v63;
	v3 =	vadd.f32 v62, v59;
	v2 =	vadd.f32 v61, v0  }
0x1d1: {  	[tilespmem:$0x1230] =	vst v60;
	v1 =	vadd.f32 v55, v0  }
0x1d2: {  	v0 =	vadd.f32 v3, v0;
	[tilespmem:$0x1260] =	vst v2  }
0x1d3: {  	p0 =	sne.s32 s7, $0x1;
	[tilespmem:$0x1250] =	vst v1  }
.Ltmp0:
0x1d4: {  	s13 =	rddreg [dreg:$0x8];
	[tilespmem:$0x1270] =	vst v0;
	(pc) =	sbr.rel @p0 .LBB2_1-.Ltmp0, $4  }
0x1d5: {  	[hbm4b:s13+s1] =	stream.linear.scatter [tilespmem:s0], [sflag:$0x2], $0x200, $0x38;
	[tilespmem:$0x1280] =	vst v63  }
0x1d6: {  	_ =	swait.ge [sflag:s8], $0x200  }
0x1d7: {  	[sflag:s8] =	ssyncset.done $0x0  }
0x1d8: {  	s7 =	sadd.s32 $0xFFFFFFFF, s7;
	[sflag:s8] =	ssyncadd.s32 $0xFFFFFE00  }
0x1d9: {  	_ =	sfence.sel $0x180000  }
0x1da: {  	[bflag:$0x0] =	sbarrier.arrive $0xFFFF  }
0x1db: {  	_ =	strace $0x90000047  }
0x1dc: {  	s0 =	stileid.u32;
	[bflag:$0x2] =	sbarrier.arrive $0xFFFF  }
0x1dd: {  	p0 =	sne.s32 s0, $0x0;
	s0 =	rddreg [dreg:$0x4]  }
0x1de: {  	s0 =	sadd.s32 @!p0 $0x100000, s0  }
0x1df: {  	[sflag:s0] =	ssyncadd.tile.s32 @!p0 $0x1;
	_ =	shalt  }
.Lfunc_end2:
_tile_overlayer_lowered:
.L_overlay_start_2:
0x1e0: {  	(tag) =	ssettag $0x2  }
0x1e1: {  	s0 =	rddreg [dreg:$0x0];
	s2 =	stileid.u32  }
0x1e2: {  	s1 =	rddreg [dreg:$0x1];
	p0 =	sne.s32 s2, $0x0  }
0x1e3: {  	s3 =	rddreg [dreg:$0x2];
	[bflag:$0x3] =	sbarrier.arrive $0xFFFF;
	s2 =	simm.s32 @!p0 $0x1C02  }
0x1e4: {  	[timem:s3], [sflag:s2] =	dma.local @!p0 [hbm:s0], s1  }
0x1e5: {  	s0 =	simm.s32 @!p0 $0x2  }
0x1e6: {  	_ =	swait.ge @!p0 [sflag:s0], s1  }
0x1e7: {  	s1 =	ssub.s32 @!p0 $0x0, s1;
	[sflag:s0] =	ssyncset.done @!p0 $0x0  }
0x1e8: {  	[sflag:s0] =	ssyncadd.s32 @!p0 s1  }
0x1e9: {  	[bflag:$0x3] =	sbarrier.arrive $0xFFFF  }
0x1ea: {  	_ =	shalt  }

</sc_bundles>
